<compile_context>
chip_gen: v7x
topology: tpu7x:2x2x1
jax: 0.10.2.dev20260603
libtpu: 0.0.44.dev20260713+nightly
codegen_flags: <defaults>
</compile_context>

<pallas_src>
import functools

import jax
import jax.numpy as jnp
from jax import lax
from jax.experimental import pallas as pl
from jax.experimental.pallas import tpu as pltpu
from jax.experimental.pallas import tpu_sc as plsc

_K = 64
_B = 32
_N = 10000
_D = 128
_NPAD = 10240
_CHUNK = 128
_NCHUNK = _NPAD // _CHUNK
_MININT = -(2 ** 31)


def _mesh():
    return plsc.VectorSubcoreMesh(core_axis_name="c", subcore_axis_name="s")


def _wid(nc):
    return lax.axis_index("s") * nc + lax.axis_index("c")


def _s32(v):
    b = lax.bitcast_convert_type(v, jnp.int32)
    return jnp.where(b < 0, b ^ jnp.int32(0x7FFFFFFF), b)




@functools.lru_cache(maxsize=1)
def _make_keys_extract():
    info = plsc.get_sparse_core_info()
    nc = info.num_cores

    @functools.partial(
        pl.kernel,
        mesh=_mesh(),
        out_type=jax.ShapeDtypeStruct((_B, _NPAD), jnp.float32),
        scratch_types=[
            pltpu.VMEM((_NPAD,), jnp.int32),
            pltpu.VMEM((_NPAD,), jnp.float32),
            pltpu.SemaphoreType.DMA,
        ],
    )
    def keys_extract(xflat_hbm, idx_hbm, out_hbm, idx_v, keys_v, sem):
        b = _wid(nc)
        pltpu.sync_copy(idx_hbm.at[b], idx_v)

        def fire(c, carry):
            off = c * _CHUNK
            pltpu.async_copy(
                xflat_hbm.at[idx_v.at[pl.ds(off, _CHUNK)]],
                keys_v.at[pl.ds(off, _CHUNK)], sem)
            return carry

        lax.fori_loop(0, _NCHUNK, fire, 0)

        def drain(c, carry):
            off = c * _CHUNK
            pltpu.make_async_copy(
                xflat_hbm.at[idx_v.at[pl.ds(off, _CHUNK)]],
                keys_v.at[pl.ds(off, _CHUNK)], sem).wait()
            return carry

        lax.fori_loop(0, _NCHUNK, drain, 0)

        def tail(t, carry):
            keys_v[pl.ds(_N + t * 16, 16)] = jnp.full(
                (16,), -jnp.inf, jnp.float32)
            return carry

        lax.fori_loop(0, (_NPAD - _N) // 16, tail, 0)
        pltpu.sync_copy(keys_v, out_hbm.at[b])

    return keys_extract




def _thresh_body(keys_ref, out_ref, hint_ref):
    s = _s32(keys_ref[...])

    def step(j, t_u):
        bit = lax.shift_left(jnp.int32(1), 31 - j)
        try_u = t_u | bit
        ge = (s >= (try_u ^ jnp.int32(_MININT))).astype(jnp.int32)
        q = _NPAD // 4
        cnt = sum(jnp.sum(ge[:, i * q:(i + 1) * q], axis=1, keepdims=True)
                  for i in range(4))
        return jnp.where(cnt >= _K, try_u, t_u)

    t_u = lax.fori_loop(0, 32, step, jnp.zeros((_B, 1), jnp.int32))
    t_s = t_u ^ jnp.int32(_MININT)
    m_gt = s > t_s
    m_eq = s == t_s
    cnt_gt = jnp.sum(m_gt.astype(jnp.int32), axis=1, keepdims=True)
    lane = lax.broadcasted_iota(jnp.int32, (_B, 128), 1)
    out = jnp.where(lane == 0, t_s, jnp.int32(0))
    out = jnp.where(lane == 1, _K - cnt_gt, out)
    out_ref[...] = out
    lanemod = lax.broadcasted_iota(jnp.int32, (_B, _NPAD), 1) & 15
    c = jnp.where(m_gt, jnp.int32(1 << 16), jnp.int32(0)) + \
        jnp.where(m_eq, jnp.int32(1), jnp.int32(0))
    for d in (1, 2, 4, 8):
        shifted = jnp.concatenate(
            [jnp.zeros((_B, d), jnp.int32), c[:, :-d]], axis=1)
        c = c + jnp.where(lanemod >= d, shifted, jnp.int32(0))
    hint_ref[...] = c


def _threshold(keys):
    return pl.pallas_call(
        _thresh_body,
        out_shape=[
            jax.ShapeDtypeStruct((_B, 128), jnp.int32),
            jax.ShapeDtypeStruct((_B, _NPAD), jnp.int32),
        ],
    )(keys)




@functools.lru_cache(maxsize=1)
def _make_select_gather():
    info = plsc.get_sparse_core_info()
    nc = info.num_cores

    @functools.partial(
        pl.kernel,
        mesh=_mesh(),
        out_type=jax.ShapeDtypeStruct((_B, _K, _D), jnp.float32),
        scratch_types=[
            pltpu.VMEM((_NPAD,), jnp.float32),
            pltpu.VMEM((_NPAD,), jnp.int32),
            pltpu.VMEM((128,), jnp.int32),
            pltpu.VMEM((_K + 96,), jnp.int32),
            pltpu.VMEM((_K + 96,), jnp.int32),
            pltpu.VMEM((_K + 96,), jnp.int32),
            pltpu.VMEM((_K,), jnp.int32),
            pltpu.VMEM((_K, _D), jnp.float32),
            pltpu.SMEM((_K,), jnp.int32),
            pltpu.SMEM((4,), jnp.int32),
            pltpu.SemaphoreType.DMA,
        ],
    )
    def select_gather(keys_hbm, thr_hbm, hint_hbm, table_hbm,
                      out_hbm, keys_v, hint_v, thr_v, gts_v, gti_v,
                      eqi_v, ord_v, rows_v, ord_sm, cnt_sm, sem):
        b = _wid(nc)
        iota = lax.broadcasted_iota(jnp.int32, (16,), 0)
        cp_k = pltpu.async_copy(keys_hbm.at[b], keys_v, sem)
        cp_h = pltpu.async_copy(hint_hbm.at[b], hint_v, sem)
        cp_t = pltpu.async_copy(thr_hbm.at[b], thr_v, sem)
        cp_k.wait()
        cp_h.wait()
        cp_t.wait()
        tv = thr_v[pl.ds(0, 16)]
        t_s = tv[0]
        need_eq = tv[1]
        cnt_gt = _K - need_eq

        trash = _K + 80
        ones16 = jnp.full((16,), 1, jnp.int32)
        cnt_sm[0] = 0
        cnt_sm[1] = 0

        def scan(j, carry):
            hv = hint_v[pl.ds(j * 16, 16)]

            @pl.when(hv[15] > 0)
            def _():
                s = _s32(keys_v[pl.ds(j * 16, 16)])
                p = cnt_sm[0]
                q = cnt_sm[1]
                pgl = lax.shift_right_logical(hv, 16)
                pel = hv & jnp.int32(0xFFFF)
                m_gt = s > t_s
                dpos = p + pgl - 1
                epos = q + pel - 1
                dstv = jnp.where(m_gt, dpos, trash)
                edstv = jnp.where((s == t_s) & (epos < need_eq),
                                  epos, trash)
                for l in range(16):
                    il16 = ones16 * (j * 16 + l)
                    gts_v[pl.ds(dstv[l], 16)] = ones16 * s[l]
                    gti_v[pl.ds(dstv[l], 16)] = il16
                    eqi_v[pl.ds(edstv[l], 16)] = il16
                cnt_sm[0] = p + pgl[15]
                cnt_sm[1] = q + pel[15]

            return carry

        lax.fori_loop(0, _NPAD // 16, scan, 0)

        for v in range(_K // 16):
            gts_v[pl.ds(cnt_gt + v * 16, 16)] = ones16 * t_s
            gti_v[pl.ds(cnt_gt + v * 16, 16)] = eqi_v[pl.ds(v * 16, 16)]

        ranks = [jnp.zeros((16,), jnp.int32) for _ in range(_K // 16)]
        svecs = [gts_v[pl.ds(v * 16, 16)] for v in range(_K // 16)]
        ivecs = [gti_v[pl.ds(v * 16, 16)] for v in range(_K // 16)]

        def rank_step(j, rs):
            sj = gts_v[pl.ds(j, 16)][0]
            ij = gti_v[pl.ds(j, 16)][0]
            out = []
            for v in range(_K // 16):
                beat = (sj > svecs[v]) | ((sj == svecs[v]) & (ij < ivecs[v]))
                out.append(rs[v] + jnp.where(beat, 1, 0))
            return tuple(out)

        ranks = lax.fori_loop(0, _K, rank_step, tuple(ranks))

        for v in range(_K // 16):
            for l in range(16):
                ord_sm[ranks[v][l]] = ivecs[v][l]
        for v in range(_K // 16):
            vec = jnp.zeros((16,), jnp.int32)
            for l in range(16):
                vec = jnp.where(iota == l, ord_sm[v * 16 + l], vec)
            ord_v[pl.ds(v * 16, 16)] = b * _N + vec

        pltpu.async_copy(table_hbm.at[ord_v], rows_v, sem).wait()
        pltpu.sync_copy(rows_v, out_hbm.at[b])

    return select_gather


def kernel(x):
    xflat = x.reshape(_B * _N * _D)
    node = jnp.minimum(jax.lax.iota(jnp.int32, _NPAD), _N - 1)
    gidx = ((jax.lax.iota(jnp.int32, _B)[:, None] * _N + node[None, :])
            * _D + (_D - 1))
    keys = _make_keys_extract()(xflat, gidx)
    thr, hint = _threshold(keys)
    table = x.reshape(_B * _N, _D)
    out = _make_select_gather()(keys, thr, hint, table)
    return out.reshape(_B, _K * _D)

# --- scband reference (transcript-rebuilt; emitter-appended) ---
"""Pipeline reference for scband-sort-pool-44427141710060 (READ-ONLY COPY).

The authoritative reference and input builder live on the scoring server;
editing this copy changes nothing except your own understanding.
"""

import jax, jax.numpy as jnp
import numpy as np

K = 64

def setup_inputs(seed: int = 0) -> dict:
    key = jax.random.key(seed)
    x = jax.random.normal(key, (32, 10000, 128), dtype=jnp.float32)
    return {"x": x}

def reference(x):
    # fill_value = x.min().item() - 1  (detached scalar in torch)
    fill_value = jax.lax.stop_gradient(jnp.min(x)) - 1.0
    B, N, D = x.shape
    k = K
    # sort by last feature channel, descending (torch: sort(dim=-1, descending=True))
    perm = jnp.argsort(-x[:, :, -1], axis=-1)
    # gather rows per batch element (equivalent to the flattened index gather in torch)
    batch_x = jnp.take_along_axis(x, perm[:, :, None], axis=1)
    if N >= k:
        batch_x = batch_x[:, :k]
    else:
        pad = jnp.full((B, k - N, D), fill_value, dtype=x.dtype)
        batch_x = jnp.concatenate([batch_x, pad], axis=1)
    # zero out padding fill values (no-op when N >= k, but kept for faithfulness)
    batch_x = jnp.where(batch_x == fill_value, jnp.zeros((), dtype=x.dtype), batch_x)
    return batch_x.reshape(B, k * D)

if __name__ == "__main__":
    import jax
    _d = setup_inputs()
    print(jax.jit(kernel)(*tuple(_d.values())))

</pallas_src>

<mosaic_0001>
#map = affine_map<(d0, d1) -> (0, 0)>
#map1 = affine_map<(d0, d1) -> (0, 0, 0)>
module attributes {stable_mosaic.version = 14 : i64} {
  func.func @select_gather(%arg0: i32, %arg1: i32, %arg2: memref<32x10240xf32, #tpu.memory_space<hbm>>, %arg3: memref<32x128xi32, #tpu.memory_space<hbm>>, %arg4: memref<32x10240xi32, #tpu.memory_space<hbm>>, %arg5: memref<320000x128xf32, #tpu.memory_space<hbm>>, %arg6: memref<32x64x128xf32, #tpu.memory_space<hbm>>, %arg7: memref<10240xf32, #tpu.memory_space<vmem>>, %arg8: memref<10240xi32, #tpu.memory_space<vmem>>, %arg9: memref<128xi32, #tpu.memory_space<vmem>>, %arg10: memref<160xi32, #tpu.memory_space<vmem>>, %arg11: memref<160xi32, #tpu.memory_space<vmem>>, %arg12: memref<160xi32, #tpu.memory_space<vmem>>, %arg13: memref<64xi32, #tpu.memory_space<vmem>>, %arg14: memref<64x128xf32, #tpu.memory_space<vmem>>, %arg15: memref<64xi32, #tpu.memory_space<smem>>, %arg16: memref<4xi32, #tpu.memory_space<smem>>, %arg17: memref<!tpu.dma_semaphore, #tpu.memory_space<semaphore_mem>>) attributes {dimension_semantics = [#tpu.dimension_semantics<core_parallel>, #tpu.dimension_semantics<subcore_parallel>], iteration_bounds = array<i64: 2, 16>, scalar_prefetch = 0 : i64, scratch_operands = 11 : i64, tpu.core_type = #tpu.core_type<sc_vector_subcore>, window_params = [{transform_indices = #map}, {transform_indices = #map}, {transform_indices = #map}, {transform_indices = #map}, {transform_indices = #map1}]} {
    %mul3A = arith.constant 2 : i32
    %mul3A_0 = arith.muli %arg1, %mul3A : i32
    %add3A = arith.addi %mul3A_0, %arg0 : i32
    %iota3A = tpu.iota {dimensions = array<i32: 0>} : vector<16xi32>
    %dma_start3A = arith.constant 0 : i32
    %dma_start3A_1 = tpu.memref_slice %arg2[%add3A, %dma_start3A] : memref<32x10240xf32, #tpu.memory_space<hbm>> -> memref<1x10240xf32, #tpu.memory_space<hbm>>
    %dma_start3A_2 = tpu.memref_squeeze %dma_start3A_1 : memref<1x10240xf32, #tpu.memory_space<hbm>> -> memref<10240xf32, #tpu.memory_space<hbm>>
    %dma_start3A_3 = arith.constant 0 : i32
    %dma_start3A_4 = tpu.memref_slice %arg2[%add3A, %dma_start3A_3] : memref<32x10240xf32, #tpu.memory_space<hbm>> -> memref<1x10240xf32, #tpu.memory_space<hbm>>
    %dma_start3A_5 = tpu.memref_squeeze %dma_start3A_4 : memref<1x10240xf32, #tpu.memory_space<hbm>> -> memref<10240xf32, #tpu.memory_space<hbm>>
    tpu.enqueue_dma source(%dma_start3A_5 : memref<10240xf32, #tpu.memory_space<hbm>>) target(%arg7 : memref<10240xf32, #tpu.memory_space<vmem>>) target_semaphore(%arg17 : memref<!tpu.dma_semaphore, #tpu.memory_space<semaphore_mem>>)
    %dma_start3A_6 = arith.constant 0 : i32
    %dma_start3A_7 = tpu.memref_slice %arg4[%add3A, %dma_start3A_6] : memref<32x10240xi32, #tpu.memory_space<hbm>> -> memref<1x10240xi32, #tpu.memory_space<hbm>>
    %dma_start3A_8 = tpu.memref_squeeze %dma_start3A_7 : memref<1x10240xi32, #tpu.memory_space<hbm>> -> memref<10240xi32, #tpu.memory_space<hbm>>
    %dma_start3A_9 = arith.constant 0 : i32
    %dma_start3A_10 = tpu.memref_slice %arg4[%add3A, %dma_start3A_9] : memref<32x10240xi32, #tpu.memory_space<hbm>> -> memref<1x10240xi32, #tpu.memory_space<hbm>>
    %dma_start3A_11 = tpu.memref_squeeze %dma_start3A_10 : memref<1x10240xi32, #tpu.memory_space<hbm>> -> memref<10240xi32, #tpu.memory_space<hbm>>
    tpu.enqueue_dma source(%dma_start3A_11 : memref<10240xi32, #tpu.memory_space<hbm>>) target(%arg8 : memref<10240xi32, #tpu.memory_space<vmem>>) target_semaphore(%arg17 : memref<!tpu.dma_semaphore, #tpu.memory_space<semaphore_mem>>)
    %dma_start3A_12 = arith.constant 0 : i32
    %dma_start3A_13 = tpu.memref_slice %arg3[%add3A, %dma_start3A_12] : memref<32x128xi32, #tpu.memory_space<hbm>> -> memref<1x128xi32, #tpu.memory_space<hbm>>
    %dma_start3A_14 = tpu.memref_squeeze %dma_start3A_13 : memref<1x128xi32, #tpu.memory_space<hbm>> -> memref<128xi32, #tpu.memory_space<hbm>>
    %dma_start3A_15 = arith.constant 0 : i32
    %dma_start3A_16 = tpu.memref_slice %arg3[%add3A, %dma_start3A_15] : memref<32x128xi32, #tpu.memory_space<hbm>> -> memref<1x128xi32, #tpu.memory_space<hbm>>
    %dma_start3A_17 = tpu.memref_squeeze %dma_start3A_16 : memref<1x128xi32, #tpu.memory_space<hbm>> -> memref<128xi32, #tpu.memory_space<hbm>>
    tpu.enqueue_dma source(%dma_start3A_17 : memref<128xi32, #tpu.memory_space<hbm>>) target(%arg9 : memref<128xi32, #tpu.memory_space<vmem>>) target_semaphore(%arg17 : memref<!tpu.dma_semaphore, #tpu.memory_space<semaphore_mem>>)
    %dma_wait3A = arith.constant 0 : i32
    %dma_wait3A_18 = tpu.memref_slice %arg2[%add3A, %dma_wait3A] : memref<32x10240xf32, #tpu.memory_space<hbm>> -> memref<1x10240xf32, #tpu.memory_space<hbm>>
    %dma_wait3A_19 = tpu.memref_squeeze %dma_wait3A_18 : memref<1x10240xf32, #tpu.memory_space<hbm>> -> memref<10240xf32, #tpu.memory_space<hbm>>
    %dma_wait3A_20 = arith.constant 0 : i32
    %dma_wait3A_21 = tpu.memref_slice %arg2[%add3A, %dma_wait3A_20] : memref<32x10240xf32, #tpu.memory_space<hbm>> -> memref<1x10240xf32, #tpu.memory_space<hbm>>
    %dma_wait3A_22 = tpu.memref_squeeze %dma_wait3A_21 : memref<1x10240xf32, #tpu.memory_space<hbm>> -> memref<10240xf32, #tpu.memory_space<hbm>>
    tpu.wait_dma2 semaphore(%arg17 : memref<!tpu.dma_semaphore, #tpu.memory_space<semaphore_mem>>) src(%dma_wait3A_22 : memref<10240xf32, #tpu.memory_space<hbm>>) dst(%arg7 : memref<10240xf32, #tpu.memory_space<vmem>>)
    %dma_wait3A_23 = arith.constant 0 : i32
    %dma_wait3A_24 = tpu.memref_slice %arg4[%add3A, %dma_wait3A_23] : memref<32x10240xi32, #tpu.memory_space<hbm>> -> memref<1x10240xi32, #tpu.memory_space<hbm>>
    %dma_wait3A_25 = tpu.memref_squeeze %dma_wait3A_24 : memref<1x10240xi32, #tpu.memory_space<hbm>> -> memref<10240xi32, #tpu.memory_space<hbm>>
    %dma_wait3A_26 = arith.constant 0 : i32
    %dma_wait3A_27 = tpu.memref_slice %arg4[%add3A, %dma_wait3A_26] : memref<32x10240xi32, #tpu.memory_space<hbm>> -> memref<1x10240xi32, #tpu.memory_space<hbm>>
    %dma_wait3A_28 = tpu.memref_squeeze %dma_wait3A_27 : memref<1x10240xi32, #tpu.memory_space<hbm>> -> memref<10240xi32, #tpu.memory_space<hbm>>
    tpu.wait_dma2 semaphore(%arg17 : memref<!tpu.dma_semaphore, #tpu.memory_space<semaphore_mem>>) src(%dma_wait3A_28 : memref<10240xi32, #tpu.memory_space<hbm>>) dst(%arg8 : memref<10240xi32, #tpu.memory_space<vmem>>)
    %dma_wait3A_29 = arith.constant 0 : i32
    %dma_wait3A_30 = tpu.memref_slice %arg3[%add3A, %dma_wait3A_29] : memref<32x128xi32, #tpu.memory_space<hbm>> -> memref<1x128xi32, #tpu.memory_space<hbm>>
    %dma_wait3A_31 = tpu.memref_squeeze %dma_wait3A_30 : memref<1x128xi32, #tpu.memory_space<hbm>> -> memref<128xi32, #tpu.memory_space<hbm>>
    %dma_wait3A_32 = arith.constant 0 : i32
    %dma_wait3A_33 = tpu.memref_slice %arg3[%add3A, %dma_wait3A_32] : memref<32x128xi32, #tpu.memory_space<hbm>> -> memref<1x128xi32, #tpu.memory_space<hbm>>
    %dma_wait3A_34 = tpu.memref_squeeze %dma_wait3A_33 : memref<1x128xi32, #tpu.memory_space<hbm>> -> memref<128xi32, #tpu.memory_space<hbm>>
    tpu.wait_dma2 semaphore(%arg17 : memref<!tpu.dma_semaphore, #tpu.memory_space<semaphore_mem>>) src(%dma_wait3A_34 : memref<128xi32, #tpu.memory_space<hbm>>) dst(%arg9 : memref<128xi32, #tpu.memory_space<vmem>>)
    %get3A = arith.constant 0 : index
    %get3A_35 = tpu.vector_load %arg9[%get3A] {strides = array<i32>} : memref<128xi32, #tpu.memory_space<vmem>>, vector<16xi32>,
    %get3A_36 = vector.shape_cast %get3A_35 : vector<16xi32> to vector<16xi32>
    %slice3A = vector.extract_strided_slice %get3A_36 {offsets = [0], sizes = [1], strides = [1]} : vector<16xi32> to vector<1xi32>
    %squeeze3A = vector.extract %slice3A[0] : i32 from vector<1xi32>
    %slice3A_37 = vector.extract_strided_slice %get3A_36 {offsets = [1], sizes = [1], strides = [1]} : vector<16xi32> to vector<1xi32>
    %squeeze3A_38 = vector.extract %slice3A_37[0] : i32 from vector<1xi32>
    %sub3A = arith.constant 64 : i32
    %sub3A_39 = arith.subi %sub3A, %squeeze3A_38 : i32
    %broadcast_in_dim3A = arith.constant 1 : i32
    %broadcast_in_dim3A_40 = vector.broadcast %broadcast_in_dim3A : i32 to vector<16xi32>
    %swap3A = arith.constant 0 : i32
    %swap3A_41 = arith.constant 0 : i32
    %swap3A_42 = arith.index_cast %swap3A_41 : i32 to index
    %swap3A_43 = memref.load %arg16[%swap3A_42] : memref<4xi32, #tpu.memory_space<smem>>
    memref.store %swap3A, %arg16[%swap3A_42] : memref<4xi32, #tpu.memory_space<smem>>
    %swap3A_44 = arith.constant 0 : i32
    %swap3A_45 = arith.constant 1 : i32
    %swap3A_46 = arith.index_cast %swap3A_45 : i32 to index
    %swap3A_47 = memref.load %arg16[%swap3A_46] : memref<4xi32, #tpu.memory_space<smem>>
    memref.store %swap3A_44, %arg16[%swap3A_46] : memref<4xi32, #tpu.memory_space<smem>>
    %scan3A = arith.constant 0 : i32
    %scan3A_48 = arith.constant 0 : i32
    %scan3A_49 = arith.constant 640 : i32
    %scan3A_50 = arith.addi %scan3A_48, %scan3A_49 : i32
    %scan3A_51 = arith.constant 1 : i32
    scf.for %scan3A_1099 = %scan3A_48 to %scan3A_50 step %scan3A_51  : i32 {
      %mul3A_1100 = arith.constant 16 : i32
      %mul3A_1101 = arith.muli %scan3A_1099, %mul3A_1100 : i32
      %get3A_1102 = arith.index_cast %mul3A_1101 : i32 to index
      %get3A_1103 = tpu.vector_load %arg8[%get3A_1102] {strides = array<i32>} : memref<10240xi32, #tpu.memory_space<vmem>>, vector<16xi32>,
      %get3A_1104 = vector.shape_cast %get3A_1103 : vector<16xi32> to vector<16xi32>
      %slice3A_1105 = vector.extract_strided_slice %get3A_1104 {offsets = [15], sizes = [1], strides = [1]} : vector<16xi32> to vector<1xi32>
      %squeeze3A_1106 = vector.extract %slice3A_1105[0] : i32 from vector<1xi32>
      %gt3A = arith.constant 0 : i32
      %gt3A_1107 = arith.cmpi sgt, %squeeze3A_1106, %gt3A : i32
      %convert_element_type3A = arith.extui %gt3A_1107 : i1 to i32
      %cond3A = arith.constant 0 : i32
      %cond3A_1108 = arith.cmpi ne, %convert_element_type3A, %cond3A : i32
      scf.if %cond3A_1108 {
        %mul3A_1109 = arith.constant 16 : i32
        %mul3A_1110 = arith.muli %scan3A_1099, %mul3A_1109 : i32
        %get3A_1111 = arith.index_cast %mul3A_1110 : i32 to index
        %get3A_1112 = tpu.vector_load %arg7[%get3A_1111] {strides = array<i32>} : memref<10240xf32, #tpu.memory_space<vmem>>, vector<16xf32>,
        %get3A_1113 = vector.shape_cast %get3A_1112 : vector<16xf32> to vector<16xf32>
        %bitcast_convert_type3A = tpu.bitcast %get3A_1113 : vector<16xf32> -> vector<16xi32>
        %lt3A = arith.constant 0 : i32
        %lt3A_1114 = vector.broadcast %lt3A : i32 to vector<16xi32>
        %lt3A_1115 = arith.cmpi slt, %bitcast_convert_type3A, %lt3A_1114 : vector<16xi32>
        %xor3A = arith.constant 2147483647 : i32
        %xor3A_1116 = vector.broadcast %xor3A : i32 to vector<16xi32>
        %xor3A_1117 = arith.xori %bitcast_convert_type3A, %xor3A_1116 : vector<16xi32>
        %select_n3A_1118 = arith.select %lt3A_1115, %xor3A_1117, %bitcast_convert_type3A : vector<16xi1>, vector<16xi32>
        %get3A_1119 = arith.constant 0 : i32
        %get3A_1120 = arith.index_cast %get3A_1119 : i32 to index
        %get3A_1121 = memref.load %arg16[%get3A_1120] : memref<4xi32, #tpu.memory_space<smem>>
        %get3A_1122 = arith.constant 1 : i32
        %get3A_1123 = arith.index_cast %get3A_1122 : i32 to index
        %get3A_1124 = memref.load %arg16[%get3A_1123] : memref<4xi32, #tpu.memory_space<smem>>
        %shift_right_logical3A = arith.constant 16 : i32
        %shift_right_logical3A_1125 = vector.broadcast %shift_right_logical3A : i32 to vector<16xi32>
        %shift_right_logical3A_1126 = arith.shrui %get3A_1104, %shift_right_logical3A_1125 : vector<16xi32>
        %and3A = arith.constant 65535 : i32
        %and3A_1127 = vector.broadcast %and3A : i32 to vector<16xi32>
        %and3A_1128 = arith.andi %get3A_1104, %and3A_1127 : vector<16xi32>
        %gt3A_1129 = vector.broadcast %squeeze3A : i32 to vector<16xi32>
        %gt3A_1130 = arith.cmpi sgt, %select_n3A_1118, %gt3A_1129 : vector<16xi32>
        %add3A_1131 = vector.broadcast %get3A_1121 : i32 to vector<16xi32>
        %add3A_1132 = arith.addi %add3A_1131, %shift_right_logical3A_1126 : vector<16xi32>
        %sub3A_1133 = arith.constant 1 : i32
        %sub3A_1134 = vector.broadcast %sub3A_1133 : i32 to vector<16xi32>
        %sub3A_1135 = arith.subi %add3A_1132, %sub3A_1134 : vector<16xi32>
        %add3A_1136 = vector.broadcast %get3A_1124 : i32 to vector<16xi32>
        %add3A_1137 = arith.addi %add3A_1136, %and3A_1128 : vector<16xi32>
        %sub3A_1138 = arith.constant 1 : i32
        %sub3A_1139 = vector.broadcast %sub3A_1138 : i32 to vector<16xi32>
        %sub3A_1140 = arith.subi %add3A_1137, %sub3A_1139 : vector<16xi32>
        %jit3A = arith.constant 144 : i32
        %broadcast_in_dim3A_1141 = vector.broadcast %jit3A : i32 to vector<16xi32>
        %select_n3A_1142 = arith.select %gt3A_1130, %sub3A_1135, %broadcast_in_dim3A_1141 : vector<16xi1>, vector<16xi32>
        %eq3A_1143 = vector.broadcast %squeeze3A : i32 to vector<16xi32>
        %eq3A_1144 = arith.cmpi eq, %select_n3A_1118, %eq3A_1143 : vector<16xi32>
        %lt3A_1145 = vector.broadcast %squeeze3A_38 : i32 to vector<16xi32>
        %lt3A_1146 = arith.cmpi slt, %sub3A_1140, %lt3A_1145 : vector<16xi32>
        %and3A_1147 = arith.andi %eq3A_1144, %lt3A_1146 : vector<16xi1>
        %jit3A_1148 = arith.constant 144 : i32
        %broadcast_in_dim3A_1149 = vector.broadcast %jit3A_1148 : i32 to vector<16xi32>
        %select_n3A_1150 = arith.select %and3A_1147, %sub3A_1140, %broadcast_in_dim3A_1149 : vector<16xi1>, vector<16xi32>
        %mul3A_1151 = arith.constant 16 : i32
        %mul3A_1152 = arith.muli %scan3A_1099, %mul3A_1151 : i32
        %add3A_1153 = arith.constant 0 : i32
        %add3A_1154 = arith.addi %mul3A_1152, %add3A_1153 : i32
        %mul3A_1155 = vector.broadcast %add3A_1154 : i32 to vector<16xi32>
        %mul3A_1156 = arith.muli %broadcast_in_dim3A_40, %mul3A_1155 : vector<16xi32>
        %slice3A_1157 = vector.extract_strided_slice %select_n3A_1118 {offsets = [0], sizes = [1], strides = [1]} : vector<16xi32> to vector<1xi32>
        %squeeze3A_1158 = vector.extract %slice3A_1157[0] : i32 from vector<1xi32>
        %mul3A_1159 = vector.broadcast %squeeze3A_1158 : i32 to vector<16xi32>
        %mul3A_1160 = arith.muli %broadcast_in_dim3A_40, %mul3A_1159 : vector<16xi32>
        %slice3A_1161 = vector.extract_strided_slice %select_n3A_1142 {offsets = [0], sizes = [1], strides = [1]} : vector<16xi32> to vector<1xi32>
        %squeeze3A_1162 = vector.extract %slice3A_1161[0] : i32 from vector<1xi32>
        %swap3A_1163 = arith.index_cast %squeeze3A_1162 : i32 to index
        %swap3A_1164 = tpu.vector_load %arg10[%swap3A_1163] {strides = array<i32>} : memref<160xi32, #tpu.memory_space<vmem>>, vector<16xi32>,
        %swap3A_1165 = vector.shape_cast %swap3A_1164 : vector<16xi32> to vector<16xi32>
        %swap3A_1166 = vector.shape_cast %mul3A_1160 : vector<16xi32> to vector<16xi32>
        tpu.vector_store %arg10[%swap3A_1163], %swap3A_1166 {strides = array<i32>} : memref<160xi32, #tpu.memory_space<vmem>>, vector<16xi32>,
        %slice3A_1167 = vector.extract_strided_slice %select_n3A_1142 {offsets = [0], sizes = [1], strides = [1]} : vector<16xi32> to vector<1xi32>
        %squeeze3A_1168 = vector.extract %slice3A_1167[0] : i32 from vector<1xi32>
        %swap3A_1169 = arith.index_cast %squeeze3A_1168 : i32 to index
        %swap3A_1170 = tpu.vector_load %arg11[%swap3A_1169] {strides = array<i32>} : memref<160xi32, #tpu.memory_space<vmem>>, vector<16xi32>,
        %swap3A_1171 = vector.shape_cast %swap3A_1170 : vector<16xi32> to vector<16xi32>
        %swap3A_1172 = vector.shape_cast %mul3A_1156 : vector<16xi32> to vector<16xi32>
        tpu.vector_store %arg11[%swap3A_1169], %swap3A_1172 {strides = array<i32>} : memref<160xi32, #tpu.memory_space<vmem>>, vector<16xi32>,
        %slice3A_1173 = vector.extract_strided_slice %select_n3A_1150 {offsets = [0], sizes = [1], strides = [1]} : vector<16xi32> to vector<1xi32>
        %squeeze3A_1174 = vector.extract %slice3A_1173[0] : i32 from vector<1xi32>
        %swap3A_1175 = arith.index_cast %squeeze3A_1174 : i32 to index
        %swap3A_1176 = tpu.vector_load %arg12[%swap3A_1175] {strides = array<i32>} : memref<160xi32, #tpu.memory_space<vmem>>, vector<16xi32>,
        %swap3A_1177 = vector.shape_cast %swap3A_1176 : vector<16xi32> to vector<16xi32>
        %swap3A_1178 = vector.shape_cast %mul3A_1156 : vector<16xi32> to vector<16xi32>
        tpu.vector_store %arg12[%swap3A_1175], %swap3A_1178 {strides = array<i32>} : memref<160xi32, #tpu.memory_space<vmem>>, vector<16xi32>,
        %mul3A_1179 = arith.constant 16 : i32
        %mul3A_1180 = arith.muli %scan3A_1099, %mul3A_1179 : i32
        %add3A_1181 = arith.constant 1 : i32
        %add3A_1182 = arith.addi %mul3A_1180, %add3A_1181 : i32
        %mul3A_1183 = vector.broadcast %add3A_1182 : i32 to vector<16xi32>
        %mul3A_1184 = arith.muli %broadcast_in_dim3A_40, %mul3A_1183 : vector<16xi32>
        %slice3A_1185 = vector.extract_strided_slice %select_n3A_1118 {offsets = [1], sizes = [1], strides = [1]} : vector<16xi32> to vector<1xi32>
        %squeeze3A_1186 = vector.extract %slice3A_1185[0] : i32 from vector<1xi32>
        %mul3A_1187 = vector.broadcast %squeeze3A_1186 : i32 to vector<16xi32>
        %mul3A_1188 = arith.muli %broadcast_in_dim3A_40, %mul3A_1187 : vector<16xi32>
        %slice3A_1189 = vector.extract_strided_slice %select_n3A_1142 {offsets = [1], sizes = [1], strides = [1]} : vector<16xi32> to vector<1xi32>
        %squeeze3A_1190 = vector.extract %slice3A_1189[0] : i32 from vector<1xi32>
        %swap3A_1191 = arith.index_cast %squeeze3A_1190 : i32 to index
        %swap3A_1192 = tpu.vector_load %arg10[%swap3A_1191] {strides = array<i32>} : memref<160xi32, #tpu.memory_space<vmem>>, vector<16xi32>,
        %swap3A_1193 = vector.shape_cast %swap3A_1192 : vector<16xi32> to vector<16xi32>
        %swap3A_1194 = vector.shape_cast %mul3A_1188 : vector<16xi32> to vector<16xi32>
        tpu.vector_store %arg10[%swap3A_1191], %swap3A_1194 {strides = array<i32>} : memref<160xi32, #tpu.memory_space<vmem>>, vector<16xi32>,
        %slice3A_1195 = vector.extract_strided_slice %select_n3A_1142 {offsets = [1], sizes = [1], strides = [1]} : vector<16xi32> to vector<1xi32>
        %squeeze3A_1196 = vector.extract %slice3A_1195[0] : i32 from vector<1xi32>
        %swap3A_1197 = arith.index_cast %squeeze3A_1196 : i32 to index
        %swap3A_1198 = tpu.vector_load %arg11[%swap3A_1197] {strides = array<i32>} : memref<160xi32, #tpu.memory_space<vmem>>, vector<16xi32>,
        %swap3A_1199 = vector.shape_cast %swap3A_1198 : vector<16xi32> to vector<16xi32>
        %swap3A_1200 = vector.shape_cast %mul3A_1184 : vector<16xi32> to vector<16xi32>
        tpu.vector_store %arg11[%swap3A_1197], %swap3A_1200 {strides = array<i32>} : memref<160xi32, #tpu.memory_space<vmem>>, vector<16xi32>,
        %slice3A_1201 = vector.extract_strided_slice %select_n3A_1150 {offsets = [1], sizes = [1], strides = [1]} : vector<16xi32> to vector<1xi32>
        %squeeze3A_1202 = vector.extract %slice3A_1201[0] : i32 from vector<1xi32>
        %swap3A_1203 = arith.index_cast %squeeze3A_1202 : i32 to index
        %swap3A_1204 = tpu.vector_load %arg12[%swap3A_1203] {strides = array<i32>} : memref<160xi32, #tpu.memory_space<vmem>>, vector<16xi32>,
        %swap3A_1205 = vector.shape_cast %swap3A_1204 : vector<16xi32> to vector<16xi32>
        %swap3A_1206 = vector.shape_cast %mul3A_1184 : vector<16xi32> to vector<16xi32>
        tpu.vector_store %arg12[%swap3A_1203], %swap3A_1206 {strides = array<i32>} : memref<160xi32, #tpu.memory_space<vmem>>, vector<16xi32>,
        %mul3A_1207 = arith.constant 16 : i32
        %mul3A_1208 = arith.muli %scan3A_1099, %mul3A_1207 : i32
        %add3A_1209 = arith.constant 2 : i32
        %add3A_1210 = arith.addi %mul3A_1208, %add3A_1209 : i32
        %mul3A_1211 = vector.broadcast %add3A_1210 : i32 to vector<16xi32>
        %mul3A_1212 = arith.muli %broadcast_in_dim3A_40, %mul3A_1211 : vector<16xi32>
        %slice3A_1213 = vector.extract_strided_slice %select_n3A_1118 {offsets = [2], sizes = [1], strides = [1]} : vector<16xi32> to vector<1xi32>
        %squeeze3A_1214 = vector.extract %slice3A_1213[0] : i32 from vector<1xi32>
        %mul3A_1215 = vector.broadcast %squeeze3A_1214 : i32 to vector<16xi32>
        %mul3A_1216 = arith.muli %broadcast_in_dim3A_40, %mul3A_1215 : vector<16xi32>
        %slice3A_1217 = vector.extract_strided_slice %select_n3A_1142 {offsets = [2], sizes = [1], strides = [1]} : vector<16xi32> to vector<1xi32>
        %squeeze3A_1218 = vector.extract %slice3A_1217[0] : i32 from vector<1xi32>
        %swap3A_1219 = arith.index_cast %squeeze3A_1218 : i32 to index
        %swap3A_1220 = tpu.vector_load %arg10[%swap3A_1219] {strides = array<i32>} : memref<160xi32, #tpu.memory_space<vmem>>, vector<16xi32>,
        %swap3A_1221 = vector.shape_cast %swap3A_1220 : vector<16xi32> to vector<16xi32>
        %swap3A_1222 = vector.shape_cast %mul3A_1216 : vector<16xi32> to vector<16xi32>
        tpu.vector_store %arg10[%swap3A_1219], %swap3A_1222 {strides = array<i32>} : memref<160xi32, #tpu.memory_space<vmem>>, vector<16xi32>,
        %slice3A_1223 = vector.extract_strided_slice %select_n3A_1142 {offsets = [2], sizes = [1], strides = [1]} : vector<16xi32> to vector<1xi32>
        %squeeze3A_1224 = vector.extract %slice3A_1223[0] : i32 from vector<1xi32>
        %swap3A_1225 = arith.index_cast %squeeze3A_1224 : i32 to index
        %swap3A_1226 = tpu.vector_load %arg11[%swap3A_1225] {strides = array<i32>} : memref<160xi32, #tpu.memory_space<vmem>>, vector<16xi32>,
        %swap3A_1227 = vector.shape_cast %swap3A_1226 : vector<16xi32> to vector<16xi32>
        %swap3A_1228 = vector.shape_cast %mul3A_1212 : vector<16xi32> to vector<16xi32>
        tpu.vector_store %arg11[%swap3A_1225], %swap3A_1228 {strides = array<i32>} : memref<160xi32, #tpu.memory_space<vmem>>, vector<16xi32>,
        %slice3A_1229 = vector.extract_strided_slice %select_n3A_1150 {offsets = [2], sizes = [1], strides = [1]} : vector<16xi32> to vector<1xi32>
        %squeeze3A_1230 = vector.extract %slice3A_1229[0] : i32 from vector<1xi32>
        %swap3A_1231 = arith.index_cast %squeeze3A_1230 : i32 to index
        %swap3A_1232 = tpu.vector_load %arg12[%swap3A_1231] {strides = array<i32>} : memref<160xi32, #tpu.memory_space<vmem>>, vector<16xi32>,
        %swap3A_1233 = vector.shape_cast %swap3A_1232 : vector<16xi32> to vector<16xi32>
        %swap3A_1234 = vector.shape_cast %mul3A_1212 : vector<16xi32> to vector<16xi32>
        tpu.vector_store %arg12[%swap3A_1231], %swap3A_1234 {strides = array<i32>} : memref<160xi32, #tpu.memory_space<vmem>>, vector<16xi32>,
        %mul3A_1235 = arith.constant 16 : i32
        %mul3A_1236 = arith.muli %scan3A_1099, %mul3A_1235 : i32
        %add3A_1237 = arith.constant 3 : i32
        %add3A_1238 = arith.addi %mul3A_1236, %add3A_1237 : i32
        %mul3A_1239 = vector.broadcast %add3A_1238 : i32 to vector<16xi32>
        %mul3A_1240 = arith.muli %broadcast_in_dim3A_40, %mul3A_1239 : vector<16xi32>
        %slice3A_1241 = vector.extract_strided_slice %select_n3A_1118 {offsets = [3], sizes = [1], strides = [1]} : vector<16xi32> to vector<1xi32>
        %squeeze3A_1242 = vector.extract %slice3A_1241[0] : i32 from vector<1xi32>
        %mul3A_1243 = vector.broadcast %squeeze3A_1242 : i32 to vector<16xi32>
        %mul3A_1244 = arith.muli %broadcast_in_dim3A_40, %mul3A_1243 : vector<16xi32>
        %slice3A_1245 = vector.extract_strided_slice %select_n3A_1142 {offsets = [3], sizes = [1], strides = [1]} : vector<16xi32> to vector<1xi32>
        %squeeze3A_1246 = vector.extract %slice3A_1245[0] : i32 from vector<1xi32>
        %swap3A_1247 = arith.index_cast %squeeze3A_1246 : i32 to index
        %swap3A_1248 = tpu.vector_load %arg10[%swap3A_1247] {strides = array<i32>} : memref<160xi32, #tpu.memory_space<vmem>>, vector<16xi32>,
        %swap3A_1249 = vector.shape_cast %swap3A_1248 : vector<16xi32> to vector<16xi32>
        %swap3A_1250 = vector.shape_cast %mul3A_1244 : vector<16xi32> to vector<16xi32>
        tpu.vector_store %arg10[%swap3A_1247], %swap3A_1250 {strides = array<i32>} : memref<160xi32, #tpu.memory_space<vmem>>, vector<16xi32>,
        %slice3A_1251 = vector.extract_strided_slice %select_n3A_1142 {offsets = [3], sizes = [1], strides = [1]} : vector<16xi32> to vector<1xi32>
        %squeeze3A_1252 = vector.extract %slice3A_1251[0] : i32 from vector<1xi32>
        %swap3A_1253 = arith.index_cast %squeeze3A_1252 : i32 to index
        %swap3A_1254 = tpu.vector_load %arg11[%swap3A_1253] {strides = array<i32>} : memref<160xi32, #tpu.memory_space<vmem>>, vector<16xi32>,
        %swap3A_1255 = vector.shape_cast %swap3A_1254 : vector<16xi32> to vector<16xi32>
        %swap3A_1256 = vector.shape_cast %mul3A_1240 : vector<16xi32> to vector<16xi32>
        tpu.vector_store %arg11[%swap3A_1253], %swap3A_1256 {strides = array<i32>} : memref<160xi32, #tpu.memory_space<vmem>>, vector<16xi32>,
        %slice3A_1257 = vector.extract_strided_slice %select_n3A_1150 {offsets = [3], sizes = [1], strides = [1]} : vector<16xi32> to vector<1xi32>
        %squeeze3A_1258 = vector.extract %slice3A_1257[0] : i32 from vector<1xi32>
        %swap3A_1259 = arith.index_cast %squeeze3A_1258 : i32 to index
        %swap3A_1260 = tpu.vector_load %arg12[%swap3A_1259] {strides = array<i32>} : memref<160xi32, #tpu.memory_space<vmem>>, vector<16xi32>,
        %swap3A_1261 = vector.shape_cast %swap3A_1260 : vector<16xi32> to vector<16xi32>
        %swap3A_1262 = vector.shape_cast %mul3A_1240 : vector<16xi32> to vector<16xi32>
        tpu.vector_store %arg12[%swap3A_1259], %swap3A_1262 {strides = array<i32>} : memref<160xi32, #tpu.memory_space<vmem>>, vector<16xi32>,
        %mul3A_1263 = arith.constant 16 : i32
        %mul3A_1264 = arith.muli %scan3A_1099, %mul3A_1263 : i32
        %add3A_1265 = arith.constant 4 : i32
        %add3A_1266 = arith.addi %mul3A_1264, %add3A_1265 : i32
        %mul3A_1267 = vector.broadcast %add3A_1266 : i32 to vector<16xi32>
        %mul3A_1268 = arith.muli %broadcast_in_dim3A_40, %mul3A_1267 : vector<16xi32>
        %slice3A_1269 = vector.extract_strided_slice %select_n3A_1118 {offsets = [4], sizes = [1], strides = [1]} : vector<16xi32> to vector<1xi32>
        %squeeze3A_1270 = vector.extract %slice3A_1269[0] : i32 from vector<1xi32>
        %mul3A_1271 = vector.broadcast %squeeze3A_1270 : i32 to vector<16xi32>
        %mul3A_1272 = arith.muli %broadcast_in_dim3A_40, %mul3A_1271 : vector<16xi32>
        %slice3A_1273 = vector.extract_strided_slice %select_n3A_1142 {offsets = [4], sizes = [1], strides = [1]} : vector<16xi32> to vector<1xi32>
        %squeeze3A_1274 = vector.extract %slice3A_1273[0] : i32 from vector<1xi32>
        %swap3A_1275 = arith.index_cast %squeeze3A_1274 : i32 to index
        %swap3A_1276 = tpu.vector_load %arg10[%swap3A_1275] {strides = array<i32>} : memref<160xi32, #tpu.memory_space<vmem>>, vector<16xi32>,
        %swap3A_1277 = vector.shape_cast %swap3A_1276 : vector<16xi32> to vector<16xi32>
        %swap3A_1278 = vector.shape_cast %mul3A_1272 : vector<16xi32> to vector<16xi32>
        tpu.vector_store %arg10[%swap3A_1275], %swap3A_1278 {strides = array<i32>} : memref<160xi32, #tpu.memory_space<vmem>>, vector<16xi32>,
        %slice3A_1279 = vector.extract_strided_slice %select_n3A_1142 {offsets = [4], sizes = [1], strides = [1]} : vector<16xi32> to vector<1xi32>
        %squeeze3A_1280 = vector.extract %slice3A_1279[0] : i32 from vector<1xi32>
        %swap3A_1281 = arith.index_cast %squeeze3A_1280 : i32 to index
        %swap3A_1282 = tpu.vector_load %arg11[%swap3A_1281] {strides = array<i32>} : memref<160xi32, #tpu.memory_space<vmem>>, vector<16xi32>,
        %swap3A_1283 = vector.shape_cast %swap3A_1282 : vector<16xi32> to vector<16xi32>
        %swap3A_1284 = vector.shape_cast %mul3A_1268 : vector<16xi32> to vector<16xi32>
        tpu.vector_store %arg11[%swap3A_1281], %swap3A_1284 {strides = array<i32>} : memref<160xi32, #tpu.memory_space<vmem>>, vector<16xi32>,
        %slice3A_1285 = vector.extract_strided_slice %select_n3A_1150 {offsets = [4], sizes = [1], strides = [1]} : vector<16xi32> to vector<1xi32>
        %squeeze3A_1286 = vector.extract %slice3A_1285[0] : i32 from vector<1xi32>
        %swap3A_1287 = arith.index_cast %squeeze3A_1286 : i32 to index
        %swap3A_1288 = tpu.vector_load %arg12[%swap3A_1287] {strides = array<i32>} : memref<160xi32, #tpu.memory_space<vmem>>, vector<16xi32>,
        %swap3A_1289 = vector.shape_cast %swap3A_1288 : vector<16xi32> to vector<16xi32>
        %swap3A_1290 = vector.shape_cast %mul3A_1268 : vector<16xi32> to vector<16xi32>
        tpu.vector_store %arg12[%swap3A_1287], %swap3A_1290 {strides = array<i32>} : memref<160xi32, #tpu.memory_space<vmem>>, vector<16xi32>,
        %mul3A_1291 = arith.constant 16 : i32
        %mul3A_1292 = arith.muli %scan3A_1099, %mul3A_1291 : i32
        %add3A_1293 = arith.constant 5 : i32
        %add3A_1294 = arith.addi %mul3A_1292, %add3A_1293 : i32
        %mul3A_1295 = vector.broadcast %add3A_1294 : i32 to vector<16xi32>
        %mul3A_1296 = arith.muli %broadcast_in_dim3A_40, %mul3A_1295 : vector<16xi32>
        %slice3A_1297 = vector.extract_strided_slice %select_n3A_1118 {offsets = [5], sizes = [1], strides = [1]} : vector<16xi32> to vector<1xi32>
        %squeeze3A_1298 = vector.extract %slice3A_1297[0] : i32 from vector<1xi32>
        %mul3A_1299 = vector.broadcast %squeeze3A_1298 : i32 to vector<16xi32>
        %mul3A_1300 = arith.muli %broadcast_in_dim3A_40, %mul3A_1299 : vector<16xi32>
        %slice3A_1301 = vector.extract_strided_slice %select_n3A_1142 {offsets = [5], sizes = [1], strides = [1]} : vector<16xi32> to vector<1xi32>
        %squeeze3A_1302 = vector.extract %slice3A_1301[0] : i32 from vector<1xi32>
        %swap3A_1303 = arith.index_cast %squeeze3A_1302 : i32 to index
        %swap3A_1304 = tpu.vector_load %arg10[%swap3A_1303] {strides = array<i32>} : memref<160xi32, #tpu.memory_space<vmem>>, vector<16xi32>,
        %swap3A_1305 = vector.shape_cast %swap3A_1304 : vector<16xi32> to vector<16xi32>
        %swap3A_1306 = vector.shape_cast %mul3A_1300 : vector<16xi32> to vector<16xi32>
        tpu.vector_store %arg10[%swap3A_1303], %swap3A_1306 {strides = array<i32>} : memref<160xi32, #tpu.memory_space<vmem>>, vector<16xi32>,
        %slice3A_1307 = vector.extract_strided_slice %select_n3A_1142 {offsets = [5], sizes = [1], strides = [1]} : vector<16xi32> to vector<1xi32>
        %squeeze3A_1308 = vector.extract %slice3A_1307[0] : i32 from vector<1xi32>
        %swap3A_1309 = arith.index_cast %squeeze3A_1308 : i32 to index
        %swap3A_1310 = tpu.vector_load %arg11[%swap3A_1309] {strides = array<i32>} : memref<160xi32, #tpu.memory_space<vmem>>, vector<16xi32>,
        %swap3A_1311 = vector.shape_cast %swap3A_1310 : vector<16xi32> to vector<16xi32>
        %swap3A_1312 = vector.shape_cast %mul3A_1296 : vector<16xi32> to vector<16xi32>
        tpu.vector_store %arg11[%swap3A_1309], %swap3A_1312 {strides = array<i32>} : memref<160xi32, #tpu.memory_space<vmem>>, vector<16xi32>,
        %slice3A_1313 = vector.extract_strided_slice %select_n3A_1150 {offsets = [5], sizes = [1], strides = [1]} : vector<16xi32> to vector<1xi32>
        %squeeze3A_1314 = vector.extract %slice3A_1313[0] : i32 from vector<1xi32>
        %swap3A_1315 = arith.index_cast %squeeze3A_1314 : i32 to index
        %swap3A_1316 = tpu.vector_load %arg12[%swap3A_1315] {strides = array<i32>} : memref<160xi32, #tpu.memory_space<vmem>>, vector<16xi32>,
        %swap3A_1317 = vector.shape_cast %swap3A_1316 : vector<16xi32> to vector<16xi32>
        %swap3A_1318 = vector.shape_cast %mul3A_1296 : vector<16xi32> to vector<16xi32>
        tpu.vector_store %arg12[%swap3A_1315], %swap3A_1318 {strides = array<i32>} : memref<160xi32, #tpu.memory_space<vmem>>, vector<16xi32>,
        %mul3A_1319 = arith.constant 16 : i32
        %mul3A_1320 = arith.muli %scan3A_1099, %mul3A_1319 : i32
        %add3A_1321 = arith.constant 6 : i32
        %add3A_1322 = arith.addi %mul3A_1320, %add3A_1321 : i32
        %mul3A_1323 = vector.broadcast %add3A_1322 : i32 to vector<16xi32>
        %mul3A_1324 = arith.muli %broadcast_in_dim3A_40, %mul3A_1323 : vector<16xi32>
        %slice3A_1325 = vector.extract_strided_slice %select_n3A_1118 {offsets = [6], sizes = [1], strides = [1]} : vector<16xi32> to vector<1xi32>
        %squeeze3A_1326 = vector.extract %slice3A_1325[0] : i32 from vector<1xi32>
        %mul3A_1327 = vector.broadcast %squeeze3A_1326 : i32 to vector<16xi32>
        %mul3A_1328 = arith.muli %broadcast_in_dim3A_40, %mul3A_1327 : vector<16xi32>
        %slice3A_1329 = vector.extract_strided_slice %select_n3A_1142 {offsets = [6], sizes = [1], strides = [1]} : vector<16xi32> to vector<1xi32>
        %squeeze3A_1330 = vector.extract %slice3A_1329[0] : i32 from vector<1xi32>
        %swap3A_1331 = arith.index_cast %squeeze3A_1330 : i32 to index
        %swap3A_1332 = tpu.vector_load %arg10[%swap3A_1331] {strides = array<i32>} : memref<160xi32, #tpu.memory_space<vmem>>, vector<16xi32>,
        %swap3A_1333 = vector.shape_cast %swap3A_1332 : vector<16xi32> to vector<16xi32>
        %swap3A_1334 = vector.shape_cast %mul3A_1328 : vector<16xi32> to vector<16xi32>
        tpu.vector_store %arg10[%swap3A_1331], %swap3A_1334 {strides = array<i32>} : memref<160xi32, #tpu.memory_space<vmem>>, vector<16xi32>,
        %slice3A_1335 = vector.extract_strided_slice %select_n3A_1142 {offsets = [6], sizes = [1], strides = [1]} : vector<16xi32> to vector<1xi32>
        %squeeze3A_1336 = vector.extract %slice3A_1335[0] : i32 from vector<1xi32>
        %swap3A_1337 = arith.index_cast %squeeze3A_1336 : i32 to index
        %swap3A_1338 = tpu.vector_load %arg11[%swap3A_1337] {strides = array<i32>} : memref<160xi32, #tpu.memory_space<vmem>>, vector<16xi32>,
        %swap3A_1339 = vector.shape_cast %swap3A_1338 : vector<16xi32> to vector<16xi32>
        %swap3A_1340 = vector.shape_cast %mul3A_1324 : vector<16xi32> to vector<16xi32>
        tpu.vector_store %arg11[%swap3A_1337], %swap3A_1340 {strides = array<i32>} : memref<160xi32, #tpu.memory_space<vmem>>, vector<16xi32>,
        %slice3A_1341 = vector.extract_strided_slice %select_n3A_1150 {offsets = [6], sizes = [1], strides = [1]} : vector<16xi32> to vector<1xi32>
        %squeeze3A_1342 = vector.extract %slice3A_1341[0] : i32 from vector<1xi32>
        %swap3A_1343 = arith.index_cast %squeeze3A_1342 : i32 to index
        %swap3A_1344 = tpu.vector_load %arg12[%swap3A_1343] {strides = array<i32>} : memref<160xi32, #tpu.memory_space<vmem>>, vector<16xi32>,
        %swap3A_1345 = vector.shape_cast %swap3A_1344 : vector<16xi32> to vector<16xi32>
        %swap3A_1346 = vector.shape_cast %mul3A_1324 : vector<16xi32> to vector<16xi32>
        tpu.vector_store %arg12[%swap3A_1343], %swap3A_1346 {strides = array<i32>} : memref<160xi32, #tpu.memory_space<vmem>>, vector<16xi32>,
        %mul3A_1347 = arith.constant 16 : i32
        %mul3A_1348 = arith.muli %scan3A_1099, %mul3A_1347 : i32
        %add3A_1349 = arith.constant 7 : i32
        %add3A_1350 = arith.addi %mul3A_1348, %add3A_1349 : i32
        %mul3A_1351 = vector.broadcast %add3A_1350 : i32 to vector<16xi32>
        %mul3A_1352 = arith.muli %broadcast_in_dim3A_40, %mul3A_1351 : vector<16xi32>
        %slice3A_1353 = vector.extract_strided_slice %select_n3A_1118 {offsets = [7], sizes = [1], strides = [1]} : vector<16xi32> to vector<1xi32>
        %squeeze3A_1354 = vector.extract %slice3A_1353[0] : i32 from vector<1xi32>
        %mul3A_1355 = vector.broadcast %squeeze3A_1354 : i32 to vector<16xi32>
        %mul3A_1356 = arith.muli %broadcast_in_dim3A_40, %mul3A_1355 : vector<16xi32>
        %slice3A_1357 = vector.extract_strided_slice %select_n3A_1142 {offsets = [7], sizes = [1], strides = [1]} : vector<16xi32> to vector<1xi32>
        %squeeze3A_1358 = vector.extract %slice3A_1357[0] : i32 from vector<1xi32>
        %swap3A_1359 = arith.index_cast %squeeze3A_1358 : i32 to index
        %swap3A_1360 = tpu.vector_load %arg10[%swap3A_1359] {strides = array<i32>} : memref<160xi32, #tpu.memory_space<vmem>>, vector<16xi32>,
        %swap3A_1361 = vector.shape_cast %swap3A_1360 : vector<16xi32> to vector<16xi32>
        %swap3A_1362 = vector.shape_cast %mul3A_1356 : vector<16xi32> to vector<16xi32>
        tpu.vector_store %arg10[%swap3A_1359], %swap3A_1362 {strides = array<i32>} : memref<160xi32, #tpu.memory_space<vmem>>, vector<16xi32>,
        %slice3A_1363 = vector.extract_strided_slice %select_n3A_1142 {offsets = [7], sizes = [1], strides = [1]} : vector<16xi32> to vector<1xi32>
        %squeeze3A_1364 = vector.extract %slice3A_1363[0] : i32 from vector<1xi32>
        %swap3A_1365 = arith.index_cast %squeeze3A_1364 : i32 to index
        %swap3A_1366 = tpu.vector_load %arg11[%swap3A_1365] {strides = array<i32>} : memref<160xi32, #tpu.memory_space<vmem>>, vector<16xi32>,
        %swap3A_1367 = vector.shape_cast %swap3A_1366 : vector<16xi32> to vector<16xi32>
        %swap3A_1368 = vector.shape_cast %mul3A_1352 : vector<16xi32> to vector<16xi32>
        tpu.vector_store %arg11[%swap3A_1365], %swap3A_1368 {strides = array<i32>} : memref<160xi32, #tpu.memory_space<vmem>>, vector<16xi32>,
        %slice3A_1369 = vector.extract_strided_slice %select_n3A_1150 {offsets = [7], sizes = [1], strides = [1]} : vector<16xi32> to vector<1xi32>
        %squeeze3A_1370 = vector.extract %slice3A_1369[0] : i32 from vector<1xi32>
        %swap3A_1371 = arith.index_cast %squeeze3A_1370 : i32 to index
        %swap3A_1372 = tpu.vector_load %arg12[%swap3A_1371] {strides = array<i32>} : memref<160xi32, #tpu.memory_space<vmem>>, vector<16xi32>,
        %swap3A_1373 = vector.shape_cast %swap3A_1372 : vector<16xi32> to vector<16xi32>
        %swap3A_1374 = vector.shape_cast %mul3A_1352 : vector<16xi32> to vector<16xi32>
        tpu.vector_store %arg12[%swap3A_1371], %swap3A_1374 {strides = array<i32>} : memref<160xi32, #tpu.memory_space<vmem>>, vector<16xi32>,
        %mul3A_1375 = arith.constant 16 : i32
        %mul3A_1376 = arith.muli %scan3A_1099, %mul3A_1375 : i32
        %add3A_1377 = arith.constant 8 : i32
        %add3A_1378 = arith.addi %mul3A_1376, %add3A_1377 : i32
        %mul3A_1379 = vector.broadcast %add3A_1378 : i32 to vector<16xi32>
        %mul3A_1380 = arith.muli %broadcast_in_dim3A_40, %mul3A_1379 : vector<16xi32>
        %slice3A_1381 = vector.extract_strided_slice %select_n3A_1118 {offsets = [8], sizes = [1], strides = [1]} : vector<16xi32> to vector<1xi32>
        %squeeze3A_1382 = vector.extract %slice3A_1381[0] : i32 from vector<1xi32>
        %mul3A_1383 = vector.broadcast %squeeze3A_1382 : i32 to vector<16xi32>
        %mul3A_1384 = arith.muli %broadcast_in_dim3A_40, %mul3A_1383 : vector<16xi32>
        %slice3A_1385 = vector.extract_strided_slice %select_n3A_1142 {offsets = [8], sizes = [1], strides = [1]} : vector<16xi32> to vector<1xi32>
        %squeeze3A_1386 = vector.extract %slice3A_1385[0] : i32 from vector<1xi32>
        %swap3A_1387 = arith.index_cast %squeeze3A_1386 : i32 to index
        %swap3A_1388 = tpu.vector_load %arg10[%swap3A_1387] {strides = array<i32>} : memref<160xi32, #tpu.memory_space<vmem>>, vector<16xi32>,
        %swap3A_1389 = vector.shape_cast %swap3A_1388 : vector<16xi32> to vector<16xi32>
        %swap3A_1390 = vector.shape_cast %mul3A_1384 : vector<16xi32> to vector<16xi32>
        tpu.vector_store %arg10[%swap3A_1387], %swap3A_1390 {strides = array<i32>} : memref<160xi32, #tpu.memory_space<vmem>>, vector<16xi32>,
        %slice3A_1391 = vector.extract_strided_slice %select_n3A_1142 {offsets = [8], sizes = [1], strides = [1]} : vector<16xi32> to vector<1xi32>
        %squeeze3A_1392 = vector.extract %slice3A_1391[0] : i32 from vector<1xi32>
        %swap3A_1393 = arith.index_cast %squeeze3A_1392 : i32 to index
        %swap3A_1394 = tpu.vector_load %arg11[%swap3A_1393] {strides = array<i32>} : memref<160xi32, #tpu.memory_space<vmem>>, vector<16xi32>,
        %swap3A_1395 = vector.shape_cast %swap3A_1394 : vector<16xi32> to vector<16xi32>
        %swap3A_1396 = vector.shape_cast %mul3A_1380 : vector<16xi32> to vector<16xi32>
        tpu.vector_store %arg11[%swap3A_1393], %swap3A_1396 {strides = array<i32>} : memref<160xi32, #tpu.memory_space<vmem>>, vector<16xi32>,
        %slice3A_1397 = vector.extract_strided_slice %select_n3A_1150 {offsets = [8], sizes = [1], strides = [1]} : vector<16xi32> to vector<1xi32>
        %squeeze3A_1398 = vector.extract %slice3A_1397[0] : i32 from vector<1xi32>
        %swap3A_1399 = arith.index_cast %squeeze3A_1398 : i32 to index
        %swap3A_1400 = tpu.vector_load %arg12[%swap3A_1399] {strides = array<i32>} : memref<160xi32, #tpu.memory_space<vmem>>, vector<16xi32>,
        %swap3A_1401 = vector.shape_cast %swap3A_1400 : vector<16xi32> to vector<16xi32>
        %swap3A_1402 = vector.shape_cast %mul3A_1380 : vector<16xi32> to vector<16xi32>
        tpu.vector_store %arg12[%swap3A_1399], %swap3A_1402 {strides = array<i32>} : memref<160xi32, #tpu.memory_space<vmem>>, vector<16xi32>,
        %mul3A_1403 = arith.constant 16 : i32
        %mul3A_1404 = arith.muli %scan3A_1099, %mul3A_1403 : i32
        %add3A_1405 = arith.constant 9 : i32
        %add3A_1406 = arith.addi %mul3A_1404, %add3A_1405 : i32
        %mul3A_1407 = vector.broadcast %add3A_1406 : i32 to vector<16xi32>
        %mul3A_1408 = arith.muli %broadcast_in_dim3A_40, %mul3A_1407 : vector<16xi32>
        %slice3A_1409 = vector.extract_strided_slice %select_n3A_1118 {offsets = [9], sizes = [1], strides = [1]} : vector<16xi32> to vector<1xi32>
        %squeeze3A_1410 = vector.extract %slice3A_1409[0] : i32 from vector<1xi32>
        %mul3A_1411 = vector.broadcast %squeeze3A_1410 : i32 to vector<16xi32>
        %mul3A_1412 = arith.muli %broadcast_in_dim3A_40, %mul3A_1411 : vector<16xi32>
        %slice3A_1413 = vector.extract_strided_slice %select_n3A_1142 {offsets = [9], sizes = [1], strides = [1]} : vector<16xi32> to vector<1xi32>
        %squeeze3A_1414 = vector.extract %slice3A_1413[0] : i32 from vector<1xi32>
        %swap3A_1415 = arith.index_cast %squeeze3A_1414 : i32 to index
        %swap3A_1416 = tpu.vector_load %arg10[%swap3A_1415] {strides = array<i32>} : memref<160xi32, #tpu.memory_space<vmem>>, vector<16xi32>,
        %swap3A_1417 = vector.shape_cast %swap3A_1416 : vector<16xi32> to vector<16xi32>
        %swap3A_1418 = vector.shape_cast %mul3A_1412 : vector<16xi32> to vector<16xi32>
        tpu.vector_store %arg10[%swap3A_1415], %swap3A_1418 {strides = array<i32>} : memref<160xi32, #tpu.memory_space<vmem>>, vector<16xi32>,
        %slice3A_1419 = vector.extract_strided_slice %select_n3A_1142 {offsets = [9], sizes = [1], strides = [1]} : vector<16xi32> to vector<1xi32>
        %squeeze3A_1420 = vector.extract %slice3A_1419[0] : i32 from vector<1xi32>
        %swap3A_1421 = arith.index_cast %squeeze3A_1420 : i32 to index
        %swap3A_1422 = tpu.vector_load %arg11[%swap3A_1421] {strides = array<i32>} : memref<160xi32, #tpu.memory_space<vmem>>, vector<16xi32>,
        %swap3A_1423 = vector.shape_cast %swap3A_1422 : vector<16xi32> to vector<16xi32>
        %swap3A_1424 = vector.shape_cast %mul3A_1408 : vector<16xi32> to vector<16xi32>
        tpu.vector_store %arg11[%swap3A_1421], %swap3A_1424 {strides = array<i32>} : memref<160xi32, #tpu.memory_space<vmem>>, vector<16xi32>,
        %slice3A_1425 = vector.extract_strided_slice %select_n3A_1150 {offsets = [9], sizes = [1], strides = [1]} : vector<16xi32> to vector<1xi32>
        %squeeze3A_1426 = vector.extract %slice3A_1425[0] : i32 from vector<1xi32>
        %swap3A_1427 = arith.index_cast %squeeze3A_1426 : i32 to index
        %swap3A_1428 = tpu.vector_load %arg12[%swap3A_1427] {strides = array<i32>} : memref<160xi32, #tpu.memory_space<vmem>>, vector<16xi32>,
        %swap3A_1429 = vector.shape_cast %swap3A_1428 : vector<16xi32> to vector<16xi32>
        %swap3A_1430 = vector.shape_cast %mul3A_1408 : vector<16xi32> to vector<16xi32>
        tpu.vector_store %arg12[%swap3A_1427], %swap3A_1430 {strides = array<i32>} : memref<160xi32, #tpu.memory_space<vmem>>, vector<16xi32>,
        %mul3A_1431 = arith.constant 16 : i32
        %mul3A_1432 = arith.muli %scan3A_1099, %mul3A_1431 : i32
        %add3A_1433 = arith.constant 10 : i32
        %add3A_1434 = arith.addi %mul3A_1432, %add3A_1433 : i32
        %mul3A_1435 = vector.broadcast %add3A_1434 : i32 to vector<16xi32>
        %mul3A_1436 = arith.muli %broadcast_in_dim3A_40, %mul3A_1435 : vector<16xi32>
        %slice3A_1437 = vector.extract_strided_slice %select_n3A_1118 {offsets = [10], sizes = [1], strides = [1]} : vector<16xi32> to vector<1xi32>
        %squeeze3A_1438 = vector.extract %slice3A_1437[0] : i32 from vector<1xi32>
        %mul3A_1439 = vector.broadcast %squeeze3A_1438 : i32 to vector<16xi32>
        %mul3A_1440 = arith.muli %broadcast_in_dim3A_40, %mul3A_1439 : vector<16xi32>
        %slice3A_1441 = vector.extract_strided_slice %select_n3A_1142 {offsets = [10], sizes = [1], strides = [1]} : vector<16xi32> to vector<1xi32>
        %squeeze3A_1442 = vector.extract %slice3A_1441[0] : i32 from vector<1xi32>
        %swap3A_1443 = arith.index_cast %squeeze3A_1442 : i32 to index
        %swap3A_1444 = tpu.vector_load %arg10[%swap3A_1443] {strides = array<i32>} : memref<160xi32, #tpu.memory_space<vmem>>, vector<16xi32>,
        %swap3A_1445 = vector.shape_cast %swap3A_1444 : vector<16xi32> to vector<16xi32>
        %swap3A_1446 = vector.shape_cast %mul3A_1440 : vector<16xi32> to vector<16xi32>
        tpu.vector_store %arg10[%swap3A_1443], %swap3A_1446 {strides = array<i32>} : memref<160xi32, #tpu.memory_space<vmem>>, vector<16xi32>,
        %slice3A_1447 = vector.extract_strided_slice %select_n3A_1142 {offsets = [10], sizes = [1], strides = [1]} : vector<16xi32> to vector<1xi32>
        %squeeze3A_1448 = vector.extract %slice3A_1447[0] : i32 from vector<1xi32>
        %swap3A_1449 = arith.index_cast %squeeze3A_1448 : i32 to index
        %swap3A_1450 = tpu.vector_load %arg11[%swap3A_1449] {strides = array<i32>} : memref<160xi32, #tpu.memory_space<vmem>>, vector<16xi32>,
        %swap3A_1451 = vector.shape_cast %swap3A_1450 : vector<16xi32> to vector<16xi32>
        %swap3A_1452 = vector.shape_cast %mul3A_1436 : vector<16xi32> to vector<16xi32>
        tpu.vector_store %arg11[%swap3A_1449], %swap3A_1452 {strides = array<i32>} : memref<160xi32, #tpu.memory_space<vmem>>, vector<16xi32>,
        %slice3A_1453 = vector.extract_strided_slice %select_n3A_1150 {offsets = [10], sizes = [1], strides = [1]} : vector<16xi32> to vector<1xi32>
        %squeeze3A_1454 = vector.extract %slice3A_1453[0] : i32 from vector<1xi32>
        %swap3A_1455 = arith.index_cast %squeeze3A_1454 : i32 to index
        %swap3A_1456 = tpu.vector_load %arg12[%swap3A_1455] {strides = array<i32>} : memref<160xi32, #tpu.memory_space<vmem>>, vector<16xi32>,
        %swap3A_1457 = vector.shape_cast %swap3A_1456 : vector<16xi32> to vector<16xi32>
        %swap3A_1458 = vector.shape_cast %mul3A_1436 : vector<16xi32> to vector<16xi32>
        tpu.vector_store %arg12[%swap3A_1455], %swap3A_1458 {strides = array<i32>} : memref<160xi32, #tpu.memory_space<vmem>>, vector<16xi32>,
        %mul3A_1459 = arith.constant 16 : i32
        %mul3A_1460 = arith.muli %scan3A_1099, %mul3A_1459 : i32
        %add3A_1461 = arith.constant 11 : i32
        %add3A_1462 = arith.addi %mul3A_1460, %add3A_1461 : i32
        %mul3A_1463 = vector.broadcast %add3A_1462 : i32 to vector<16xi32>
        %mul3A_1464 = arith.muli %broadcast_in_dim3A_40, %mul3A_1463 : vector<16xi32>
        %slice3A_1465 = vector.extract_strided_slice %select_n3A_1118 {offsets = [11], sizes = [1], strides = [1]} : vector<16xi32> to vector<1xi32>
        %squeeze3A_1466 = vector.extract %slice3A_1465[0] : i32 from vector<1xi32>
        %mul3A_1467 = vector.broadcast %squeeze3A_1466 : i32 to vector<16xi32>
        %mul3A_1468 = arith.muli %broadcast_in_dim3A_40, %mul3A_1467 : vector<16xi32>
        %slice3A_1469 = vector.extract_strided_slice %select_n3A_1142 {offsets = [11], sizes = [1], strides = [1]} : vector<16xi32> to vector<1xi32>
        %squeeze3A_1470 = vector.extract %slice3A_1469[0] : i32 from vector<1xi32>
        %swap3A_1471 = arith.index_cast %squeeze3A_1470 : i32 to index
        %swap3A_1472 = tpu.vector_load %arg10[%swap3A_1471] {strides = array<i32>} : memref<160xi32, #tpu.memory_space<vmem>>, vector<16xi32>,
        %swap3A_1473 = vector.shape_cast %swap3A_1472 : vector<16xi32> to vector<16xi32>
        %swap3A_1474 = vector.shape_cast %mul3A_1468 : vector<16xi32> to vector<16xi32>
        tpu.vector_store %arg10[%swap3A_1471], %swap3A_1474 {strides = array<i32>} : memref<160xi32, #tpu.memory_space<vmem>>, vector<16xi32>,
        %slice3A_1475 = vector.extract_strided_slice %select_n3A_1142 {offsets = [11], sizes = [1], strides = [1]} : vector<16xi32> to vector<1xi32>
        %squeeze3A_1476 = vector.extract %slice3A_1475[0] : i32 from vector<1xi32>
        %swap3A_1477 = arith.index_cast %squeeze3A_1476 : i32 to index
        %swap3A_1478 = tpu.vector_load %arg11[%swap3A_1477] {strides = array<i32>} : memref<160xi32, #tpu.memory_space<vmem>>, vector<16xi32>,
        %swap3A_1479 = vector.shape_cast %swap3A_1478 : vector<16xi32> to vector<16xi32>
        %swap3A_1480 = vector.shape_cast %mul3A_1464 : vector<16xi32> to vector<16xi32>
        tpu.vector_store %arg11[%swap3A_1477], %swap3A_1480 {strides = array<i32>} : memref<160xi32, #tpu.memory_space<vmem>>, vector<16xi32>,
        %slice3A_1481 = vector.extract_strided_slice %select_n3A_1150 {offsets = [11], sizes = [1], strides = [1]} : vector<16xi32> to vector<1xi32>
        %squeeze3A_1482 = vector.extract %slice3A_1481[0] : i32 from vector<1xi32>
        %swap3A_1483 = arith.index_cast %squeeze3A_1482 : i32 to index
        %swap3A_1484 = tpu.vector_load %arg12[%swap3A_1483] {strides = array<i32>} : memref<160xi32, #tpu.memory_space<vmem>>, vector<16xi32>,
        %swap3A_1485 = vector.shape_cast %swap3A_1484 : vector<16xi32> to vector<16xi32>
        %swap3A_1486 = vector.shape_cast %mul3A_1464 : vector<16xi32> to vector<16xi32>
        tpu.vector_store %arg12[%swap3A_1483], %swap3A_1486 {strides = array<i32>} : memref<160xi32, #tpu.memory_space<vmem>>, vector<16xi32>,
        %mul3A_1487 = arith.constant 16 : i32
        %mul3A_1488 = arith.muli %scan3A_1099, %mul3A_1487 : i32
        %add3A_1489 = arith.constant 12 : i32
        %add3A_1490 = arith.addi %mul3A_1488, %add3A_1489 : i32
        %mul3A_1491 = vector.broadcast %add3A_1490 : i32 to vector<16xi32>
        %mul3A_1492 = arith.muli %broadcast_in_dim3A_40, %mul3A_1491 : vector<16xi32>
        %slice3A_1493 = vector.extract_strided_slice %select_n3A_1118 {offsets = [12], sizes = [1], strides = [1]} : vector<16xi32> to vector<1xi32>
        %squeeze3A_1494 = vector.extract %slice3A_1493[0] : i32 from vector<1xi32>
        %mul3A_1495 = vector.broadcast %squeeze3A_1494 : i32 to vector<16xi32>
        %mul3A_1496 = arith.muli %broadcast_in_dim3A_40, %mul3A_1495 : vector<16xi32>
        %slice3A_1497 = vector.extract_strided_slice %select_n3A_1142 {offsets = [12], sizes = [1], strides = [1]} : vector<16xi32> to vector<1xi32>
        %squeeze3A_1498 = vector.extract %slice3A_1497[0] : i32 from vector<1xi32>
        %swap3A_1499 = arith.index_cast %squeeze3A_1498 : i32 to index
        %swap3A_1500 = tpu.vector_load %arg10[%swap3A_1499] {strides = array<i32>} : memref<160xi32, #tpu.memory_space<vmem>>, vector<16xi32>,
        %swap3A_1501 = vector.shape_cast %swap3A_1500 : vector<16xi32> to vector<16xi32>
        %swap3A_1502 = vector.shape_cast %mul3A_1496 : vector<16xi32> to vector<16xi32>
        tpu.vector_store %arg10[%swap3A_1499], %swap3A_1502 {strides = array<i32>} : memref<160xi32, #tpu.memory_space<vmem>>, vector<16xi32>,
        %slice3A_1503 = vector.extract_strided_slice %select_n3A_1142 {offsets = [12], sizes = [1], strides = [1]} : vector<16xi32> to vector<1xi32>
        %squeeze3A_1504 = vector.extract %slice3A_1503[0] : i32 from vector<1xi32>
        %swap3A_1505 = arith.index_cast %squeeze3A_1504 : i32 to index
        %swap3A_1506 = tpu.vector_load %arg11[%swap3A_1505] {strides = array<i32>} : memref<160xi32, #tpu.memory_space<vmem>>, vector<16xi32>,
        %swap3A_1507 = vector.shape_cast %swap3A_1506 : vector<16xi32> to vector<16xi32>
        %swap3A_1508 = vector.shape_cast %mul3A_1492 : vector<16xi32> to vector<16xi32>
        tpu.vector_store %arg11[%swap3A_1505], %swap3A_1508 {strides = array<i32>} : memref<160xi32, #tpu.memory_space<vmem>>, vector<16xi32>,
        %slice3A_1509 = vector.extract_strided_slice %select_n3A_1150 {offsets = [12], sizes = [1], strides = [1]} : vector<16xi32> to vector<1xi32>
        %squeeze3A_1510 = vector.extract %slice3A_1509[0] : i32 from vector<1xi32>
        %swap3A_1511 = arith.index_cast %squeeze3A_1510 : i32 to index
        %swap3A_1512 = tpu.vector_load %arg12[%swap3A_1511] {strides = array<i32>} : memref<160xi32, #tpu.memory_space<vmem>>, vector<16xi32>,
        %swap3A_1513 = vector.shape_cast %swap3A_1512 : vector<16xi32> to vector<16xi32>
        %swap3A_1514 = vector.shape_cast %mul3A_1492 : vector<16xi32> to vector<16xi32>
        tpu.vector_store %arg12[%swap3A_1511], %swap3A_1514 {strides = array<i32>} : memref<160xi32, #tpu.memory_space<vmem>>, vector<16xi32>,
        %mul3A_1515 = arith.constant 16 : i32
        %mul3A_1516 = arith.muli %scan3A_1099, %mul3A_1515 : i32
        %add3A_1517 = arith.constant 13 : i32
        %add3A_1518 = arith.addi %mul3A_1516, %add3A_1517 : i32
        %mul3A_1519 = vector.broadcast %add3A_1518 : i32 to vector<16xi32>
        %mul3A_1520 = arith.muli %broadcast_in_dim3A_40, %mul3A_1519 : vector<16xi32>
        %slice3A_1521 = vector.extract_strided_slice %select_n3A_1118 {offsets = [13], sizes = [1], strides = [1]} : vector<16xi32> to vector<1xi32>
        %squeeze3A_1522 = vector.extract %slice3A_1521[0] : i32 from vector<1xi32>
        %mul3A_1523 = vector.broadcast %squeeze3A_1522 : i32 to vector<16xi32>
        %mul3A_1524 = arith.muli %broadcast_in_dim3A_40, %mul3A_1523 : vector<16xi32>
        %slice3A_1525 = vector.extract_strided_slice %select_n3A_1142 {offsets = [13], sizes = [1], strides = [1]} : vector<16xi32> to vector<1xi32>
        %squeeze3A_1526 = vector.extract %slice3A_1525[0] : i32 from vector<1xi32>
        %swap3A_1527 = arith.index_cast %squeeze3A_1526 : i32 to index
        %swap3A_1528 = tpu.vector_load %arg10[%swap3A_1527] {strides = array<i32>} : memref<160xi32, #tpu.memory_space<vmem>>, vector<16xi32>,
        %swap3A_1529 = vector.shape_cast %swap3A_1528 : vector<16xi32> to vector<16xi32>
        %swap3A_1530 = vector.shape_cast %mul3A_1524 : vector<16xi32> to vector<16xi32>
        tpu.vector_store %arg10[%swap3A_1527], %swap3A_1530 {strides = array<i32>} : memref<160xi32, #tpu.memory_space<vmem>>, vector<16xi32>,
        %slice3A_1531 = vector.extract_strided_slice %select_n3A_1142 {offsets = [13], sizes = [1], strides = [1]} : vector<16xi32> to vector<1xi32>
        %squeeze3A_1532 = vector.extract %slice3A_1531[0] : i32 from vector<1xi32>
        %swap3A_1533 = arith.index_cast %squeeze3A_1532 : i32 to index
        %swap3A_1534 = tpu.vector_load %arg11[%swap3A_1533] {strides = array<i32>} : memref<160xi32, #tpu.memory_space<vmem>>, vector<16xi32>,
        %swap3A_1535 = vector.shape_cast %swap3A_1534 : vector<16xi32> to vector<16xi32>
        %swap3A_1536 = vector.shape_cast %mul3A_1520 : vector<16xi32> to vector<16xi32>
        tpu.vector_store %arg11[%swap3A_1533], %swap3A_1536 {strides = array<i32>} : memref<160xi32, #tpu.memory_space<vmem>>, vector<16xi32>,
        %slice3A_1537 = vector.extract_strided_slice %select_n3A_1150 {offsets = [13], sizes = [1], strides = [1]} : vector<16xi32> to vector<1xi32>
        %squeeze3A_1538 = vector.extract %slice3A_1537[0] : i32 from vector<1xi32>
        %swap3A_1539 = arith.index_cast %squeeze3A_1538 : i32 to index
        %swap3A_1540 = tpu.vector_load %arg12[%swap3A_1539] {strides = array<i32>} : memref<160xi32, #tpu.memory_space<vmem>>, vector<16xi32>,
        %swap3A_1541 = vector.shape_cast %swap3A_1540 : vector<16xi32> to vector<16xi32>
        %swap3A_1542 = vector.shape_cast %mul3A_1520 : vector<16xi32> to vector<16xi32>
        tpu.vector_store %arg12[%swap3A_1539], %swap3A_1542 {strides = array<i32>} : memref<160xi32, #tpu.memory_space<vmem>>, vector<16xi32>,
        %mul3A_1543 = arith.constant 16 : i32
        %mul3A_1544 = arith.muli %scan3A_1099, %mul3A_1543 : i32
        %add3A_1545 = arith.constant 14 : i32
        %add3A_1546 = arith.addi %mul3A_1544, %add3A_1545 : i32
        %mul3A_1547 = vector.broadcast %add3A_1546 : i32 to vector<16xi32>
        %mul3A_1548 = arith.muli %broadcast_in_dim3A_40, %mul3A_1547 : vector<16xi32>
        %slice3A_1549 = vector.extract_strided_slice %select_n3A_1118 {offsets = [14], sizes = [1], strides = [1]} : vector<16xi32> to vector<1xi32>
        %squeeze3A_1550 = vector.extract %slice3A_1549[0] : i32 from vector<1xi32>
        %mul3A_1551 = vector.broadcast %squeeze3A_1550 : i32 to vector<16xi32>
        %mul3A_1552 = arith.muli %broadcast_in_dim3A_40, %mul3A_1551 : vector<16xi32>
        %slice3A_1553 = vector.extract_strided_slice %select_n3A_1142 {offsets = [14], sizes = [1], strides = [1]} : vector<16xi32> to vector<1xi32>
        %squeeze3A_1554 = vector.extract %slice3A_1553[0] : i32 from vector<1xi32>
        %swap3A_1555 = arith.index_cast %squeeze3A_1554 : i32 to index
        %swap3A_1556 = tpu.vector_load %arg10[%swap3A_1555] {strides = array<i32>} : memref<160xi32, #tpu.memory_space<vmem>>, vector<16xi32>,
        %swap3A_1557 = vector.shape_cast %swap3A_1556 : vector<16xi32> to vector<16xi32>
        %swap3A_1558 = vector.shape_cast %mul3A_1552 : vector<16xi32> to vector<16xi32>
        tpu.vector_store %arg10[%swap3A_1555], %swap3A_1558 {strides = array<i32>} : memref<160xi32, #tpu.memory_space<vmem>>, vector<16xi32>,
        %slice3A_1559 = vector.extract_strided_slice %select_n3A_1142 {offsets = [14], sizes = [1], strides = [1]} : vector<16xi32> to vector<1xi32>
        %squeeze3A_1560 = vector.extract %slice3A_1559[0] : i32 from vector<1xi32>
        %swap3A_1561 = arith.index_cast %squeeze3A_1560 : i32 to index
        %swap3A_1562 = tpu.vector_load %arg11[%swap3A_1561] {strides = array<i32>} : memref<160xi32, #tpu.memory_space<vmem>>, vector<16xi32>,
        %swap3A_1563 = vector.shape_cast %swap3A_1562 : vector<16xi32> to vector<16xi32>
        %swap3A_1564 = vector.shape_cast %mul3A_1548 : vector<16xi32> to vector<16xi32>
        tpu.vector_store %arg11[%swap3A_1561], %swap3A_1564 {strides = array<i32>} : memref<160xi32, #tpu.memory_space<vmem>>, vector<16xi32>,
        %slice3A_1565 = vector.extract_strided_slice %select_n3A_1150 {offsets = [14], sizes = [1], strides = [1]} : vector<16xi32> to vector<1xi32>
        %squeeze3A_1566 = vector.extract %slice3A_1565[0] : i32 from vector<1xi32>
        %swap3A_1567 = arith.index_cast %squeeze3A_1566 : i32 to index
        %swap3A_1568 = tpu.vector_load %arg12[%swap3A_1567] {strides = array<i32>} : memref<160xi32, #tpu.memory_space<vmem>>, vector<16xi32>,
        %swap3A_1569 = vector.shape_cast %swap3A_1568 : vector<16xi32> to vector<16xi32>
        %swap3A_1570 = vector.shape_cast %mul3A_1548 : vector<16xi32> to vector<16xi32>
        tpu.vector_store %arg12[%swap3A_1567], %swap3A_1570 {strides = array<i32>} : memref<160xi32, #tpu.memory_space<vmem>>, vector<16xi32>,
        %mul3A_1571 = arith.constant 16 : i32
        %mul3A_1572 = arith.muli %scan3A_1099, %mul3A_1571 : i32
        %add3A_1573 = arith.constant 15 : i32
        %add3A_1574 = arith.addi %mul3A_1572, %add3A_1573 : i32
        %mul3A_1575 = vector.broadcast %add3A_1574 : i32 to vector<16xi32>
        %mul3A_1576 = arith.muli %broadcast_in_dim3A_40, %mul3A_1575 : vector<16xi32>
        %slice3A_1577 = vector.extract_strided_slice %select_n3A_1118 {offsets = [15], sizes = [1], strides = [1]} : vector<16xi32> to vector<1xi32>
        %squeeze3A_1578 = vector.extract %slice3A_1577[0] : i32 from vector<1xi32>
        %mul3A_1579 = vector.broadcast %squeeze3A_1578 : i32 to vector<16xi32>
        %mul3A_1580 = arith.muli %broadcast_in_dim3A_40, %mul3A_1579 : vector<16xi32>
        %slice3A_1581 = vector.extract_strided_slice %select_n3A_1142 {offsets = [15], sizes = [1], strides = [1]} : vector<16xi32> to vector<1xi32>
        %squeeze3A_1582 = vector.extract %slice3A_1581[0] : i32 from vector<1xi32>
        %swap3A_1583 = arith.index_cast %squeeze3A_1582 : i32 to index
        %swap3A_1584 = tpu.vector_load %arg10[%swap3A_1583] {strides = array<i32>} : memref<160xi32, #tpu.memory_space<vmem>>, vector<16xi32>,
        %swap3A_1585 = vector.shape_cast %swap3A_1584 : vector<16xi32> to vector<16xi32>
        %swap3A_1586 = vector.shape_cast %mul3A_1580 : vector<16xi32> to vector<16xi32>
        tpu.vector_store %arg10[%swap3A_1583], %swap3A_1586 {strides = array<i32>} : memref<160xi32, #tpu.memory_space<vmem>>, vector<16xi32>,
        %slice3A_1587 = vector.extract_strided_slice %select_n3A_1142 {offsets = [15], sizes = [1], strides = [1]} : vector<16xi32> to vector<1xi32>
        %squeeze3A_1588 = vector.extract %slice3A_1587[0] : i32 from vector<1xi32>
        %swap3A_1589 = arith.index_cast %squeeze3A_1588 : i32 to index
        %swap3A_1590 = tpu.vector_load %arg11[%swap3A_1589] {strides = array<i32>} : memref<160xi32, #tpu.memory_space<vmem>>, vector<16xi32>,
        %swap3A_1591 = vector.shape_cast %swap3A_1590 : vector<16xi32> to vector<16xi32>
        %swap3A_1592 = vector.shape_cast %mul3A_1576 : vector<16xi32> to vector<16xi32>
        tpu.vector_store %arg11[%swap3A_1589], %swap3A_1592 {strides = array<i32>} : memref<160xi32, #tpu.memory_space<vmem>>, vector<16xi32>,
        %slice3A_1593 = vector.extract_strided_slice %select_n3A_1150 {offsets = [15], sizes = [1], strides = [1]} : vector<16xi32> to vector<1xi32>
        %squeeze3A_1594 = vector.extract %slice3A_1593[0] : i32 from vector<1xi32>
        %swap3A_1595 = arith.index_cast %squeeze3A_1594 : i32 to index
        %swap3A_1596 = tpu.vector_load %arg12[%swap3A_1595] {strides = array<i32>} : memref<160xi32, #tpu.memory_space<vmem>>, vector<16xi32>,
        %swap3A_1597 = vector.shape_cast %swap3A_1596 : vector<16xi32> to vector<16xi32>
        %swap3A_1598 = vector.shape_cast %mul3A_1576 : vector<16xi32> to vector<16xi32>
        tpu.vector_store %arg12[%swap3A_1595], %swap3A_1598 {strides = array<i32>} : memref<160xi32, #tpu.memory_space<vmem>>, vector<16xi32>,
        %slice3A_1599 = vector.extract_strided_slice %shift_right_logical3A_1126 {offsets = [15], sizes = [1], strides = [1]} : vector<16xi32> to vector<1xi32>
        %squeeze3A_1600 = vector.extract %slice3A_1599[0] : i32 from vector<1xi32>
        %add3A_1601 = arith.addi %get3A_1121, %squeeze3A_1600 : i32
        %swap3A_1602 = arith.constant 0 : i32
        %swap3A_1603 = arith.index_cast %swap3A_1602 : i32 to index
        %swap3A_1604 = memref.load %arg16[%swap3A_1603] : memref<4xi32, #tpu.memory_space<smem>>
        memref.store %add3A_1601, %arg16[%swap3A_1603] : memref<4xi32, #tpu.memory_space<smem>>
        %slice3A_1605 = vector.extract_strided_slice %and3A_1128 {offsets = [15], sizes = [1], strides = [1]} : vector<16xi32> to vector<1xi32>
        %squeeze3A_1606 = vector.extract %slice3A_1605[0] : i32 from vector<1xi32>
        %add3A_1607 = arith.addi %get3A_1124, %squeeze3A_1606 : i32
        %swap3A_1608 = arith.constant 1 : i32
        %swap3A_1609 = arith.index_cast %swap3A_1608 : i32 to index
        %swap3A_1610 = memref.load %arg16[%swap3A_1609] : memref<4xi32, #tpu.memory_space<smem>>
        memref.store %add3A_1607, %arg16[%swap3A_1609] : memref<4xi32, #tpu.memory_space<smem>>
      } else {
      }
    }
    %scan3A_52 = arith.constant 640 : i32
    %mul3A_53 = vector.broadcast %squeeze3A : i32 to vector<16xi32>
    %mul3A_54 = arith.muli %broadcast_in_dim3A_40, %mul3A_53 : vector<16xi32>
    %add3A_55 = arith.constant 0 : i32
    %add3A_56 = arith.addi %sub3A_39, %add3A_55 : i32
    %swap3A_57 = arith.index_cast %add3A_56 : i32 to index
    %swap3A_58 = tpu.vector_load %arg10[%swap3A_57] {strides = array<i32>} : memref<160xi32, #tpu.memory_space<vmem>>, vector<16xi32>,
    %swap3A_59 = vector.shape_cast %swap3A_58 : vector<16xi32> to vector<16xi32>
    %swap3A_60 = vector.shape_cast %mul3A_54 : vector<16xi32> to vector<16xi32>
    tpu.vector_store %arg10[%swap3A_57], %swap3A_60 {strides = array<i32>} : memref<160xi32, #tpu.memory_space<vmem>>, vector<16xi32>,
    %get3A_61 = arith.constant 0 : index
    %get3A_62 = tpu.vector_load %arg12[%get3A_61] {strides = array<i32>} : memref<160xi32, #tpu.memory_space<vmem>>, vector<16xi32>,
    %get3A_63 = vector.shape_cast %get3A_62 : vector<16xi32> to vector<16xi32>
    %add3A_64 = arith.constant 0 : i32
    %add3A_65 = arith.addi %sub3A_39, %add3A_64 : i32
    %swap3A_66 = arith.index_cast %add3A_65 : i32 to index
    %swap3A_67 = tpu.vector_load %arg11[%swap3A_66] {strides = array<i32>} : memref<160xi32, #tpu.memory_space<vmem>>, vector<16xi32>,
    %swap3A_68 = vector.shape_cast %swap3A_67 : vector<16xi32> to vector<16xi32>
    %swap3A_69 = vector.shape_cast %get3A_63 : vector<16xi32> to vector<16xi32>
    tpu.vector_store %arg11[%swap3A_66], %swap3A_69 {strides = array<i32>} : memref<160xi32, #tpu.memory_space<vmem>>, vector<16xi32>,
    %mul3A_70 = vector.broadcast %squeeze3A : i32 to vector<16xi32>
    %mul3A_71 = arith.muli %broadcast_in_dim3A_40, %mul3A_70 : vector<16xi32>
    %add3A_72 = arith.constant 16 : i32
    %add3A_73 = arith.addi %sub3A_39, %add3A_72 : i32
    %swap3A_74 = arith.index_cast %add3A_73 : i32 to index
    %swap3A_75 = tpu.vector_load %arg10[%swap3A_74] {strides = array<i32>} : memref<160xi32, #tpu.memory_space<vmem>>, vector<16xi32>,
    %swap3A_76 = vector.shape_cast %swap3A_75 : vector<16xi32> to vector<16xi32>
    %swap3A_77 = vector.shape_cast %mul3A_71 : vector<16xi32> to vector<16xi32>
    tpu.vector_store %arg10[%swap3A_74], %swap3A_77 {strides = array<i32>} : memref<160xi32, #tpu.memory_space<vmem>>, vector<16xi32>,
    %get3A_78 = arith.constant 16 : index
    %get3A_79 = tpu.vector_load %arg12[%get3A_78] {strides = array<i32>} : memref<160xi32, #tpu.memory_space<vmem>>, vector<16xi32>,
    %get3A_80 = vector.shape_cast %get3A_79 : vector<16xi32> to vector<16xi32>
    %add3A_81 = arith.constant 16 : i32
    %add3A_82 = arith.addi %sub3A_39, %add3A_81 : i32
    %swap3A_83 = arith.index_cast %add3A_82 : i32 to index
    %swap3A_84 = tpu.vector_load %arg11[%swap3A_83] {strides = array<i32>} : memref<160xi32, #tpu.memory_space<vmem>>, vector<16xi32>,
    %swap3A_85 = vector.shape_cast %swap3A_84 : vector<16xi32> to vector<16xi32>
    %swap3A_86 = vector.shape_cast %get3A_80 : vector<16xi32> to vector<16xi32>
    tpu.vector_store %arg11[%swap3A_83], %swap3A_86 {strides = array<i32>} : memref<160xi32, #tpu.memory_space<vmem>>, vector<16xi32>,
    %mul3A_87 = vector.broadcast %squeeze3A : i32 to vector<16xi32>
    %mul3A_88 = arith.muli %broadcast_in_dim3A_40, %mul3A_87 : vector<16xi32>
    %add3A_89 = arith.constant 32 : i32
    %add3A_90 = arith.addi %sub3A_39, %add3A_89 : i32
    %swap3A_91 = arith.index_cast %add3A_90 : i32 to index
    %swap3A_92 = tpu.vector_load %arg10[%swap3A_91] {strides = array<i32>} : memref<160xi32, #tpu.memory_space<vmem>>, vector<16xi32>,
    %swap3A_93 = vector.shape_cast %swap3A_92 : vector<16xi32> to vector<16xi32>
    %swap3A_94 = vector.shape_cast %mul3A_88 : vector<16xi32> to vector<16xi32>
    tpu.vector_store %arg10[%swap3A_91], %swap3A_94 {strides = array<i32>} : memref<160xi32, #tpu.memory_space<vmem>>, vector<16xi32>,
    %get3A_95 = arith.constant 32 : index
    %get3A_96 = tpu.vector_load %arg12[%get3A_95] {strides = array<i32>} : memref<160xi32, #tpu.memory_space<vmem>>, vector<16xi32>,
    %get3A_97 = vector.shape_cast %get3A_96 : vector<16xi32> to vector<16xi32>
    %add3A_98 = arith.constant 32 : i32
    %add3A_99 = arith.addi %sub3A_39, %add3A_98 : i32
    %swap3A_100 = arith.index_cast %add3A_99 : i32 to index
    %swap3A_101 = tpu.vector_load %arg11[%swap3A_100] {strides = array<i32>} : memref<160xi32, #tpu.memory_space<vmem>>, vector<16xi32>,
    %swap3A_102 = vector.shape_cast %swap3A_101 : vector<16xi32> to vector<16xi32>
    %swap3A_103 = vector.shape_cast %get3A_97 : vector<16xi32> to vector<16xi32>
    tpu.vector_store %arg11[%swap3A_100], %swap3A_103 {strides = array<i32>} : memref<160xi32, #tpu.memory_space<vmem>>, vector<16xi32>,
    %mul3A_104 = vector.broadcast %squeeze3A : i32 to vector<16xi32>
    %mul3A_105 = arith.muli %broadcast_in_dim3A_40, %mul3A_104 : vector<16xi32>
    %add3A_106 = arith.constant 48 : i32
    %add3A_107 = arith.addi %sub3A_39, %add3A_106 : i32
    %swap3A_108 = arith.index_cast %add3A_107 : i32 to index
    %swap3A_109 = tpu.vector_load %arg10[%swap3A_108] {strides = array<i32>} : memref<160xi32, #tpu.memory_space<vmem>>, vector<16xi32>,
    %swap3A_110 = vector.shape_cast %swap3A_109 : vector<16xi32> to vector<16xi32>
    %swap3A_111 = vector.shape_cast %mul3A_105 : vector<16xi32> to vector<16xi32>
    tpu.vector_store %arg10[%swap3A_108], %swap3A_111 {strides = array<i32>} : memref<160xi32, #tpu.memory_space<vmem>>, vector<16xi32>,
    %get3A_112 = arith.constant 48 : index
    %get3A_113 = tpu.vector_load %arg12[%get3A_112] {strides = array<i32>} : memref<160xi32, #tpu.memory_space<vmem>>, vector<16xi32>,
    %get3A_114 = vector.shape_cast %get3A_113 : vector<16xi32> to vector<16xi32>
    %add3A_115 = arith.constant 48 : i32
    %add3A_116 = arith.addi %sub3A_39, %add3A_115 : i32
    %swap3A_117 = arith.index_cast %add3A_116 : i32 to index
    %swap3A_118 = tpu.vector_load %arg11[%swap3A_117] {strides = array<i32>} : memref<160xi32, #tpu.memory_space<vmem>>, vector<16xi32>,
    %swap3A_119 = vector.shape_cast %swap3A_118 : vector<16xi32> to vector<16xi32>
    %swap3A_120 = vector.shape_cast %get3A_114 : vector<16xi32> to vector<16xi32>
    tpu.vector_store %arg11[%swap3A_117], %swap3A_120 {strides = array<i32>} : memref<160xi32, #tpu.memory_space<vmem>>, vector<16xi32>,
    %broadcast_in_dim3A_121 = arith.constant 0 : i32
    %broadcast_in_dim3A_122 = vector.broadcast %broadcast_in_dim3A_121 : i32 to vector<16xi32>
    %broadcast_in_dim3A_123 = arith.constant 0 : i32
    %broadcast_in_dim3A_124 = vector.broadcast %broadcast_in_dim3A_123 : i32 to vector<16xi32>
    %broadcast_in_dim3A_125 = arith.constant 0 : i32
    %broadcast_in_dim3A_126 = vector.broadcast %broadcast_in_dim3A_125 : i32 to vector<16xi32>
    %broadcast_in_dim3A_127 = arith.constant 0 : i32
    %broadcast_in_dim3A_128 = vector.broadcast %broadcast_in_dim3A_127 : i32 to vector<16xi32>
    %get3A_129 = arith.constant 0 : index
    %get3A_130 = tpu.vector_load %arg10[%get3A_129] {strides = array<i32>} : memref<160xi32, #tpu.memory_space<vmem>>, vector<16xi32>,
    %get3A_131 = vector.shape_cast %get3A_130 : vector<16xi32> to vector<16xi32>
    %get3A_132 = arith.constant 16 : index
    %get3A_133 = tpu.vector_load %arg10[%get3A_132] {strides = array<i32>} : memref<160xi32, #tpu.memory_space<vmem>>, vector<16xi32>,
    %get3A_134 = vector.shape_cast %get3A_133 : vector<16xi32> to vector<16xi32>
    %get3A_135 = arith.constant 32 : index
    %get3A_136 = tpu.vector_load %arg10[%get3A_135] {strides = array<i32>} : memref<160xi32, #tpu.memory_space<vmem>>, vector<16xi32>,
    %get3A_137 = vector.shape_cast %get3A_136 : vector<16xi32> to vector<16xi32>
    %get3A_138 = arith.constant 48 : index
    %get3A_139 = tpu.vector_load %arg10[%get3A_138] {strides = array<i32>} : memref<160xi32, #tpu.memory_space<vmem>>, vector<16xi32>,
    %get3A_140 = vector.shape_cast %get3A_139 : vector<16xi32> to vector<16xi32>
    %get3A_141 = arith.constant 0 : index
    %get3A_142 = tpu.vector_load %arg11[%get3A_141] {strides = array<i32>} : memref<160xi32, #tpu.memory_space<vmem>>, vector<16xi32>,
    %get3A_143 = vector.shape_cast %get3A_142 : vector<16xi32> to vector<16xi32>
    %get3A_144 = arith.constant 16 : index
    %get3A_145 = tpu.vector_load %arg11[%get3A_144] {strides = array<i32>} : memref<160xi32, #tpu.memory_space<vmem>>, vector<16xi32>,
    %get3A_146 = vector.shape_cast %get3A_145 : vector<16xi32> to vector<16xi32>
    %get3A_147 = arith.constant 32 : index
    %get3A_148 = tpu.vector_load %arg11[%get3A_147] {strides = array<i32>} : memref<160xi32, #tpu.memory_space<vmem>>, vector<16xi32>,
    %get3A_149 = vector.shape_cast %get3A_148 : vector<16xi32> to vector<16xi32>
    %get3A_150 = arith.constant 48 : index
    %get3A_151 = tpu.vector_load %arg11[%get3A_150] {strides = array<i32>} : memref<160xi32, #tpu.memory_space<vmem>>, vector<16xi32>,
    %get3A_152 = vector.shape_cast %get3A_151 : vector<16xi32> to vector<16xi32>
    %scan3A_153 = arith.constant 0 : i32
    %scan3A_154 = arith.constant 64 : i32
    %scan3A_155 = arith.addi %scan3A_153, %scan3A_154 : i32
    %scan3A_156 = arith.constant 1 : i32
    %scan3A_157:4 = scf.for %scan3A_1099 = %scan3A_153 to %scan3A_155 step %scan3A_156 iter_args(%scan3A_1100 = %broadcast_in_dim3A_122, %scan3A_1101 = %broadcast_in_dim3A_124, %scan3A_1102 = %broadcast_in_dim3A_126, %scan3A_1103 = %broadcast_in_dim3A_128) -> (vector<16xi32>, vector<16xi32>, vector<16xi32>, vector<16xi32>)  : i32 {
      %get3A_1104 = arith.index_cast %scan3A_1099 : i32 to index
      %get3A_1105 = tpu.vector_load %arg10[%get3A_1104] {strides = array<i32>} : memref<160xi32, #tpu.memory_space<vmem>>, vector<16xi32>,
      %get3A_1106 = vector.shape_cast %get3A_1105 : vector<16xi32> to vector<16xi32>
      %slice3A_1107 = vector.extract_strided_slice %get3A_1106 {offsets = [0], sizes = [1], strides = [1]} : vector<16xi32> to vector<1xi32>
      %squeeze3A_1108 = vector.extract %slice3A_1107[0] : i32 from vector<1xi32>
      %get3A_1109 = arith.index_cast %scan3A_1099 : i32 to index
      %get3A_1110 = tpu.vector_load %arg11[%get3A_1109] {strides = array<i32>} : memref<160xi32, #tpu.memory_space<vmem>>, vector<16xi32>,
      %get3A_1111 = vector.shape_cast %get3A_1110 : vector<16xi32> to vector<16xi32>
      %slice3A_1112 = vector.extract_strided_slice %get3A_1111 {offsets = [0], sizes = [1], strides = [1]} : vector<16xi32> to vector<1xi32>
      %squeeze3A_1113 = vector.extract %slice3A_1112[0] : i32 from vector<1xi32>
      %gt3A = vector.broadcast %squeeze3A_1108 : i32 to vector<16xi32>
      %gt3A_1114 = arith.cmpi sgt, %gt3A, %get3A_131 : vector<16xi32>
      %eq3A_1115 = vector.broadcast %squeeze3A_1108 : i32 to vector<16xi32>
      %eq3A_1116 = arith.cmpi eq, %eq3A_1115, %get3A_131 : vector<16xi32>
      %lt3A = vector.broadcast %squeeze3A_1113 : i32 to vector<16xi32>
      %lt3A_1117 = arith.cmpi slt, %lt3A, %get3A_143 : vector<16xi32>
      %and3A = arith.andi %eq3A_1116, %lt3A_1117 : vector<16xi1>
      %or3A = arith.ori %gt3A_1114, %and3A : vector<16xi1>
      %jit3A = arith.constant 1 : i32
      %jit3A_1118 = arith.constant 0 : i32
      %broadcast_in_dim3A_1119 = vector.broadcast %jit3A : i32 to vector<16xi32>
      %broadcast_in_dim3A_1120 = vector.broadcast %jit3A_1118 : i32 to vector<16xi32>
      %select_n3A_1121 = arith.select %or3A, %broadcast_in_dim3A_1119, %broadcast_in_dim3A_1120 : vector<16xi1>, vector<16xi32>
      %add3A_1122 = arith.addi %scan3A_1100, %select_n3A_1121 : vector<16xi32>
      %gt3A_1123 = vector.broadcast %squeeze3A_1108 : i32 to vector<16xi32>
      %gt3A_1124 = arith.cmpi sgt, %gt3A_1123, %get3A_134 : vector<16xi32>
      %eq3A_1125 = vector.broadcast %squeeze3A_1108 : i32 to vector<16xi32>
      %eq3A_1126 = arith.cmpi eq, %eq3A_1125, %get3A_134 : vector<16xi32>
      %lt3A_1127 = vector.broadcast %squeeze3A_1113 : i32 to vector<16xi32>
      %lt3A_1128 = arith.cmpi slt, %lt3A_1127, %get3A_146 : vector<16xi32>
      %and3A_1129 = arith.andi %eq3A_1126, %lt3A_1128 : vector<16xi1>
      %or3A_1130 = arith.ori %gt3A_1124, %and3A_1129 : vector<16xi1>
      %jit3A_1131 = arith.constant 1 : i32
      %jit3A_1132 = arith.constant 0 : i32
      %broadcast_in_dim3A_1133 = vector.broadcast %jit3A_1131 : i32 to vector<16xi32>
      %broadcast_in_dim3A_1134 = vector.broadcast %jit3A_1132 : i32 to vector<16xi32>
      %select_n3A_1135 = arith.select %or3A_1130, %broadcast_in_dim3A_1133, %broadcast_in_dim3A_1134 : vector<16xi1>, vector<16xi32>
      %add3A_1136 = arith.addi %scan3A_1101, %select_n3A_1135 : vector<16xi32>
      %gt3A_1137 = vector.broadcast %squeeze3A_1108 : i32 to vector<16xi32>
      %gt3A_1138 = arith.cmpi sgt, %gt3A_1137, %get3A_137 : vector<16xi32>
      %eq3A_1139 = vector.broadcast %squeeze3A_1108 : i32 to vector<16xi32>
      %eq3A_1140 = arith.cmpi eq, %eq3A_1139, %get3A_137 : vector<16xi32>
      %lt3A_1141 = vector.broadcast %squeeze3A_1113 : i32 to vector<16xi32>
      %lt3A_1142 = arith.cmpi slt, %lt3A_1141, %get3A_149 : vector<16xi32>
      %and3A_1143 = arith.andi %eq3A_1140, %lt3A_1142 : vector<16xi1>
      %or3A_1144 = arith.ori %gt3A_1138, %and3A_1143 : vector<16xi1>
      %jit3A_1145 = arith.constant 1 : i32
      %jit3A_1146 = arith.constant 0 : i32
      %broadcast_in_dim3A_1147 = vector.broadcast %jit3A_1145 : i32 to vector<16xi32>
      %broadcast_in_dim3A_1148 = vector.broadcast %jit3A_1146 : i32 to vector<16xi32>
      %select_n3A_1149 = arith.select %or3A_1144, %broadcast_in_dim3A_1147, %broadcast_in_dim3A_1148 : vector<16xi1>, vector<16xi32>
      %add3A_1150 = arith.addi %scan3A_1102, %select_n3A_1149 : vector<16xi32>
      %gt3A_1151 = vector.broadcast %squeeze3A_1108 : i32 to vector<16xi32>
      %gt3A_1152 = arith.cmpi sgt, %gt3A_1151, %get3A_140 : vector<16xi32>
      %eq3A_1153 = vector.broadcast %squeeze3A_1108 : i32 to vector<16xi32>
      %eq3A_1154 = arith.cmpi eq, %eq3A_1153, %get3A_140 : vector<16xi32>
      %lt3A_1155 = vector.broadcast %squeeze3A_1113 : i32 to vector<16xi32>
      %lt3A_1156 = arith.cmpi slt, %lt3A_1155, %get3A_152 : vector<16xi32>
      %and3A_1157 = arith.andi %eq3A_1154, %lt3A_1156 : vector<16xi1>
      %or3A_1158 = arith.ori %gt3A_1152, %and3A_1157 : vector<16xi1>
      %jit3A_1159 = arith.constant 1 : i32
      %jit3A_1160 = arith.constant 0 : i32
      %broadcast_in_dim3A_1161 = vector.broadcast %jit3A_1159 : i32 to vector<16xi32>
      %broadcast_in_dim3A_1162 = vector.broadcast %jit3A_1160 : i32 to vector<16xi32>
      %select_n3A_1163 = arith.select %or3A_1158, %broadcast_in_dim3A_1161, %broadcast_in_dim3A_1162 : vector<16xi1>, vector<16xi32>
      %add3A_1164 = arith.addi %scan3A_1103, %select_n3A_1163 : vector<16xi32>
      scf.yield %add3A_1122, %add3A_1136, %add3A_1150, %add3A_1164 : vector<16xi32>, vector<16xi32>, vector<16xi32>, vector<16xi32>
    }
    %scan3A_158 = arith.constant 64 : i32
    %slice3A_159 = vector.extract_strided_slice %get3A_143 {offsets = [0], sizes = [1], strides = [1]} : vector<16xi32> to vector<1xi32>
    %squeeze3A_160 = vector.extract %slice3A_159[0] : i32 from vector<1xi32>
    %slice3A_161 = vector.extract_strided_slice %scan3A_157#0 {offsets = [0], sizes = [1], strides = [1]} : vector<16xi32> to vector<1xi32>
    %squeeze3A_162 = vector.extract %slice3A_161[0] : i32 from vector<1xi32>
    %swap3A_163 = arith.index_cast %squeeze3A_162 : i32 to index
    %swap3A_164 = memref.load %arg15[%swap3A_163] : memref<64xi32, #tpu.memory_space<smem>>
    memref.store %squeeze3A_160, %arg15[%swap3A_163] : memref<64xi32, #tpu.memory_space<smem>>
    %slice3A_165 = vector.extract_strided_slice %get3A_143 {offsets = [1], sizes = [1], strides = [1]} : vector<16xi32> to vector<1xi32>
    %squeeze3A_166 = vector.extract %slice3A_165[0] : i32 from vector<1xi32>
    %slice3A_167 = vector.extract_strided_slice %scan3A_157#0 {offsets = [1], sizes = [1], strides = [1]} : vector<16xi32> to vector<1xi32>
    %squeeze3A_168 = vector.extract %slice3A_167[0] : i32 from vector<1xi32>
    %swap3A_169 = arith.index_cast %squeeze3A_168 : i32 to index
    %swap3A_170 = memref.load %arg15[%swap3A_169] : memref<64xi32, #tpu.memory_space<smem>>
    memref.store %squeeze3A_166, %arg15[%swap3A_169] : memref<64xi32, #tpu.memory_space<smem>>
    %slice3A_171 = vector.extract_strided_slice %get3A_143 {offsets = [2], sizes = [1], strides = [1]} : vector<16xi32> to vector<1xi32>
    %squeeze3A_172 = vector.extract %slice3A_171[0] : i32 from vector<1xi32>
    %slice3A_173 = vector.extract_strided_slice %scan3A_157#0 {offsets = [2], sizes = [1], strides = [1]} : vector<16xi32> to vector<1xi32>
    %squeeze3A_174 = vector.extract %slice3A_173[0] : i32 from vector<1xi32>
    %swap3A_175 = arith.index_cast %squeeze3A_174 : i32 to index
    %swap3A_176 = memref.load %arg15[%swap3A_175] : memref<64xi32, #tpu.memory_space<smem>>
    memref.store %squeeze3A_172, %arg15[%swap3A_175] : memref<64xi32, #tpu.memory_space<smem>>
    %slice3A_177 = vector.extract_strided_slice %get3A_143 {offsets = [3], sizes = [1], strides = [1]} : vector<16xi32> to vector<1xi32>
    %squeeze3A_178 = vector.extract %slice3A_177[0] : i32 from vector<1xi32>
    %slice3A_179 = vector.extract_strided_slice %scan3A_157#0 {offsets = [3], sizes = [1], strides = [1]} : vector<16xi32> to vector<1xi32>
    %squeeze3A_180 = vector.extract %slice3A_179[0] : i32 from vector<1xi32>
    %swap3A_181 = arith.index_cast %squeeze3A_180 : i32 to index
    %swap3A_182 = memref.load %arg15[%swap3A_181] : memref<64xi32, #tpu.memory_space<smem>>
    memref.store %squeeze3A_178, %arg15[%swap3A_181] : memref<64xi32, #tpu.memory_space<smem>>
    %slice3A_183 = vector.extract_strided_slice %get3A_143 {offsets = [4], sizes = [1], strides = [1]} : vector<16xi32> to vector<1xi32>
    %squeeze3A_184 = vector.extract %slice3A_183[0] : i32 from vector<1xi32>
    %slice3A_185 = vector.extract_strided_slice %scan3A_157#0 {offsets = [4], sizes = [1], strides = [1]} : vector<16xi32> to vector<1xi32>
    %squeeze3A_186 = vector.extract %slice3A_185[0] : i32 from vector<1xi32>
    %swap3A_187 = arith.index_cast %squeeze3A_186 : i32 to index
    %swap3A_188 = memref.load %arg15[%swap3A_187] : memref<64xi32, #tpu.memory_space<smem>>
    memref.store %squeeze3A_184, %arg15[%swap3A_187] : memref<64xi32, #tpu.memory_space<smem>>
    %slice3A_189 = vector.extract_strided_slice %get3A_143 {offsets = [5], sizes = [1], strides = [1]} : vector<16xi32> to vector<1xi32>
    %squeeze3A_190 = vector.extract %slice3A_189[0] : i32 from vector<1xi32>
    %slice3A_191 = vector.extract_strided_slice %scan3A_157#0 {offsets = [5], sizes = [1], strides = [1]} : vector<16xi32> to vector<1xi32>
    %squeeze3A_192 = vector.extract %slice3A_191[0] : i32 from vector<1xi32>
    %swap3A_193 = arith.index_cast %squeeze3A_192 : i32 to index
    %swap3A_194 = memref.load %arg15[%swap3A_193] : memref<64xi32, #tpu.memory_space<smem>>
    memref.store %squeeze3A_190, %arg15[%swap3A_193] : memref<64xi32, #tpu.memory_space<smem>>
    %slice3A_195 = vector.extract_strided_slice %get3A_143 {offsets = [6], sizes = [1], strides = [1]} : vector<16xi32> to vector<1xi32>
    %squeeze3A_196 = vector.extract %slice3A_195[0] : i32 from vector<1xi32>
    %slice3A_197 = vector.extract_strided_slice %scan3A_157#0 {offsets = [6], sizes = [1], strides = [1]} : vector<16xi32> to vector<1xi32>
    %squeeze3A_198 = vector.extract %slice3A_197[0] : i32 from vector<1xi32>
    %swap3A_199 = arith.index_cast %squeeze3A_198 : i32 to index
    %swap3A_200 = memref.load %arg15[%swap3A_199] : memref<64xi32, #tpu.memory_space<smem>>
    memref.store %squeeze3A_196, %arg15[%swap3A_199] : memref<64xi32, #tpu.memory_space<smem>>
    %slice3A_201 = vector.extract_strided_slice %get3A_143 {offsets = [7], sizes = [1], strides = [1]} : vector<16xi32> to vector<1xi32>
    %squeeze3A_202 = vector.extract %slice3A_201[0] : i32 from vector<1xi32>
    %slice3A_203 = vector.extract_strided_slice %scan3A_157#0 {offsets = [7], sizes = [1], strides = [1]} : vector<16xi32> to vector<1xi32>
    %squeeze3A_204 = vector.extract %slice3A_203[0] : i32 from vector<1xi32>
    %swap3A_205 = arith.index_cast %squeeze3A_204 : i32 to index
    %swap3A_206 = memref.load %arg15[%swap3A_205] : memref<64xi32, #tpu.memory_space<smem>>
    memref.store %squeeze3A_202, %arg15[%swap3A_205] : memref<64xi32, #tpu.memory_space<smem>>
    %slice3A_207 = vector.extract_strided_slice %get3A_143 {offsets = [8], sizes = [1], strides = [1]} : vector<16xi32> to vector<1xi32>
    %squeeze3A_208 = vector.extract %slice3A_207[0] : i32 from vector<1xi32>
    %slice3A_209 = vector.extract_strided_slice %scan3A_157#0 {offsets = [8], sizes = [1], strides = [1]} : vector<16xi32> to vector<1xi32>
    %squeeze3A_210 = vector.extract %slice3A_209[0] : i32 from vector<1xi32>
    %swap3A_211 = arith.index_cast %squeeze3A_210 : i32 to index
    %swap3A_212 = memref.load %arg15[%swap3A_211] : memref<64xi32, #tpu.memory_space<smem>>
    memref.store %squeeze3A_208, %arg15[%swap3A_211] : memref<64xi32, #tpu.memory_space<smem>>
    %slice3A_213 = vector.extract_strided_slice %get3A_143 {offsets = [9], sizes = [1], strides = [1]} : vector<16xi32> to vector<1xi32>
    %squeeze3A_214 = vector.extract %slice3A_213[0] : i32 from vector<1xi32>
    %slice3A_215 = vector.extract_strided_slice %scan3A_157#0 {offsets = [9], sizes = [1], strides = [1]} : vector<16xi32> to vector<1xi32>
    %squeeze3A_216 = vector.extract %slice3A_215[0] : i32 from vector<1xi32>
    %swap3A_217 = arith.index_cast %squeeze3A_216 : i32 to index
    %swap3A_218 = memref.load %arg15[%swap3A_217] : memref<64xi32, #tpu.memory_space<smem>>
    memref.store %squeeze3A_214, %arg15[%swap3A_217] : memref<64xi32, #tpu.memory_space<smem>>
    %slice3A_219 = vector.extract_strided_slice %get3A_143 {offsets = [10], sizes = [1], strides = [1]} : vector<16xi32> to vector<1xi32>
    %squeeze3A_220 = vector.extract %slice3A_219[0] : i32 from vector<1xi32>
    %slice3A_221 = vector.extract_strided_slice %scan3A_157#0 {offsets = [10], sizes = [1], strides = [1]} : vector<16xi32> to vector<1xi32>
    %squeeze3A_222 = vector.extract %slice3A_221[0] : i32 from vector<1xi32>
    %swap3A_223 = arith.index_cast %squeeze3A_222 : i32 to index
    %swap3A_224 = memref.load %arg15[%swap3A_223] : memref<64xi32, #tpu.memory_space<smem>>
    memref.store %squeeze3A_220, %arg15[%swap3A_223] : memref<64xi32, #tpu.memory_space<smem>>
    %slice3A_225 = vector.extract_strided_slice %get3A_143 {offsets = [11], sizes = [1], strides = [1]} : vector<16xi32> to vector<1xi32>
    %squeeze3A_226 = vector.extract %slice3A_225[0] : i32 from vector<1xi32>
    %slice3A_227 = vector.extract_strided_slice %scan3A_157#0 {offsets = [11], sizes = [1], strides = [1]} : vector<16xi32> to vector<1xi32>
    %squeeze3A_228 = vector.extract %slice3A_227[0] : i32 from vector<1xi32>
    %swap3A_229 = arith.index_cast %squeeze3A_228 : i32 to index
    %swap3A_230 = memref.load %arg15[%swap3A_229] : memref<64xi32, #tpu.memory_space<smem>>
    memref.store %squeeze3A_226, %arg15[%swap3A_229] : memref<64xi32, #tpu.memory_space<smem>>
    %slice3A_231 = vector.extract_strided_slice %get3A_143 {offsets = [12], sizes = [1], strides = [1]} : vector<16xi32> to vector<1xi32>
    %squeeze3A_232 = vector.extract %slice3A_231[0] : i32 from vector<1xi32>
    %slice3A_233 = vector.extract_strided_slice %scan3A_157#0 {offsets = [12], sizes = [1], strides = [1]} : vector<16xi32> to vector<1xi32>
    %squeeze3A_234 = vector.extract %slice3A_233[0] : i32 from vector<1xi32>
    %swap3A_235 = arith.index_cast %squeeze3A_234 : i32 to index
    %swap3A_236 = memref.load %arg15[%swap3A_235] : memref<64xi32, #tpu.memory_space<smem>>
    memref.store %squeeze3A_232, %arg15[%swap3A_235] : memref<64xi32, #tpu.memory_space<smem>>
    %slice3A_237 = vector.extract_strided_slice %get3A_143 {offsets = [13], sizes = [1], strides = [1]} : vector<16xi32> to vector<1xi32>
    %squeeze3A_238 = vector.extract %slice3A_237[0] : i32 from vector<1xi32>
    %slice3A_239 = vector.extract_strided_slice %scan3A_157#0 {offsets = [13], sizes = [1], strides = [1]} : vector<16xi32> to vector<1xi32>
    %squeeze3A_240 = vector.extract %slice3A_239[0] : i32 from vector<1xi32>
    %swap3A_241 = arith.index_cast %squeeze3A_240 : i32 to index
    %swap3A_242 = memref.load %arg15[%swap3A_241] : memref<64xi32, #tpu.memory_space<smem>>
    memref.store %squeeze3A_238, %arg15[%swap3A_241] : memref<64xi32, #tpu.memory_space<smem>>
    %slice3A_243 = vector.extract_strided_slice %get3A_143 {offsets = [14], sizes = [1], strides = [1]} : vector<16xi32> to vector<1xi32>
    %squeeze3A_244 = vector.extract %slice3A_243[0] : i32 from vector<1xi32>
    %slice3A_245 = vector.extract_strided_slice %scan3A_157#0 {offsets = [14], sizes = [1], strides = [1]} : vector<16xi32> to vector<1xi32>
    %squeeze3A_246 = vector.extract %slice3A_245[0] : i32 from vector<1xi32>
    %swap3A_247 = arith.index_cast %squeeze3A_246 : i32 to index
    %swap3A_248 = memref.load %arg15[%swap3A_247] : memref<64xi32, #tpu.memory_space<smem>>
    memref.store %squeeze3A_244, %arg15[%swap3A_247] : memref<64xi32, #tpu.memory_space<smem>>
    %slice3A_249 = vector.extract_strided_slice %get3A_143 {offsets = [15], sizes = [1], strides = [1]} : vector<16xi32> to vector<1xi32>
    %squeeze3A_250 = vector.extract %slice3A_249[0] : i32 from vector<1xi32>
    %slice3A_251 = vector.extract_strided_slice %scan3A_157#0 {offsets = [15], sizes = [1], strides = [1]} : vector<16xi32> to vector<1xi32>
    %squeeze3A_252 = vector.extract %slice3A_251[0] : i32 from vector<1xi32>
    %swap3A_253 = arith.index_cast %squeeze3A_252 : i32 to index
    %swap3A_254 = memref.load %arg15[%swap3A_253] : memref<64xi32, #tpu.memory_space<smem>>
    memref.store %squeeze3A_250, %arg15[%swap3A_253] : memref<64xi32, #tpu.memory_space<smem>>
    %slice3A_255 = vector.extract_strided_slice %get3A_146 {offsets = [0], sizes = [1], strides = [1]} : vector<16xi32> to vector<1xi32>
    %squeeze3A_256 = vector.extract %slice3A_255[0] : i32 from vector<1xi32>
    %slice3A_257 = vector.extract_strided_slice %scan3A_157#1 {offsets = [0], sizes = [1], strides = [1]} : vector<16xi32> to vector<1xi32>
    %squeeze3A_258 = vector.extract %slice3A_257[0] : i32 from vector<1xi32>
    %swap3A_259 = arith.index_cast %squeeze3A_258 : i32 to index
    %swap3A_260 = memref.load %arg15[%swap3A_259] : memref<64xi32, #tpu.memory_space<smem>>
    memref.store %squeeze3A_256, %arg15[%swap3A_259] : memref<64xi32, #tpu.memory_space<smem>>
    %slice3A_261 = vector.extract_strided_slice %get3A_146 {offsets = [1], sizes = [1], strides = [1]} : vector<16xi32> to vector<1xi32>
    %squeeze3A_262 = vector.extract %slice3A_261[0] : i32 from vector<1xi32>
    %slice3A_263 = vector.extract_strided_slice %scan3A_157#1 {offsets = [1], sizes = [1], strides = [1]} : vector<16xi32> to vector<1xi32>
    %squeeze3A_264 = vector.extract %slice3A_263[0] : i32 from vector<1xi32>
    %swap3A_265 = arith.index_cast %squeeze3A_264 : i32 to index
    %swap3A_266 = memref.load %arg15[%swap3A_265] : memref<64xi32, #tpu.memory_space<smem>>
    memref.store %squeeze3A_262, %arg15[%swap3A_265] : memref<64xi32, #tpu.memory_space<smem>>
    %slice3A_267 = vector.extract_strided_slice %get3A_146 {offsets = [2], sizes = [1], strides = [1]} : vector<16xi32> to vector<1xi32>
    %squeeze3A_268 = vector.extract %slice3A_267[0] : i32 from vector<1xi32>
    %slice3A_269 = vector.extract_strided_slice %scan3A_157#1 {offsets = [2], sizes = [1], strides = [1]} : vector<16xi32> to vector<1xi32>
    %squeeze3A_270 = vector.extract %slice3A_269[0] : i32 from vector<1xi32>
    %swap3A_271 = arith.index_cast %squeeze3A_270 : i32 to index
    %swap3A_272 = memref.load %arg15[%swap3A_271] : memref<64xi32, #tpu.memory_space<smem>>
    memref.store %squeeze3A_268, %arg15[%swap3A_271] : memref<64xi32, #tpu.memory_space<smem>>
    %slice3A_273 = vector.extract_strided_slice %get3A_146 {offsets = [3], sizes = [1], strides = [1]} : vector<16xi32> to vector<1xi32>
    %squeeze3A_274 = vector.extract %slice3A_273[0] : i32 from vector<1xi32>
    %slice3A_275 = vector.extract_strided_slice %scan3A_157#1 {offsets = [3], sizes = [1], strides = [1]} : vector<16xi32> to vector<1xi32>
    %squeeze3A_276 = vector.extract %slice3A_275[0] : i32 from vector<1xi32>
    %swap3A_277 = arith.index_cast %squeeze3A_276 : i32 to index
    %swap3A_278 = memref.load %arg15[%swap3A_277] : memref<64xi32, #tpu.memory_space<smem>>
    memref.store %squeeze3A_274, %arg15[%swap3A_277] : memref<64xi32, #tpu.memory_space<smem>>
    %slice3A_279 = vector.extract_strided_slice %get3A_146 {offsets = [4], sizes = [1], strides = [1]} : vector<16xi32> to vector<1xi32>
    %squeeze3A_280 = vector.extract %slice3A_279[0] : i32 from vector<1xi32>
    %slice3A_281 = vector.extract_strided_slice %scan3A_157#1 {offsets = [4], sizes = [1], strides = [1]} : vector<16xi32> to vector<1xi32>
    %squeeze3A_282 = vector.extract %slice3A_281[0] : i32 from vector<1xi32>
    %swap3A_283 = arith.index_cast %squeeze3A_282 : i32 to index
    %swap3A_284 = memref.load %arg15[%swap3A_283] : memref<64xi32, #tpu.memory_space<smem>>
    memref.store %squeeze3A_280, %arg15[%swap3A_283] : memref<64xi32, #tpu.memory_space<smem>>
    %slice3A_285 = vector.extract_strided_slice %get3A_146 {offsets = [5], sizes = [1], strides = [1]} : vector<16xi32> to vector<1xi32>
    %squeeze3A_286 = vector.extract %slice3A_285[0] : i32 from vector<1xi32>
    %slice3A_287 = vector.extract_strided_slice %scan3A_157#1 {offsets = [5], sizes = [1], strides = [1]} : vector<16xi32> to vector<1xi32>
    %squeeze3A_288 = vector.extract %slice3A_287[0] : i32 from vector<1xi32>
    %swap3A_289 = arith.index_cast %squeeze3A_288 : i32 to index
    %swap3A_290 = memref.load %arg15[%swap3A_289] : memref<64xi32, #tpu.memory_space<smem>>
    memref.store %squeeze3A_286, %arg15[%swap3A_289] : memref<64xi32, #tpu.memory_space<smem>>
    %slice3A_291 = vector.extract_strided_slice %get3A_146 {offsets = [6], sizes = [1], strides = [1]} : vector<16xi32> to vector<1xi32>
    %squeeze3A_292 = vector.extract %slice3A_291[0] : i32 from vector<1xi32>
    %slice3A_293 = vector.extract_strided_slice %scan3A_157#1 {offsets = [6], sizes = [1], strides = [1]} : vector<16xi32> to vector<1xi32>
    %squeeze3A_294 = vector.extract %slice3A_293[0] : i32 from vector<1xi32>
    %swap3A_295 = arith.index_cast %squeeze3A_294 : i32 to index
    %swap3A_296 = memref.load %arg15[%swap3A_295] : memref<64xi32, #tpu.memory_space<smem>>
    memref.store %squeeze3A_292, %arg15[%swap3A_295] : memref<64xi32, #tpu.memory_space<smem>>
    %slice3A_297 = vector.extract_strided_slice %get3A_146 {offsets = [7], sizes = [1], strides = [1]} : vector<16xi32> to vector<1xi32>
    %squeeze3A_298 = vector.extract %slice3A_297[0] : i32 from vector<1xi32>
    %slice3A_299 = vector.extract_strided_slice %scan3A_157#1 {offsets = [7], sizes = [1], strides = [1]} : vector<16xi32> to vector<1xi32>
    %squeeze3A_300 = vector.extract %slice3A_299[0] : i32 from vector<1xi32>
    %swap3A_301 = arith.index_cast %squeeze3A_300 : i32 to index
    %swap3A_302 = memref.load %arg15[%swap3A_301] : memref<64xi32, #tpu.memory_space<smem>>
    memref.store %squeeze3A_298, %arg15[%swap3A_301] : memref<64xi32, #tpu.memory_space<smem>>
    %slice3A_303 = vector.extract_strided_slice %get3A_146 {offsets = [8], sizes = [1], strides = [1]} : vector<16xi32> to vector<1xi32>
    %squeeze3A_304 = vector.extract %slice3A_303[0] : i32 from vector<1xi32>
    %slice3A_305 = vector.extract_strided_slice %scan3A_157#1 {offsets = [8], sizes = [1], strides = [1]} : vector<16xi32> to vector<1xi32>
    %squeeze3A_306 = vector.extract %slice3A_305[0] : i32 from vector<1xi32>
    %swap3A_307 = arith.index_cast %squeeze3A_306 : i32 to index
    %swap3A_308 = memref.load %arg15[%swap3A_307] : memref<64xi32, #tpu.memory_space<smem>>
    memref.store %squeeze3A_304, %arg15[%swap3A_307] : memref<64xi32, #tpu.memory_space<smem>>
    %slice3A_309 = vector.extract_strided_slice %get3A_146 {offsets = [9], sizes = [1], strides = [1]} : vector<16xi32> to vector<1xi32>
    %squeeze3A_310 = vector.extract %slice3A_309[0] : i32 from vector<1xi32>
    %slice3A_311 = vector.extract_strided_slice %scan3A_157#1 {offsets = [9], sizes = [1], strides = [1]} : vector<16xi32> to vector<1xi32>
    %squeeze3A_312 = vector.extract %slice3A_311[0] : i32 from vector<1xi32>
    %swap3A_313 = arith.index_cast %squeeze3A_312 : i32 to index
    %swap3A_314 = memref.load %arg15[%swap3A_313] : memref<64xi32, #tpu.memory_space<smem>>
    memref.store %squeeze3A_310, %arg15[%swap3A_313] : memref<64xi32, #tpu.memory_space<smem>>
    %slice3A_315 = vector.extract_strided_slice %get3A_146 {offsets = [10], sizes = [1], strides = [1]} : vector<16xi32> to vector<1xi32>
    %squeeze3A_316 = vector.extract %slice3A_315[0] : i32 from vector<1xi32>
    %slice3A_317 = vector.extract_strided_slice %scan3A_157#1 {offsets = [10], sizes = [1], strides = [1]} : vector<16xi32> to vector<1xi32>
    %squeeze3A_318 = vector.extract %slice3A_317[0] : i32 from vector<1xi32>
    %swap3A_319 = arith.index_cast %squeeze3A_318 : i32 to index
    %swap3A_320 = memref.load %arg15[%swap3A_319] : memref<64xi32, #tpu.memory_space<smem>>
    memref.store %squeeze3A_316, %arg15[%swap3A_319] : memref<64xi32, #tpu.memory_space<smem>>
    %slice3A_321 = vector.extract_strided_slice %get3A_146 {offsets = [11], sizes = [1], strides = [1]} : vector<16xi32> to vector<1xi32>
    %squeeze3A_322 = vector.extract %slice3A_321[0] : i32 from vector<1xi32>
    %slice3A_323 = vector.extract_strided_slice %scan3A_157#1 {offsets = [11], sizes = [1], strides = [1]} : vector<16xi32> to vector<1xi32>
    %squeeze3A_324 = vector.extract %slice3A_323[0] : i32 from vector<1xi32>
    %swap3A_325 = arith.index_cast %squeeze3A_324 : i32 to index
    %swap3A_326 = memref.load %arg15[%swap3A_325] : memref<64xi32, #tpu.memory_space<smem>>
    memref.store %squeeze3A_322, %arg15[%swap3A_325] : memref<64xi32, #tpu.memory_space<smem>>
    %slice3A_327 = vector.extract_strided_slice %get3A_146 {offsets = [12], sizes = [1], strides = [1]} : vector<16xi32> to vector<1xi32>
    %squeeze3A_328 = vector.extract %slice3A_327[0] : i32 from vector<1xi32>
    %slice3A_329 = vector.extract_strided_slice %scan3A_157#1 {offsets = [12], sizes = [1], strides = [1]} : vector<16xi32> to vector<1xi32>
    %squeeze3A_330 = vector.extract %slice3A_329[0] : i32 from vector<1xi32>
    %swap3A_331 = arith.index_cast %squeeze3A_330 : i32 to index
    %swap3A_332 = memref.load %arg15[%swap3A_331] : memref<64xi32, #tpu.memory_space<smem>>
    memref.store %squeeze3A_328, %arg15[%swap3A_331] : memref<64xi32, #tpu.memory_space<smem>>
    %slice3A_333 = vector.extract_strided_slice %get3A_146 {offsets = [13], sizes = [1], strides = [1]} : vector<16xi32> to vector<1xi32>
    %squeeze3A_334 = vector.extract %slice3A_333[0] : i32 from vector<1xi32>
    %slice3A_335 = vector.extract_strided_slice %scan3A_157#1 {offsets = [13], sizes = [1], strides = [1]} : vector<16xi32> to vector<1xi32>
    %squeeze3A_336 = vector.extract %slice3A_335[0] : i32 from vector<1xi32>
    %swap3A_337 = arith.index_cast %squeeze3A_336 : i32 to index
    %swap3A_338 = memref.load %arg15[%swap3A_337] : memref<64xi32, #tpu.memory_space<smem>>
    memref.store %squeeze3A_334, %arg15[%swap3A_337] : memref<64xi32, #tpu.memory_space<smem>>
    %slice3A_339 = vector.extract_strided_slice %get3A_146 {offsets = [14], sizes = [1], strides = [1]} : vector<16xi32> to vector<1xi32>
    %squeeze3A_340 = vector.extract %slice3A_339[0] : i32 from vector<1xi32>
    %slice3A_341 = vector.extract_strided_slice %scan3A_157#1 {offsets = [14], sizes = [1], strides = [1]} : vector<16xi32> to vector<1xi32>
    %squeeze3A_342 = vector.extract %slice3A_341[0] : i32 from vector<1xi32>
    %swap3A_343 = arith.index_cast %squeeze3A_342 : i32 to index
    %swap3A_344 = memref.load %arg15[%swap3A_343] : memref<64xi32, #tpu.memory_space<smem>>
    memref.store %squeeze3A_340, %arg15[%swap3A_343] : memref<64xi32, #tpu.memory_space<smem>>
    %slice3A_345 = vector.extract_strided_slice %get3A_146 {offsets = [15], sizes = [1], strides = [1]} : vector<16xi32> to vector<1xi32>
    %squeeze3A_346 = vector.extract %slice3A_345[0] : i32 from vector<1xi32>
    %slice3A_347 = vector.extract_strided_slice %scan3A_157#1 {offsets = [15], sizes = [1], strides = [1]} : vector<16xi32> to vector<1xi32>
    %squeeze3A_348 = vector.extract %slice3A_347[0] : i32 from vector<1xi32>
    %swap3A_349 = arith.index_cast %squeeze3A_348 : i32 to index
    %swap3A_350 = memref.load %arg15[%swap3A_349] : memref<64xi32, #tpu.memory_space<smem>>
    memref.store %squeeze3A_346, %arg15[%swap3A_349] : memref<64xi32, #tpu.memory_space<smem>>
    %slice3A_351 = vector.extract_strided_slice %get3A_149 {offsets = [0], sizes = [1], strides = [1]} : vector<16xi32> to vector<1xi32>
    %squeeze3A_352 = vector.extract %slice3A_351[0] : i32 from vector<1xi32>
    %slice3A_353 = vector.extract_strided_slice %scan3A_157#2 {offsets = [0], sizes = [1], strides = [1]} : vector<16xi32> to vector<1xi32>
    %squeeze3A_354 = vector.extract %slice3A_353[0] : i32 from vector<1xi32>
    %swap3A_355 = arith.index_cast %squeeze3A_354 : i32 to index
    %swap3A_356 = memref.load %arg15[%swap3A_355] : memref<64xi32, #tpu.memory_space<smem>>
    memref.store %squeeze3A_352, %arg15[%swap3A_355] : memref<64xi32, #tpu.memory_space<smem>>
    %slice3A_357 = vector.extract_strided_slice %get3A_149 {offsets = [1], sizes = [1], strides = [1]} : vector<16xi32> to vector<1xi32>
    %squeeze3A_358 = vector.extract %slice3A_357[0] : i32 from vector<1xi32>
    %slice3A_359 = vector.extract_strided_slice %scan3A_157#2 {offsets = [1], sizes = [1], strides = [1]} : vector<16xi32> to vector<1xi32>
    %squeeze3A_360 = vector.extract %slice3A_359[0] : i32 from vector<1xi32>
    %swap3A_361 = arith.index_cast %squeeze3A_360 : i32 to index
    %swap3A_362 = memref.load %arg15[%swap3A_361] : memref<64xi32, #tpu.memory_space<smem>>
    memref.store %squeeze3A_358, %arg15[%swap3A_361] : memref<64xi32, #tpu.memory_space<smem>>
    %slice3A_363 = vector.extract_strided_slice %get3A_149 {offsets = [2], sizes = [1], strides = [1]} : vector<16xi32> to vector<1xi32>
    %squeeze3A_364 = vector.extract %slice3A_363[0] : i32 from vector<1xi32>
    %slice3A_365 = vector.extract_strided_slice %scan3A_157#2 {offsets = [2], sizes = [1], strides = [1]} : vector<16xi32> to vector<1xi32>
    %squeeze3A_366 = vector.extract %slice3A_365[0] : i32 from vector<1xi32>
    %swap3A_367 = arith.index_cast %squeeze3A_366 : i32 to index
    %swap3A_368 = memref.load %arg15[%swap3A_367] : memref<64xi32, #tpu.memory_space<smem>>
    memref.store %squeeze3A_364, %arg15[%swap3A_367] : memref<64xi32, #tpu.memory_space<smem>>
    %slice3A_369 = vector.extract_strided_slice %get3A_149 {offsets = [3], sizes = [1], strides = [1]} : vector<16xi32> to vector<1xi32>
    %squeeze3A_370 = vector.extract %slice3A_369[0] : i32 from vector<1xi32>
    %slice3A_371 = vector.extract_strided_slice %scan3A_157#2 {offsets = [3], sizes = [1], strides = [1]} : vector<16xi32> to vector<1xi32>
    %squeeze3A_372 = vector.extract %slice3A_371[0] : i32 from vector<1xi32>
    %swap3A_373 = arith.index_cast %squeeze3A_372 : i32 to index
    %swap3A_374 = memref.load %arg15[%swap3A_373] : memref<64xi32, #tpu.memory_space<smem>>
    memref.store %squeeze3A_370, %arg15[%swap3A_373] : memref<64xi32, #tpu.memory_space<smem>>
    %slice3A_375 = vector.extract_strided_slice %get3A_149 {offsets = [4], sizes = [1], strides = [1]} : vector<16xi32> to vector<1xi32>
    %squeeze3A_376 = vector.extract %slice3A_375[0] : i32 from vector<1xi32>
    %slice3A_377 = vector.extract_strided_slice %scan3A_157#2 {offsets = [4], sizes = [1], strides = [1]} : vector<16xi32> to vector<1xi32>
    %squeeze3A_378 = vector.extract %slice3A_377[0] : i32 from vector<1xi32>
    %swap3A_379 = arith.index_cast %squeeze3A_378 : i32 to index
    %swap3A_380 = memref.load %arg15[%swap3A_379] : memref<64xi32, #tpu.memory_space<smem>>
    memref.store %squeeze3A_376, %arg15[%swap3A_379] : memref<64xi32, #tpu.memory_space<smem>>
    %slice3A_381 = vector.extract_strided_slice %get3A_149 {offsets = [5], sizes = [1], strides = [1]} : vector<16xi32> to vector<1xi32>
    %squeeze3A_382 = vector.extract %slice3A_381[0] : i32 from vector<1xi32>
    %slice3A_383 = vector.extract_strided_slice %scan3A_157#2 {offsets = [5], sizes = [1], strides = [1]} : vector<16xi32> to vector<1xi32>
    %squeeze3A_384 = vector.extract %slice3A_383[0] : i32 from vector<1xi32>
    %swap3A_385 = arith.index_cast %squeeze3A_384 : i32 to index
    %swap3A_386 = memref.load %arg15[%swap3A_385] : memref<64xi32, #tpu.memory_space<smem>>
    memref.store %squeeze3A_382, %arg15[%swap3A_385] : memref<64xi32, #tpu.memory_space<smem>>
    %slice3A_387 = vector.extract_strided_slice %get3A_149 {offsets = [6], sizes = [1], strides = [1]} : vector<16xi32> to vector<1xi32>
    %squeeze3A_388 = vector.extract %slice3A_387[0] : i32 from vector<1xi32>
    %slice3A_389 = vector.extract_strided_slice %scan3A_157#2 {offsets = [6], sizes = [1], strides = [1]} : vector<16xi32> to vector<1xi32>
    %squeeze3A_390 = vector.extract %slice3A_389[0] : i32 from vector<1xi32>
    %swap3A_391 = arith.index_cast %squeeze3A_390 : i32 to index
    %swap3A_392 = memref.load %arg15[%swap3A_391] : memref<64xi32, #tpu.memory_space<smem>>
    memref.store %squeeze3A_388, %arg15[%swap3A_391] : memref<64xi32, #tpu.memory_space<smem>>
    %slice3A_393 = vector.extract_strided_slice %get3A_149 {offsets = [7], sizes = [1], strides = [1]} : vector<16xi32> to vector<1xi32>
    %squeeze3A_394 = vector.extract %slice3A_393[0] : i32 from vector<1xi32>
    %slice3A_395 = vector.extract_strided_slice %scan3A_157#2 {offsets = [7], sizes = [1], strides = [1]} : vector<16xi32> to vector<1xi32>
    %squeeze3A_396 = vector.extract %slice3A_395[0] : i32 from vector<1xi32>
    %swap3A_397 = arith.index_cast %squeeze3A_396 : i32 to index
    %swap3A_398 = memref.load %arg15[%swap3A_397] : memref<64xi32, #tpu.memory_space<smem>>
    memref.store %squeeze3A_394, %arg15[%swap3A_397] : memref<64xi32, #tpu.memory_space<smem>>
    %slice3A_399 = vector.extract_strided_slice %get3A_149 {offsets = [8], sizes = [1], strides = [1]} : vector<16xi32> to vector<1xi32>
    %squeeze3A_400 = vector.extract %slice3A_399[0] : i32 from vector<1xi32>
    %slice3A_401 = vector.extract_strided_slice %scan3A_157#2 {offsets = [8], sizes = [1], strides = [1]} : vector<16xi32> to vector<1xi32>
    %squeeze3A_402 = vector.extract %slice3A_401[0] : i32 from vector<1xi32>
    %swap3A_403 = arith.index_cast %squeeze3A_402 : i32 to index
    %swap3A_404 = memref.load %arg15[%swap3A_403] : memref<64xi32, #tpu.memory_space<smem>>
    memref.store %squeeze3A_400, %arg15[%swap3A_403] : memref<64xi32, #tpu.memory_space<smem>>
    %slice3A_405 = vector.extract_strided_slice %get3A_149 {offsets = [9], sizes = [1], strides = [1]} : vector<16xi32> to vector<1xi32>
    %squeeze3A_406 = vector.extract %slice3A_405[0] : i32 from vector<1xi32>
    %slice3A_407 = vector.extract_strided_slice %scan3A_157#2 {offsets = [9], sizes = [1], strides = [1]} : vector<16xi32> to vector<1xi32>
    %squeeze3A_408 = vector.extract %slice3A_407[0] : i32 from vector<1xi32>
    %swap3A_409 = arith.index_cast %squeeze3A_408 : i32 to index
    %swap3A_410 = memref.load %arg15[%swap3A_409] : memref<64xi32, #tpu.memory_space<smem>>
    memref.store %squeeze3A_406, %arg15[%swap3A_409] : memref<64xi32, #tpu.memory_space<smem>>
    %slice3A_411 = vector.extract_strided_slice %get3A_149 {offsets = [10], sizes = [1], strides = [1]} : vector<16xi32> to vector<1xi32>
    %squeeze3A_412 = vector.extract %slice3A_411[0] : i32 from vector<1xi32>
    %slice3A_413 = vector.extract_strided_slice %scan3A_157#2 {offsets = [10], sizes = [1], strides = [1]} : vector<16xi32> to vector<1xi32>
    %squeeze3A_414 = vector.extract %slice3A_413[0] : i32 from vector<1xi32>
    %swap3A_415 = arith.index_cast %squeeze3A_414 : i32 to index
    %swap3A_416 = memref.load %arg15[%swap3A_415] : memref<64xi32, #tpu.memory_space<smem>>
    memref.store %squeeze3A_412, %arg15[%swap3A_415] : memref<64xi32, #tpu.memory_space<smem>>
    %slice3A_417 = vector.extract_strided_slice %get3A_149 {offsets = [11], sizes = [1], strides = [1]} : vector<16xi32> to vector<1xi32>
    %squeeze3A_418 = vector.extract %slice3A_417[0] : i32 from vector<1xi32>
    %slice3A_419 = vector.extract_strided_slice %scan3A_157#2 {offsets = [11], sizes = [1], strides = [1]} : vector<16xi32> to vector<1xi32>
    %squeeze3A_420 = vector.extract %slice3A_419[0] : i32 from vector<1xi32>
    %swap3A_421 = arith.index_cast %squeeze3A_420 : i32 to index
    %swap3A_422 = memref.load %arg15[%swap3A_421] : memref<64xi32, #tpu.memory_space<smem>>
    memref.store %squeeze3A_418, %arg15[%swap3A_421] : memref<64xi32, #tpu.memory_space<smem>>
    %slice3A_423 = vector.extract_strided_slice %get3A_149 {offsets = [12], sizes = [1], strides = [1]} : vector<16xi32> to vector<1xi32>
    %squeeze3A_424 = vector.extract %slice3A_423[0] : i32 from vector<1xi32>
    %slice3A_425 = vector.extract_strided_slice %scan3A_157#2 {offsets = [12], sizes = [1], strides = [1]} : vector<16xi32> to vector<1xi32>
    %squeeze3A_426 = vector.extract %slice3A_425[0] : i32 from vector<1xi32>
    %swap3A_427 = arith.index_cast %squeeze3A_426 : i32 to index
    %swap3A_428 = memref.load %arg15[%swap3A_427] : memref<64xi32, #tpu.memory_space<smem>>
    memref.store %squeeze3A_424, %arg15[%swap3A_427] : memref<64xi32, #tpu.memory_space<smem>>
    %slice3A_429 = vector.extract_strided_slice %get3A_149 {offsets = [13], sizes = [1], strides = [1]} : vector<16xi32> to vector<1xi32>
    %squeeze3A_430 = vector.extract %slice3A_429[0] : i32 from vector<1xi32>
    %slice3A_431 = vector.extract_strided_slice %scan3A_157#2 {offsets = [13], sizes = [1], strides = [1]} : vector<16xi32> to vector<1xi32>
    %squeeze3A_432 = vector.extract %slice3A_431[0] : i32 from vector<1xi32>
    %swap3A_433 = arith.index_cast %squeeze3A_432 : i32 to index
    %swap3A_434 = memref.load %arg15[%swap3A_433] : memref<64xi32, #tpu.memory_space<smem>>
    memref.store %squeeze3A_430, %arg15[%swap3A_433] : memref<64xi32, #tpu.memory_space<smem>>
    %slice3A_435 = vector.extract_strided_slice %get3A_149 {offsets = [14], sizes = [1], strides = [1]} : vector<16xi32> to vector<1xi32>
    %squeeze3A_436 = vector.extract %slice3A_435[0] : i32 from vector<1xi32>
    %slice3A_437 = vector.extract_strided_slice %scan3A_157#2 {offsets = [14], sizes = [1], strides = [1]} : vector<16xi32> to vector<1xi32>
    %squeeze3A_438 = vector.extract %slice3A_437[0] : i32 from vector<1xi32>
    %swap3A_439 = arith.index_cast %squeeze3A_438 : i32 to index
    %swap3A_440 = memref.load %arg15[%swap3A_439] : memref<64xi32, #tpu.memory_space<smem>>
    memref.store %squeeze3A_436, %arg15[%swap3A_439] : memref<64xi32, #tpu.memory_space<smem>>
    %slice3A_441 = vector.extract_strided_slice %get3A_149 {offsets = [15], sizes = [1], strides = [1]} : vector<16xi32> to vector<1xi32>
    %squeeze3A_442 = vector.extract %slice3A_441[0] : i32 from vector<1xi32>
    %slice3A_443 = vector.extract_strided_slice %scan3A_157#2 {offsets = [15], sizes = [1], strides = [1]} : vector<16xi32> to vector<1xi32>
    %squeeze3A_444 = vector.extract %slice3A_443[0] : i32 from vector<1xi32>
    %swap3A_445 = arith.index_cast %squeeze3A_444 : i32 to index
    %swap3A_446 = memref.load %arg15[%swap3A_445] : memref<64xi32, #tpu.memory_space<smem>>
    memref.store %squeeze3A_442, %arg15[%swap3A_445] : memref<64xi32, #tpu.memory_space<smem>>
    %slice3A_447 = vector.extract_strided_slice %get3A_152 {offsets = [0], sizes = [1], strides = [1]} : vector<16xi32> to vector<1xi32>
    %squeeze3A_448 = vector.extract %slice3A_447[0] : i32 from vector<1xi32>
    %slice3A_449 = vector.extract_strided_slice %scan3A_157#3 {offsets = [0], sizes = [1], strides = [1]} : vector<16xi32> to vector<1xi32>
    %squeeze3A_450 = vector.extract %slice3A_449[0] : i32 from vector<1xi32>
    %swap3A_451 = arith.index_cast %squeeze3A_450 : i32 to index
    %swap3A_452 = memref.load %arg15[%swap3A_451] : memref<64xi32, #tpu.memory_space<smem>>
    memref.store %squeeze3A_448, %arg15[%swap3A_451] : memref<64xi32, #tpu.memory_space<smem>>
    %slice3A_453 = vector.extract_strided_slice %get3A_152 {offsets = [1], sizes = [1], strides = [1]} : vector<16xi32> to vector<1xi32>
    %squeeze3A_454 = vector.extract %slice3A_453[0] : i32 from vector<1xi32>
    %slice3A_455 = vector.extract_strided_slice %scan3A_157#3 {offsets = [1], sizes = [1], strides = [1]} : vector<16xi32> to vector<1xi32>
    %squeeze3A_456 = vector.extract %slice3A_455[0] : i32 from vector<1xi32>
    %swap3A_457 = arith.index_cast %squeeze3A_456 : i32 to index
    %swap3A_458 = memref.load %arg15[%swap3A_457] : memref<64xi32, #tpu.memory_space<smem>>
    memref.store %squeeze3A_454, %arg15[%swap3A_457] : memref<64xi32, #tpu.memory_space<smem>>
    %slice3A_459 = vector.extract_strided_slice %get3A_152 {offsets = [2], sizes = [1], strides = [1]} : vector<16xi32> to vector<1xi32>
    %squeeze3A_460 = vector.extract %slice3A_459[0] : i32 from vector<1xi32>
    %slice3A_461 = vector.extract_strided_slice %scan3A_157#3 {offsets = [2], sizes = [1], strides = [1]} : vector<16xi32> to vector<1xi32>
    %squeeze3A_462 = vector.extract %slice3A_461[0] : i32 from vector<1xi32>
    %swap3A_463 = arith.index_cast %squeeze3A_462 : i32 to index
    %swap3A_464 = memref.load %arg15[%swap3A_463] : memref<64xi32, #tpu.memory_space<smem>>
    memref.store %squeeze3A_460, %arg15[%swap3A_463] : memref<64xi32, #tpu.memory_space<smem>>
    %slice3A_465 = vector.extract_strided_slice %get3A_152 {offsets = [3], sizes = [1], strides = [1]} : vector<16xi32> to vector<1xi32>
    %squeeze3A_466 = vector.extract %slice3A_465[0] : i32 from vector<1xi32>
    %slice3A_467 = vector.extract_strided_slice %scan3A_157#3 {offsets = [3], sizes = [1], strides = [1]} : vector<16xi32> to vector<1xi32>
    %squeeze3A_468 = vector.extract %slice3A_467[0] : i32 from vector<1xi32>
    %swap3A_469 = arith.index_cast %squeeze3A_468 : i32 to index
    %swap3A_470 = memref.load %arg15[%swap3A_469] : memref<64xi32, #tpu.memory_space<smem>>
    memref.store %squeeze3A_466, %arg15[%swap3A_469] : memref<64xi32, #tpu.memory_space<smem>>
    %slice3A_471 = vector.extract_strided_slice %get3A_152 {offsets = [4], sizes = [1], strides = [1]} : vector<16xi32> to vector<1xi32>
    %squeeze3A_472 = vector.extract %slice3A_471[0] : i32 from vector<1xi32>
    %slice3A_473 = vector.extract_strided_slice %scan3A_157#3 {offsets = [4], sizes = [1], strides = [1]} : vector<16xi32> to vector<1xi32>
    %squeeze3A_474 = vector.extract %slice3A_473[0] : i32 from vector<1xi32>
    %swap3A_475 = arith.index_cast %squeeze3A_474 : i32 to index
    %swap3A_476 = memref.load %arg15[%swap3A_475] : memref<64xi32, #tpu.memory_space<smem>>
    memref.store %squeeze3A_472, %arg15[%swap3A_475] : memref<64xi32, #tpu.memory_space<smem>>
    %slice3A_477 = vector.extract_strided_slice %get3A_152 {offsets = [5], sizes = [1], strides = [1]} : vector<16xi32> to vector<1xi32>
    %squeeze3A_478 = vector.extract %slice3A_477[0] : i32 from vector<1xi32>
    %slice3A_479 = vector.extract_strided_slice %scan3A_157#3 {offsets = [5], sizes = [1], strides = [1]} : vector<16xi32> to vector<1xi32>
    %squeeze3A_480 = vector.extract %slice3A_479[0] : i32 from vector<1xi32>
    %swap3A_481 = arith.index_cast %squeeze3A_480 : i32 to index
    %swap3A_482 = memref.load %arg15[%swap3A_481] : memref<64xi32, #tpu.memory_space<smem>>
    memref.store %squeeze3A_478, %arg15[%swap3A_481] : memref<64xi32, #tpu.memory_space<smem>>
    %slice3A_483 = vector.extract_strided_slice %get3A_152 {offsets = [6], sizes = [1], strides = [1]} : vector<16xi32> to vector<1xi32>
    %squeeze3A_484 = vector.extract %slice3A_483[0] : i32 from vector<1xi32>
    %slice3A_485 = vector.extract_strided_slice %scan3A_157#3 {offsets = [6], sizes = [1], strides = [1]} : vector<16xi32> to vector<1xi32>
    %squeeze3A_486 = vector.extract %slice3A_485[0] : i32 from vector<1xi32>
    %swap3A_487 = arith.index_cast %squeeze3A_486 : i32 to index
    %swap3A_488 = memref.load %arg15[%swap3A_487] : memref<64xi32, #tpu.memory_space<smem>>
    memref.store %squeeze3A_484, %arg15[%swap3A_487] : memref<64xi32, #tpu.memory_space<smem>>
    %slice3A_489 = vector.extract_strided_slice %get3A_152 {offsets = [7], sizes = [1], strides = [1]} : vector<16xi32> to vector<1xi32>
    %squeeze3A_490 = vector.extract %slice3A_489[0] : i32 from vector<1xi32>
    %slice3A_491 = vector.extract_strided_slice %scan3A_157#3 {offsets = [7], sizes = [1], strides = [1]} : vector<16xi32> to vector<1xi32>
    %squeeze3A_492 = vector.extract %slice3A_491[0] : i32 from vector<1xi32>
    %swap3A_493 = arith.index_cast %squeeze3A_492 : i32 to index
    %swap3A_494 = memref.load %arg15[%swap3A_493] : memref<64xi32, #tpu.memory_space<smem>>
    memref.store %squeeze3A_490, %arg15[%swap3A_493] : memref<64xi32, #tpu.memory_space<smem>>
    %slice3A_495 = vector.extract_strided_slice %get3A_152 {offsets = [8], sizes = [1], strides = [1]} : vector<16xi32> to vector<1xi32>
    %squeeze3A_496 = vector.extract %slice3A_495[0] : i32 from vector<1xi32>
    %slice3A_497 = vector.extract_strided_slice %scan3A_157#3 {offsets = [8], sizes = [1], strides = [1]} : vector<16xi32> to vector<1xi32>
    %squeeze3A_498 = vector.extract %slice3A_497[0] : i32 from vector<1xi32>
    %swap3A_499 = arith.index_cast %squeeze3A_498 : i32 to index
    %swap3A_500 = memref.load %arg15[%swap3A_499] : memref<64xi32, #tpu.memory_space<smem>>
    memref.store %squeeze3A_496, %arg15[%swap3A_499] : memref<64xi32, #tpu.memory_space<smem>>
    %slice3A_501 = vector.extract_strided_slice %get3A_152 {offsets = [9], sizes = [1], strides = [1]} : vector<16xi32> to vector<1xi32>
    %squeeze3A_502 = vector.extract %slice3A_501[0] : i32 from vector<1xi32>
    %slice3A_503 = vector.extract_strided_slice %scan3A_157#3 {offsets = [9], sizes = [1], strides = [1]} : vector<16xi32> to vector<1xi32>
    %squeeze3A_504 = vector.extract %slice3A_503[0] : i32 from vector<1xi32>
    %swap3A_505 = arith.index_cast %squeeze3A_504 : i32 to index
    %swap3A_506 = memref.load %arg15[%swap3A_505] : memref<64xi32, #tpu.memory_space<smem>>
    memref.store %squeeze3A_502, %arg15[%swap3A_505] : memref<64xi32, #tpu.memory_space<smem>>
    %slice3A_507 = vector.extract_strided_slice %get3A_152 {offsets = [10], sizes = [1], strides = [1]} : vector<16xi32> to vector<1xi32>
    %squeeze3A_508 = vector.extract %slice3A_507[0] : i32 from vector<1xi32>
    %slice3A_509 = vector.extract_strided_slice %scan3A_157#3 {offsets = [10], sizes = [1], strides = [1]} : vector<16xi32> to vector<1xi32>
    %squeeze3A_510 = vector.extract %slice3A_509[0] : i32 from vector<1xi32>
    %swap3A_511 = arith.index_cast %squeeze3A_510 : i32 to index
    %swap3A_512 = memref.load %arg15[%swap3A_511] : memref<64xi32, #tpu.memory_space<smem>>
    memref.store %squeeze3A_508, %arg15[%swap3A_511] : memref<64xi32, #tpu.memory_space<smem>>
    %slice3A_513 = vector.extract_strided_slice %get3A_152 {offsets = [11], sizes = [1], strides = [1]} : vector<16xi32> to vector<1xi32>
    %squeeze3A_514 = vector.extract %slice3A_513[0] : i32 from vector<1xi32>
    %slice3A_515 = vector.extract_strided_slice %scan3A_157#3 {offsets = [11], sizes = [1], strides = [1]} : vector<16xi32> to vector<1xi32>
    %squeeze3A_516 = vector.extract %slice3A_515[0] : i32 from vector<1xi32>
    %swap3A_517 = arith.index_cast %squeeze3A_516 : i32 to index
    %swap3A_518 = memref.load %arg15[%swap3A_517] : memref<64xi32, #tpu.memory_space<smem>>
    memref.store %squeeze3A_514, %arg15[%swap3A_517] : memref<64xi32, #tpu.memory_space<smem>>
    %slice3A_519 = vector.extract_strided_slice %get3A_152 {offsets = [12], sizes = [1], strides = [1]} : vector<16xi32> to vector<1xi32>
    %squeeze3A_520 = vector.extract %slice3A_519[0] : i32 from vector<1xi32>
    %slice3A_521 = vector.extract_strided_slice %scan3A_157#3 {offsets = [12], sizes = [1], strides = [1]} : vector<16xi32> to vector<1xi32>
    %squeeze3A_522 = vector.extract %slice3A_521[0] : i32 from vector<1xi32>
    %swap3A_523 = arith.index_cast %squeeze3A_522 : i32 to index
    %swap3A_524 = memref.load %arg15[%swap3A_523] : memref<64xi32, #tpu.memory_space<smem>>
    memref.store %squeeze3A_520, %arg15[%swap3A_523] : memref<64xi32, #tpu.memory_space<smem>>
    %slice3A_525 = vector.extract_strided_slice %get3A_152 {offsets = [13], sizes = [1], strides = [1]} : vector<16xi32> to vector<1xi32>
    %squeeze3A_526 = vector.extract %slice3A_525[0] : i32 from vector<1xi32>
    %slice3A_527 = vector.extract_strided_slice %scan3A_157#3 {offsets = [13], sizes = [1], strides = [1]} : vector<16xi32> to vector<1xi32>
    %squeeze3A_528 = vector.extract %slice3A_527[0] : i32 from vector<1xi32>
    %swap3A_529 = arith.index_cast %squeeze3A_528 : i32 to index
    %swap3A_530 = memref.load %arg15[%swap3A_529] : memref<64xi32, #tpu.memory_space<smem>>
    memref.store %squeeze3A_526, %arg15[%swap3A_529] : memref<64xi32, #tpu.memory_space<smem>>
    %slice3A_531 = vector.extract_strided_slice %get3A_152 {offsets = [14], sizes = [1], strides = [1]} : vector<16xi32> to vector<1xi32>
    %squeeze3A_532 = vector.extract %slice3A_531[0] : i32 from vector<1xi32>
    %slice3A_533 = vector.extract_strided_slice %scan3A_157#3 {offsets = [14], sizes = [1], strides = [1]} : vector<16xi32> to vector<1xi32>
    %squeeze3A_534 = vector.extract %slice3A_533[0] : i32 from vector<1xi32>
    %swap3A_535 = arith.index_cast %squeeze3A_534 : i32 to index
    %swap3A_536 = memref.load %arg15[%swap3A_535] : memref<64xi32, #tpu.memory_space<smem>>
    memref.store %squeeze3A_532, %arg15[%swap3A_535] : memref<64xi32, #tpu.memory_space<smem>>
    %slice3A_537 = vector.extract_strided_slice %get3A_152 {offsets = [15], sizes = [1], strides = [1]} : vector<16xi32> to vector<1xi32>
    %squeeze3A_538 = vector.extract %slice3A_537[0] : i32 from vector<1xi32>
    %slice3A_539 = vector.extract_strided_slice %scan3A_157#3 {offsets = [15], sizes = [1], strides = [1]} : vector<16xi32> to vector<1xi32>
    %squeeze3A_540 = vector.extract %slice3A_539[0] : i32 from vector<1xi32>
    %swap3A_541 = arith.index_cast %squeeze3A_540 : i32 to index
    %swap3A_542 = memref.load %arg15[%swap3A_541] : memref<64xi32, #tpu.memory_space<smem>>
    memref.store %squeeze3A_538, %arg15[%swap3A_541] : memref<64xi32, #tpu.memory_space<smem>>
    %broadcast_in_dim3A_543 = arith.constant 0 : i32
    %broadcast_in_dim3A_544 = vector.broadcast %broadcast_in_dim3A_543 : i32 to vector<16xi32>
    %eq3A = arith.constant 0 : i32
    %eq3A_545 = vector.broadcast %eq3A : i32 to vector<16xi32>
    %eq3A_546 = arith.cmpi eq, %iota3A, %eq3A_545 : vector<16xi32>
    %get3A_547 = arith.constant 0 : i32
    %get3A_548 = arith.index_cast %get3A_547 : i32 to index
    %get3A_549 = memref.load %arg15[%get3A_548] : memref<64xi32, #tpu.memory_space<smem>>
    %broadcast_in_dim3A_550 = vector.broadcast %get3A_549 : i32 to vector<16xi32>
    %select_n3A = arith.select %eq3A_546, %broadcast_in_dim3A_550, %broadcast_in_dim3A_544 : vector<16xi1>, vector<16xi32>
    %eq3A_551 = arith.constant 1 : i32
    %eq3A_552 = vector.broadcast %eq3A_551 : i32 to vector<16xi32>
    %eq3A_553 = arith.cmpi eq, %iota3A, %eq3A_552 : vector<16xi32>
    %get3A_554 = arith.constant 1 : i32
    %get3A_555 = arith.index_cast %get3A_554 : i32 to index
    %get3A_556 = memref.load %arg15[%get3A_555] : memref<64xi32, #tpu.memory_space<smem>>
    %broadcast_in_dim3A_557 = vector.broadcast %get3A_556 : i32 to vector<16xi32>
    %select_n3A_558 = arith.select %eq3A_553, %broadcast_in_dim3A_557, %select_n3A : vector<16xi1>, vector<16xi32>
    %eq3A_559 = arith.constant 2 : i32
    %eq3A_560 = vector.broadcast %eq3A_559 : i32 to vector<16xi32>
    %eq3A_561 = arith.cmpi eq, %iota3A, %eq3A_560 : vector<16xi32>
    %get3A_562 = arith.constant 2 : i32
    %get3A_563 = arith.index_cast %get3A_562 : i32 to index
    %get3A_564 = memref.load %arg15[%get3A_563] : memref<64xi32, #tpu.memory_space<smem>>
    %broadcast_in_dim3A_565 = vector.broadcast %get3A_564 : i32 to vector<16xi32>
    %select_n3A_566 = arith.select %eq3A_561, %broadcast_in_dim3A_565, %select_n3A_558 : vector<16xi1>, vector<16xi32>
    %eq3A_567 = arith.constant 3 : i32
    %eq3A_568 = vector.broadcast %eq3A_567 : i32 to vector<16xi32>
    %eq3A_569 = arith.cmpi eq, %iota3A, %eq3A_568 : vector<16xi32>
    %get3A_570 = arith.constant 3 : i32
    %get3A_571 = arith.index_cast %get3A_570 : i32 to index
    %get3A_572 = memref.load %arg15[%get3A_571] : memref<64xi32, #tpu.memory_space<smem>>
    %broadcast_in_dim3A_573 = vector.broadcast %get3A_572 : i32 to vector<16xi32>
    %select_n3A_574 = arith.select %eq3A_569, %broadcast_in_dim3A_573, %select_n3A_566 : vector<16xi1>, vector<16xi32>
    %eq3A_575 = arith.constant 4 : i32
    %eq3A_576 = vector.broadcast %eq3A_575 : i32 to vector<16xi32>
    %eq3A_577 = arith.cmpi eq, %iota3A, %eq3A_576 : vector<16xi32>
    %get3A_578 = arith.constant 4 : i32
    %get3A_579 = arith.index_cast %get3A_578 : i32 to index
    %get3A_580 = memref.load %arg15[%get3A_579] : memref<64xi32, #tpu.memory_space<smem>>
    %broadcast_in_dim3A_581 = vector.broadcast %get3A_580 : i32 to vector<16xi32>
    %select_n3A_582 = arith.select %eq3A_577, %broadcast_in_dim3A_581, %select_n3A_574 : vector<16xi1>, vector<16xi32>
    %eq3A_583 = arith.constant 5 : i32
    %eq3A_584 = vector.broadcast %eq3A_583 : i32 to vector<16xi32>
    %eq3A_585 = arith.cmpi eq, %iota3A, %eq3A_584 : vector<16xi32>
    %get3A_586 = arith.constant 5 : i32
    %get3A_587 = arith.index_cast %get3A_586 : i32 to index
    %get3A_588 = memref.load %arg15[%get3A_587] : memref<64xi32, #tpu.memory_space<smem>>
    %broadcast_in_dim3A_589 = vector.broadcast %get3A_588 : i32 to vector<16xi32>
    %select_n3A_590 = arith.select %eq3A_585, %broadcast_in_dim3A_589, %select_n3A_582 : vector<16xi1>, vector<16xi32>
    %eq3A_591 = arith.constant 6 : i32
    %eq3A_592 = vector.broadcast %eq3A_591 : i32 to vector<16xi32>
    %eq3A_593 = arith.cmpi eq, %iota3A, %eq3A_592 : vector<16xi32>
    %get3A_594 = arith.constant 6 : i32
    %get3A_595 = arith.index_cast %get3A_594 : i32 to index
    %get3A_596 = memref.load %arg15[%get3A_595] : memref<64xi32, #tpu.memory_space<smem>>
    %broadcast_in_dim3A_597 = vector.broadcast %get3A_596 : i32 to vector<16xi32>
    %select_n3A_598 = arith.select %eq3A_593, %broadcast_in_dim3A_597, %select_n3A_590 : vector<16xi1>, vector<16xi32>
    %eq3A_599 = arith.constant 7 : i32
    %eq3A_600 = vector.broadcast %eq3A_599 : i32 to vector<16xi32>
    %eq3A_601 = arith.cmpi eq, %iota3A, %eq3A_600 : vector<16xi32>
    %get3A_602 = arith.constant 7 : i32
    %get3A_603 = arith.index_cast %get3A_602 : i32 to index
    %get3A_604 = memref.load %arg15[%get3A_603] : memref<64xi32, #tpu.memory_space<smem>>
    %broadcast_in_dim3A_605 = vector.broadcast %get3A_604 : i32 to vector<16xi32>
    %select_n3A_606 = arith.select %eq3A_601, %broadcast_in_dim3A_605, %select_n3A_598 : vector<16xi1>, vector<16xi32>
    %eq3A_607 = arith.constant 8 : i32
    %eq3A_608 = vector.broadcast %eq3A_607 : i32 to vector<16xi32>
    %eq3A_609 = arith.cmpi eq, %iota3A, %eq3A_608 : vector<16xi32>
    %get3A_610 = arith.constant 8 : i32
    %get3A_611 = arith.index_cast %get3A_610 : i32 to index
    %get3A_612 = memref.load %arg15[%get3A_611] : memref<64xi32, #tpu.memory_space<smem>>
    %broadcast_in_dim3A_613 = vector.broadcast %get3A_612 : i32 to vector<16xi32>
    %select_n3A_614 = arith.select %eq3A_609, %broadcast_in_dim3A_613, %select_n3A_606 : vector<16xi1>, vector<16xi32>
    %eq3A_615 = arith.constant 9 : i32
    %eq3A_616 = vector.broadcast %eq3A_615 : i32 to vector<16xi32>
    %eq3A_617 = arith.cmpi eq, %iota3A, %eq3A_616 : vector<16xi32>
    %get3A_618 = arith.constant 9 : i32
    %get3A_619 = arith.index_cast %get3A_618 : i32 to index
    %get3A_620 = memref.load %arg15[%get3A_619] : memref<64xi32, #tpu.memory_space<smem>>
    %broadcast_in_dim3A_621 = vector.broadcast %get3A_620 : i32 to vector<16xi32>
    %select_n3A_622 = arith.select %eq3A_617, %broadcast_in_dim3A_621, %select_n3A_614 : vector<16xi1>, vector<16xi32>
    %eq3A_623 = arith.constant 10 : i32
    %eq3A_624 = vector.broadcast %eq3A_623 : i32 to vector<16xi32>
    %eq3A_625 = arith.cmpi eq, %iota3A, %eq3A_624 : vector<16xi32>
    %get3A_626 = arith.constant 10 : i32
    %get3A_627 = arith.index_cast %get3A_626 : i32 to index
    %get3A_628 = memref.load %arg15[%get3A_627] : memref<64xi32, #tpu.memory_space<smem>>
    %broadcast_in_dim3A_629 = vector.broadcast %get3A_628 : i32 to vector<16xi32>
    %select_n3A_630 = arith.select %eq3A_625, %broadcast_in_dim3A_629, %select_n3A_622 : vector<16xi1>, vector<16xi32>
    %eq3A_631 = arith.constant 11 : i32
    %eq3A_632 = vector.broadcast %eq3A_631 : i32 to vector<16xi32>
    %eq3A_633 = arith.cmpi eq, %iota3A, %eq3A_632 : vector<16xi32>
    %get3A_634 = arith.constant 11 : i32
    %get3A_635 = arith.index_cast %get3A_634 : i32 to index
    %get3A_636 = memref.load %arg15[%get3A_635] : memref<64xi32, #tpu.memory_space<smem>>
    %broadcast_in_dim3A_637 = vector.broadcast %get3A_636 : i32 to vector<16xi32>
    %select_n3A_638 = arith.select %eq3A_633, %broadcast_in_dim3A_637, %select_n3A_630 : vector<16xi1>, vector<16xi32>
    %eq3A_639 = arith.constant 12 : i32
    %eq3A_640 = vector.broadcast %eq3A_639 : i32 to vector<16xi32>
    %eq3A_641 = arith.cmpi eq, %iota3A, %eq3A_640 : vector<16xi32>
    %get3A_642 = arith.constant 12 : i32
    %get3A_643 = arith.index_cast %get3A_642 : i32 to index
    %get3A_644 = memref.load %arg15[%get3A_643] : memref<64xi32, #tpu.memory_space<smem>>
    %broadcast_in_dim3A_645 = vector.broadcast %get3A_644 : i32 to vector<16xi32>
    %select_n3A_646 = arith.select %eq3A_641, %broadcast_in_dim3A_645, %select_n3A_638 : vector<16xi1>, vector<16xi32>
    %eq3A_647 = arith.constant 13 : i32
    %eq3A_648 = vector.broadcast %eq3A_647 : i32 to vector<16xi32>
    %eq3A_649 = arith.cmpi eq, %iota3A, %eq3A_648 : vector<16xi32>
    %get3A_650 = arith.constant 13 : i32
    %get3A_651 = arith.index_cast %get3A_650 : i32 to index
    %get3A_652 = memref.load %arg15[%get3A_651] : memref<64xi32, #tpu.memory_space<smem>>
    %broadcast_in_dim3A_653 = vector.broadcast %get3A_652 : i32 to vector<16xi32>
    %select_n3A_654 = arith.select %eq3A_649, %broadcast_in_dim3A_653, %select_n3A_646 : vector<16xi1>, vector<16xi32>
    %eq3A_655 = arith.constant 14 : i32
    %eq3A_656 = vector.broadcast %eq3A_655 : i32 to vector<16xi32>
    %eq3A_657 = arith.cmpi eq, %iota3A, %eq3A_656 : vector<16xi32>
    %get3A_658 = arith.constant 14 : i32
    %get3A_659 = arith.index_cast %get3A_658 : i32 to index
    %get3A_660 = memref.load %arg15[%get3A_659] : memref<64xi32, #tpu.memory_space<smem>>
    %broadcast_in_dim3A_661 = vector.broadcast %get3A_660 : i32 to vector<16xi32>
    %select_n3A_662 = arith.select %eq3A_657, %broadcast_in_dim3A_661, %select_n3A_654 : vector<16xi1>, vector<16xi32>
    %eq3A_663 = arith.constant 15 : i32
    %eq3A_664 = vector.broadcast %eq3A_663 : i32 to vector<16xi32>
    %eq3A_665 = arith.cmpi eq, %iota3A, %eq3A_664 : vector<16xi32>
    %get3A_666 = arith.constant 15 : i32
    %get3A_667 = arith.index_cast %get3A_666 : i32 to index
    %get3A_668 = memref.load %arg15[%get3A_667] : memref<64xi32, #tpu.memory_space<smem>>
    %broadcast_in_dim3A_669 = vector.broadcast %get3A_668 : i32 to vector<16xi32>
    %select_n3A_670 = arith.select %eq3A_665, %broadcast_in_dim3A_669, %select_n3A_662 : vector<16xi1>, vector<16xi32>
    %mul3A_671 = arith.constant 10000 : i32
    %mul3A_672 = arith.muli %add3A, %mul3A_671 : i32
    %add3A_673 = vector.broadcast %mul3A_672 : i32 to vector<16xi32>
    %add3A_674 = arith.addi %add3A_673, %select_n3A_670 : vector<16xi32>
    %swap3A_675 = arith.constant 0 : index
    %swap3A_676 = tpu.vector_load %arg13[%swap3A_675] {strides = array<i32>} : memref<64xi32, #tpu.memory_space<vmem>>, vector<16xi32>,
    %swap3A_677 = vector.shape_cast %swap3A_676 : vector<16xi32> to vector<16xi32>
    %swap3A_678 = vector.shape_cast %add3A_674 : vector<16xi32> to vector<16xi32>
    tpu.vector_store %arg13[%swap3A_675], %swap3A_678 {strides = array<i32>} : memref<64xi32, #tpu.memory_space<vmem>>, vector<16xi32>,
    %broadcast_in_dim3A_679 = arith.constant 0 : i32
    %broadcast_in_dim3A_680 = vector.broadcast %broadcast_in_dim3A_679 : i32 to vector<16xi32>
    %eq3A_681 = arith.constant 0 : i32
    %eq3A_682 = vector.broadcast %eq3A_681 : i32 to vector<16xi32>
    %eq3A_683 = arith.cmpi eq, %iota3A, %eq3A_682 : vector<16xi32>
    %get3A_684 = arith.constant 16 : i32
    %get3A_685 = arith.index_cast %get3A_684 : i32 to index
    %get3A_686 = memref.load %arg15[%get3A_685] : memref<64xi32, #tpu.memory_space<smem>>
    %broadcast_in_dim3A_687 = vector.broadcast %get3A_686 : i32 to vector<16xi32>
    %select_n3A_688 = arith.select %eq3A_683, %broadcast_in_dim3A_687, %broadcast_in_dim3A_680 : vector<16xi1>, vector<16xi32>
    %eq3A_689 = arith.constant 1 : i32
    %eq3A_690 = vector.broadcast %eq3A_689 : i32 to vector<16xi32>
    %eq3A_691 = arith.cmpi eq, %iota3A, %eq3A_690 : vector<16xi32>
    %get3A_692 = arith.constant 17 : i32
    %get3A_693 = arith.index_cast %get3A_692 : i32 to index
    %get3A_694 = memref.load %arg15[%get3A_693] : memref<64xi32, #tpu.memory_space<smem>>
    %broadcast_in_dim3A_695 = vector.broadcast %get3A_694 : i32 to vector<16xi32>
    %select_n3A_696 = arith.select %eq3A_691, %broadcast_in_dim3A_695, %select_n3A_688 : vector<16xi1>, vector<16xi32>
    %eq3A_697 = arith.constant 2 : i32
    %eq3A_698 = vector.broadcast %eq3A_697 : i32 to vector<16xi32>
    %eq3A_699 = arith.cmpi eq, %iota3A, %eq3A_698 : vector<16xi32>
    %get3A_700 = arith.constant 18 : i32
    %get3A_701 = arith.index_cast %get3A_700 : i32 to index
    %get3A_702 = memref.load %arg15[%get3A_701] : memref<64xi32, #tpu.memory_space<smem>>
    %broadcast_in_dim3A_703 = vector.broadcast %get3A_702 : i32 to vector<16xi32>
    %select_n3A_704 = arith.select %eq3A_699, %broadcast_in_dim3A_703, %select_n3A_696 : vector<16xi1>, vector<16xi32>
    %eq3A_705 = arith.constant 3 : i32
    %eq3A_706 = vector.broadcast %eq3A_705 : i32 to vector<16xi32>
    %eq3A_707 = arith.cmpi eq, %iota3A, %eq3A_706 : vector<16xi32>
    %get3A_708 = arith.constant 19 : i32
    %get3A_709 = arith.index_cast %get3A_708 : i32 to index
    %get3A_710 = memref.load %arg15[%get3A_709] : memref<64xi32, #tpu.memory_space<smem>>
    %broadcast_in_dim3A_711 = vector.broadcast %get3A_710 : i32 to vector<16xi32>
    %select_n3A_712 = arith.select %eq3A_707, %broadcast_in_dim3A_711, %select_n3A_704 : vector<16xi1>, vector<16xi32>
    %eq3A_713 = arith.constant 4 : i32
    %eq3A_714 = vector.broadcast %eq3A_713 : i32 to vector<16xi32>
    %eq3A_715 = arith.cmpi eq, %iota3A, %eq3A_714 : vector<16xi32>
    %get3A_716 = arith.constant 20 : i32
    %get3A_717 = arith.index_cast %get3A_716 : i32 to index
    %get3A_718 = memref.load %arg15[%get3A_717] : memref<64xi32, #tpu.memory_space<smem>>
    %broadcast_in_dim3A_719 = vector.broadcast %get3A_718 : i32 to vector<16xi32>
    %select_n3A_720 = arith.select %eq3A_715, %broadcast_in_dim3A_719, %select_n3A_712 : vector<16xi1>, vector<16xi32>
    %eq3A_721 = arith.constant 5 : i32
    %eq3A_722 = vector.broadcast %eq3A_721 : i32 to vector<16xi32>
    %eq3A_723 = arith.cmpi eq, %iota3A, %eq3A_722 : vector<16xi32>
    %get3A_724 = arith.constant 21 : i32
    %get3A_725 = arith.index_cast %get3A_724 : i32 to index
    %get3A_726 = memref.load %arg15[%get3A_725] : memref<64xi32, #tpu.memory_space<smem>>
    %broadcast_in_dim3A_727 = vector.broadcast %get3A_726 : i32 to vector<16xi32>
    %select_n3A_728 = arith.select %eq3A_723, %broadcast_in_dim3A_727, %select_n3A_720 : vector<16xi1>, vector<16xi32>
    %eq3A_729 = arith.constant 6 : i32
    %eq3A_730 = vector.broadcast %eq3A_729 : i32 to vector<16xi32>
    %eq3A_731 = arith.cmpi eq, %iota3A, %eq3A_730 : vector<16xi32>
    %get3A_732 = arith.constant 22 : i32
    %get3A_733 = arith.index_cast %get3A_732 : i32 to index
    %get3A_734 = memref.load %arg15[%get3A_733] : memref<64xi32, #tpu.memory_space<smem>>
    %broadcast_in_dim3A_735 = vector.broadcast %get3A_734 : i32 to vector<16xi32>
    %select_n3A_736 = arith.select %eq3A_731, %broadcast_in_dim3A_735, %select_n3A_728 : vector<16xi1>, vector<16xi32>
    %eq3A_737 = arith.constant 7 : i32
    %eq3A_738 = vector.broadcast %eq3A_737 : i32 to vector<16xi32>
    %eq3A_739 = arith.cmpi eq, %iota3A, %eq3A_738 : vector<16xi32>
    %get3A_740 = arith.constant 23 : i32
    %get3A_741 = arith.index_cast %get3A_740 : i32 to index
    %get3A_742 = memref.load %arg15[%get3A_741] : memref<64xi32, #tpu.memory_space<smem>>
    %broadcast_in_dim3A_743 = vector.broadcast %get3A_742 : i32 to vector<16xi32>
    %select_n3A_744 = arith.select %eq3A_739, %broadcast_in_dim3A_743, %select_n3A_736 : vector<16xi1>, vector<16xi32>
    %eq3A_745 = arith.constant 8 : i32
    %eq3A_746 = vector.broadcast %eq3A_745 : i32 to vector<16xi32>
    %eq3A_747 = arith.cmpi eq, %iota3A, %eq3A_746 : vector<16xi32>
    %get3A_748 = arith.constant 24 : i32
    %get3A_749 = arith.index_cast %get3A_748 : i32 to index
    %get3A_750 = memref.load %arg15[%get3A_749] : memref<64xi32, #tpu.memory_space<smem>>
    %broadcast_in_dim3A_751 = vector.broadcast %get3A_750 : i32 to vector<16xi32>
    %select_n3A_752 = arith.select %eq3A_747, %broadcast_in_dim3A_751, %select_n3A_744 : vector<16xi1>, vector<16xi32>
    %eq3A_753 = arith.constant 9 : i32
    %eq3A_754 = vector.broadcast %eq3A_753 : i32 to vector<16xi32>
    %eq3A_755 = arith.cmpi eq, %iota3A, %eq3A_754 : vector<16xi32>
    %get3A_756 = arith.constant 25 : i32
    %get3A_757 = arith.index_cast %get3A_756 : i32 to index
    %get3A_758 = memref.load %arg15[%get3A_757] : memref<64xi32, #tpu.memory_space<smem>>
    %broadcast_in_dim3A_759 = vector.broadcast %get3A_758 : i32 to vector<16xi32>
    %select_n3A_760 = arith.select %eq3A_755, %broadcast_in_dim3A_759, %select_n3A_752 : vector<16xi1>, vector<16xi32>
    %eq3A_761 = arith.constant 10 : i32
    %eq3A_762 = vector.broadcast %eq3A_761 : i32 to vector<16xi32>
    %eq3A_763 = arith.cmpi eq, %iota3A, %eq3A_762 : vector<16xi32>
    %get3A_764 = arith.constant 26 : i32
    %get3A_765 = arith.index_cast %get3A_764 : i32 to index
    %get3A_766 = memref.load %arg15[%get3A_765] : memref<64xi32, #tpu.memory_space<smem>>
    %broadcast_in_dim3A_767 = vector.broadcast %get3A_766 : i32 to vector<16xi32>
    %select_n3A_768 = arith.select %eq3A_763, %broadcast_in_dim3A_767, %select_n3A_760 : vector<16xi1>, vector<16xi32>
    %eq3A_769 = arith.constant 11 : i32
    %eq3A_770 = vector.broadcast %eq3A_769 : i32 to vector<16xi32>
    %eq3A_771 = arith.cmpi eq, %iota3A, %eq3A_770 : vector<16xi32>
    %get3A_772 = arith.constant 27 : i32
    %get3A_773 = arith.index_cast %get3A_772 : i32 to index
    %get3A_774 = memref.load %arg15[%get3A_773] : memref<64xi32, #tpu.memory_space<smem>>
    %broadcast_in_dim3A_775 = vector.broadcast %get3A_774 : i32 to vector<16xi32>
    %select_n3A_776 = arith.select %eq3A_771, %broadcast_in_dim3A_775, %select_n3A_768 : vector<16xi1>, vector<16xi32>
    %eq3A_777 = arith.constant 12 : i32
    %eq3A_778 = vector.broadcast %eq3A_777 : i32 to vector<16xi32>
    %eq3A_779 = arith.cmpi eq, %iota3A, %eq3A_778 : vector<16xi32>
    %get3A_780 = arith.constant 28 : i32
    %get3A_781 = arith.index_cast %get3A_780 : i32 to index
    %get3A_782 = memref.load %arg15[%get3A_781] : memref<64xi32, #tpu.memory_space<smem>>
    %broadcast_in_dim3A_783 = vector.broadcast %get3A_782 : i32 to vector<16xi32>
    %select_n3A_784 = arith.select %eq3A_779, %broadcast_in_dim3A_783, %select_n3A_776 : vector<16xi1>, vector<16xi32>
    %eq3A_785 = arith.constant 13 : i32
    %eq3A_786 = vector.broadcast %eq3A_785 : i32 to vector<16xi32>
    %eq3A_787 = arith.cmpi eq, %iota3A, %eq3A_786 : vector<16xi32>
    %get3A_788 = arith.constant 29 : i32
    %get3A_789 = arith.index_cast %get3A_788 : i32 to index
    %get3A_790 = memref.load %arg15[%get3A_789] : memref<64xi32, #tpu.memory_space<smem>>
    %broadcast_in_dim3A_791 = vector.broadcast %get3A_790 : i32 to vector<16xi32>
    %select_n3A_792 = arith.select %eq3A_787, %broadcast_in_dim3A_791, %select_n3A_784 : vector<16xi1>, vector<16xi32>
    %eq3A_793 = arith.constant 14 : i32
    %eq3A_794 = vector.broadcast %eq3A_793 : i32 to vector<16xi32>
    %eq3A_795 = arith.cmpi eq, %iota3A, %eq3A_794 : vector<16xi32>
    %get3A_796 = arith.constant 30 : i32
    %get3A_797 = arith.index_cast %get3A_796 : i32 to index
    %get3A_798 = memref.load %arg15[%get3A_797] : memref<64xi32, #tpu.memory_space<smem>>
    %broadcast_in_dim3A_799 = vector.broadcast %get3A_798 : i32 to vector<16xi32>
    %select_n3A_800 = arith.select %eq3A_795, %broadcast_in_dim3A_799, %select_n3A_792 : vector<16xi1>, vector<16xi32>
    %eq3A_801 = arith.constant 15 : i32
    %eq3A_802 = vector.broadcast %eq3A_801 : i32 to vector<16xi32>
    %eq3A_803 = arith.cmpi eq, %iota3A, %eq3A_802 : vector<16xi32>
    %get3A_804 = arith.constant 31 : i32
    %get3A_805 = arith.index_cast %get3A_804 : i32 to index
    %get3A_806 = memref.load %arg15[%get3A_805] : memref<64xi32, #tpu.memory_space<smem>>
    %broadcast_in_dim3A_807 = vector.broadcast %get3A_806 : i32 to vector<16xi32>
    %select_n3A_808 = arith.select %eq3A_803, %broadcast_in_dim3A_807, %select_n3A_800 : vector<16xi1>, vector<16xi32>
    %mul3A_809 = arith.constant 10000 : i32
    %mul3A_810 = arith.muli %add3A, %mul3A_809 : i32
    %add3A_811 = vector.broadcast %mul3A_810 : i32 to vector<16xi32>
    %add3A_812 = arith.addi %add3A_811, %select_n3A_808 : vector<16xi32>
    %swap3A_813 = arith.constant 16 : index
    %swap3A_814 = tpu.vector_load %arg13[%swap3A_813] {strides = array<i32>} : memref<64xi32, #tpu.memory_space<vmem>>, vector<16xi32>,
    %swap3A_815 = vector.shape_cast %swap3A_814 : vector<16xi32> to vector<16xi32>
    %swap3A_816 = vector.shape_cast %add3A_812 : vector<16xi32> to vector<16xi32>
    tpu.vector_store %arg13[%swap3A_813], %swap3A_816 {strides = array<i32>} : memref<64xi32, #tpu.memory_space<vmem>>, vector<16xi32>,
    %broadcast_in_dim3A_817 = arith.constant 0 : i32
    %broadcast_in_dim3A_818 = vector.broadcast %broadcast_in_dim3A_817 : i32 to vector<16xi32>
    %eq3A_819 = arith.constant 0 : i32
    %eq3A_820 = vector.broadcast %eq3A_819 : i32 to vector<16xi32>
    %eq3A_821 = arith.cmpi eq, %iota3A, %eq3A_820 : vector<16xi32>
    %get3A_822 = arith.constant 32 : i32
    %get3A_823 = arith.index_cast %get3A_822 : i32 to index
    %get3A_824 = memref.load %arg15[%get3A_823] : memref<64xi32, #tpu.memory_space<smem>>
    %broadcast_in_dim3A_825 = vector.broadcast %get3A_824 : i32 to vector<16xi32>
    %select_n3A_826 = arith.select %eq3A_821, %broadcast_in_dim3A_825, %broadcast_in_dim3A_818 : vector<16xi1>, vector<16xi32>
    %eq3A_827 = arith.constant 1 : i32
    %eq3A_828 = vector.broadcast %eq3A_827 : i32 to vector<16xi32>
    %eq3A_829 = arith.cmpi eq, %iota3A, %eq3A_828 : vector<16xi32>
    %get3A_830 = arith.constant 33 : i32
    %get3A_831 = arith.index_cast %get3A_830 : i32 to index
    %get3A_832 = memref.load %arg15[%get3A_831] : memref<64xi32, #tpu.memory_space<smem>>
    %broadcast_in_dim3A_833 = vector.broadcast %get3A_832 : i32 to vector<16xi32>
    %select_n3A_834 = arith.select %eq3A_829, %broadcast_in_dim3A_833, %select_n3A_826 : vector<16xi1>, vector<16xi32>
    %eq3A_835 = arith.constant 2 : i32
    %eq3A_836 = vector.broadcast %eq3A_835 : i32 to vector<16xi32>
    %eq3A_837 = arith.cmpi eq, %iota3A, %eq3A_836 : vector<16xi32>
    %get3A_838 = arith.constant 34 : i32
    %get3A_839 = arith.index_cast %get3A_838 : i32 to index
    %get3A_840 = memref.load %arg15[%get3A_839] : memref<64xi32, #tpu.memory_space<smem>>
    %broadcast_in_dim3A_841 = vector.broadcast %get3A_840 : i32 to vector<16xi32>
    %select_n3A_842 = arith.select %eq3A_837, %broadcast_in_dim3A_841, %select_n3A_834 : vector<16xi1>, vector<16xi32>
    %eq3A_843 = arith.constant 3 : i32
    %eq3A_844 = vector.broadcast %eq3A_843 : i32 to vector<16xi32>
    %eq3A_845 = arith.cmpi eq, %iota3A, %eq3A_844 : vector<16xi32>
    %get3A_846 = arith.constant 35 : i32
    %get3A_847 = arith.index_cast %get3A_846 : i32 to index
    %get3A_848 = memref.load %arg15[%get3A_847] : memref<64xi32, #tpu.memory_space<smem>>
    %broadcast_in_dim3A_849 = vector.broadcast %get3A_848 : i32 to vector<16xi32>
    %select_n3A_850 = arith.select %eq3A_845, %broadcast_in_dim3A_849, %select_n3A_842 : vector<16xi1>, vector<16xi32>
    %eq3A_851 = arith.constant 4 : i32
    %eq3A_852 = vector.broadcast %eq3A_851 : i32 to vector<16xi32>
    %eq3A_853 = arith.cmpi eq, %iota3A, %eq3A_852 : vector<16xi32>
    %get3A_854 = arith.constant 36 : i32
    %get3A_855 = arith.index_cast %get3A_854 : i32 to index
    %get3A_856 = memref.load %arg15[%get3A_855] : memref<64xi32, #tpu.memory_space<smem>>
    %broadcast_in_dim3A_857 = vector.broadcast %get3A_856 : i32 to vector<16xi32>
    %select_n3A_858 = arith.select %eq3A_853, %broadcast_in_dim3A_857, %select_n3A_850 : vector<16xi1>, vector<16xi32>
    %eq3A_859 = arith.constant 5 : i32
    %eq3A_860 = vector.broadcast %eq3A_859 : i32 to vector<16xi32>
    %eq3A_861 = arith.cmpi eq, %iota3A, %eq3A_860 : vector<16xi32>
    %get3A_862 = arith.constant 37 : i32
    %get3A_863 = arith.index_cast %get3A_862 : i32 to index
    %get3A_864 = memref.load %arg15[%get3A_863] : memref<64xi32, #tpu.memory_space<smem>>
    %broadcast_in_dim3A_865 = vector.broadcast %get3A_864 : i32 to vector<16xi32>
    %select_n3A_866 = arith.select %eq3A_861, %broadcast_in_dim3A_865, %select_n3A_858 : vector<16xi1>, vector<16xi32>
    %eq3A_867 = arith.constant 6 : i32
    %eq3A_868 = vector.broadcast %eq3A_867 : i32 to vector<16xi32>
    %eq3A_869 = arith.cmpi eq, %iota3A, %eq3A_868 : vector<16xi32>
    %get3A_870 = arith.constant 38 : i32
    %get3A_871 = arith.index_cast %get3A_870 : i32 to index
    %get3A_872 = memref.load %arg15[%get3A_871] : memref<64xi32, #tpu.memory_space<smem>>
    %broadcast_in_dim3A_873 = vector.broadcast %get3A_872 : i32 to vector<16xi32>
    %select_n3A_874 = arith.select %eq3A_869, %broadcast_in_dim3A_873, %select_n3A_866 : vector<16xi1>, vector<16xi32>
    %eq3A_875 = arith.constant 7 : i32
    %eq3A_876 = vector.broadcast %eq3A_875 : i32 to vector<16xi32>
    %eq3A_877 = arith.cmpi eq, %iota3A, %eq3A_876 : vector<16xi32>
    %get3A_878 = arith.constant 39 : i32
    %get3A_879 = arith.index_cast %get3A_878 : i32 to index
    %get3A_880 = memref.load %arg15[%get3A_879] : memref<64xi32, #tpu.memory_space<smem>>
    %broadcast_in_dim3A_881 = vector.broadcast %get3A_880 : i32 to vector<16xi32>
    %select_n3A_882 = arith.select %eq3A_877, %broadcast_in_dim3A_881, %select_n3A_874 : vector<16xi1>, vector<16xi32>
    %eq3A_883 = arith.constant 8 : i32
    %eq3A_884 = vector.broadcast %eq3A_883 : i32 to vector<16xi32>
    %eq3A_885 = arith.cmpi eq, %iota3A, %eq3A_884 : vector<16xi32>
    %get3A_886 = arith.constant 40 : i32
    %get3A_887 = arith.index_cast %get3A_886 : i32 to index
    %get3A_888 = memref.load %arg15[%get3A_887] : memref<64xi32, #tpu.memory_space<smem>>
    %broadcast_in_dim3A_889 = vector.broadcast %get3A_888 : i32 to vector<16xi32>
    %select_n3A_890 = arith.select %eq3A_885, %broadcast_in_dim3A_889, %select_n3A_882 : vector<16xi1>, vector<16xi32>
    %eq3A_891 = arith.constant 9 : i32
    %eq3A_892 = vector.broadcast %eq3A_891 : i32 to vector<16xi32>
    %eq3A_893 = arith.cmpi eq, %iota3A, %eq3A_892 : vector<16xi32>
    %get3A_894 = arith.constant 41 : i32
    %get3A_895 = arith.index_cast %get3A_894 : i32 to index
    %get3A_896 = memref.load %arg15[%get3A_895] : memref<64xi32, #tpu.memory_space<smem>>
    %broadcast_in_dim3A_897 = vector.broadcast %get3A_896 : i32 to vector<16xi32>
    %select_n3A_898 = arith.select %eq3A_893, %broadcast_in_dim3A_897, %select_n3A_890 : vector<16xi1>, vector<16xi32>
    %eq3A_899 = arith.constant 10 : i32
    %eq3A_900 = vector.broadcast %eq3A_899 : i32 to vector<16xi32>
    %eq3A_901 = arith.cmpi eq, %iota3A, %eq3A_900 : vector<16xi32>
    %get3A_902 = arith.constant 42 : i32
    %get3A_903 = arith.index_cast %get3A_902 : i32 to index
    %get3A_904 = memref.load %arg15[%get3A_903] : memref<64xi32, #tpu.memory_space<smem>>
    %broadcast_in_dim3A_905 = vector.broadcast %get3A_904 : i32 to vector<16xi32>
    %select_n3A_906 = arith.select %eq3A_901, %broadcast_in_dim3A_905, %select_n3A_898 : vector<16xi1>, vector<16xi32>
    %eq3A_907 = arith.constant 11 : i32
    %eq3A_908 = vector.broadcast %eq3A_907 : i32 to vector<16xi32>
    %eq3A_909 = arith.cmpi eq, %iota3A, %eq3A_908 : vector<16xi32>
    %get3A_910 = arith.constant 43 : i32
    %get3A_911 = arith.index_cast %get3A_910 : i32 to index
    %get3A_912 = memref.load %arg15[%get3A_911] : memref<64xi32, #tpu.memory_space<smem>>
    %broadcast_in_dim3A_913 = vector.broadcast %get3A_912 : i32 to vector<16xi32>
    %select_n3A_914 = arith.select %eq3A_909, %broadcast_in_dim3A_913, %select_n3A_906 : vector<16xi1>, vector<16xi32>
    %eq3A_915 = arith.constant 12 : i32
    %eq3A_916 = vector.broadcast %eq3A_915 : i32 to vector<16xi32>
    %eq3A_917 = arith.cmpi eq, %iota3A, %eq3A_916 : vector<16xi32>
    %get3A_918 = arith.constant 44 : i32
    %get3A_919 = arith.index_cast %get3A_918 : i32 to index
    %get3A_920 = memref.load %arg15[%get3A_919] : memref<64xi32, #tpu.memory_space<smem>>
    %broadcast_in_dim3A_921 = vector.broadcast %get3A_920 : i32 to vector<16xi32>
    %select_n3A_922 = arith.select %eq3A_917, %broadcast_in_dim3A_921, %select_n3A_914 : vector<16xi1>, vector<16xi32>
    %eq3A_923 = arith.constant 13 : i32
    %eq3A_924 = vector.broadcast %eq3A_923 : i32 to vector<16xi32>
    %eq3A_925 = arith.cmpi eq, %iota3A, %eq3A_924 : vector<16xi32>
    %get3A_926 = arith.constant 45 : i32
    %get3A_927 = arith.index_cast %get3A_926 : i32 to index
    %get3A_928 = memref.load %arg15[%get3A_927] : memref<64xi32, #tpu.memory_space<smem>>
    %broadcast_in_dim3A_929 = vector.broadcast %get3A_928 : i32 to vector<16xi32>
    %select_n3A_930 = arith.select %eq3A_925, %broadcast_in_dim3A_929, %select_n3A_922 : vector<16xi1>, vector<16xi32>
    %eq3A_931 = arith.constant 14 : i32
    %eq3A_932 = vector.broadcast %eq3A_931 : i32 to vector<16xi32>
    %eq3A_933 = arith.cmpi eq, %iota3A, %eq3A_932 : vector<16xi32>
    %get3A_934 = arith.constant 46 : i32
    %get3A_935 = arith.index_cast %get3A_934 : i32 to index
    %get3A_936 = memref.load %arg15[%get3A_935] : memref<64xi32, #tpu.memory_space<smem>>
    %broadcast_in_dim3A_937 = vector.broadcast %get3A_936 : i32 to vector<16xi32>
    %select_n3A_938 = arith.select %eq3A_933, %broadcast_in_dim3A_937, %select_n3A_930 : vector<16xi1>, vector<16xi32>
    %eq3A_939 = arith.constant 15 : i32
    %eq3A_940 = vector.broadcast %eq3A_939 : i32 to vector<16xi32>
    %eq3A_941 = arith.cmpi eq, %iota3A, %eq3A_940 : vector<16xi32>
    %get3A_942 = arith.constant 47 : i32
    %get3A_943 = arith.index_cast %get3A_942 : i32 to index
    %get3A_944 = memref.load %arg15[%get3A_943] : memref<64xi32, #tpu.memory_space<smem>>
    %broadcast_in_dim3A_945 = vector.broadcast %get3A_944 : i32 to vector<16xi32>
    %select_n3A_946 = arith.select %eq3A_941, %broadcast_in_dim3A_945, %select_n3A_938 : vector<16xi1>, vector<16xi32>
    %mul3A_947 = arith.constant 10000 : i32
    %mul3A_948 = arith.muli %add3A, %mul3A_947 : i32
    %add3A_949 = vector.broadcast %mul3A_948 : i32 to vector<16xi32>
    %add3A_950 = arith.addi %add3A_949, %select_n3A_946 : vector<16xi32>
    %swap3A_951 = arith.constant 32 : index
    %swap3A_952 = tpu.vector_load %arg13[%swap3A_951] {strides = array<i32>} : memref<64xi32, #tpu.memory_space<vmem>>, vector<16xi32>,
    %swap3A_953 = vector.shape_cast %swap3A_952 : vector<16xi32> to vector<16xi32>
    %swap3A_954 = vector.shape_cast %add3A_950 : vector<16xi32> to vector<16xi32>
    tpu.vector_store %arg13[%swap3A_951], %swap3A_954 {strides = array<i32>} : memref<64xi32, #tpu.memory_space<vmem>>, vector<16xi32>,
    %broadcast_in_dim3A_955 = arith.constant 0 : i32
    %broadcast_in_dim3A_956 = vector.broadcast %broadcast_in_dim3A_955 : i32 to vector<16xi32>
    %eq3A_957 = arith.constant 0 : i32
    %eq3A_958 = vector.broadcast %eq3A_957 : i32 to vector<16xi32>
    %eq3A_959 = arith.cmpi eq, %iota3A, %eq3A_958 : vector<16xi32>
    %get3A_960 = arith.constant 48 : i32
    %get3A_961 = arith.index_cast %get3A_960 : i32 to index
    %get3A_962 = memref.load %arg15[%get3A_961] : memref<64xi32, #tpu.memory_space<smem>>
    %broadcast_in_dim3A_963 = vector.broadcast %get3A_962 : i32 to vector<16xi32>
    %select_n3A_964 = arith.select %eq3A_959, %broadcast_in_dim3A_963, %broadcast_in_dim3A_956 : vector<16xi1>, vector<16xi32>
    %eq3A_965 = arith.constant 1 : i32
    %eq3A_966 = vector.broadcast %eq3A_965 : i32 to vector<16xi32>
    %eq3A_967 = arith.cmpi eq, %iota3A, %eq3A_966 : vector<16xi32>
    %get3A_968 = arith.constant 49 : i32
    %get3A_969 = arith.index_cast %get3A_968 : i32 to index
    %get3A_970 = memref.load %arg15[%get3A_969] : memref<64xi32, #tpu.memory_space<smem>>
    %broadcast_in_dim3A_971 = vector.broadcast %get3A_970 : i32 to vector<16xi32>
    %select_n3A_972 = arith.select %eq3A_967, %broadcast_in_dim3A_971, %select_n3A_964 : vector<16xi1>, vector<16xi32>
    %eq3A_973 = arith.constant 2 : i32
    %eq3A_974 = vector.broadcast %eq3A_973 : i32 to vector<16xi32>
    %eq3A_975 = arith.cmpi eq, %iota3A, %eq3A_974 : vector<16xi32>
    %get3A_976 = arith.constant 50 : i32
    %get3A_977 = arith.index_cast %get3A_976 : i32 to index
    %get3A_978 = memref.load %arg15[%get3A_977] : memref<64xi32, #tpu.memory_space<smem>>
    %broadcast_in_dim3A_979 = vector.broadcast %get3A_978 : i32 to vector<16xi32>
    %select_n3A_980 = arith.select %eq3A_975, %broadcast_in_dim3A_979, %select_n3A_972 : vector<16xi1>, vector<16xi32>
    %eq3A_981 = arith.constant 3 : i32
    %eq3A_982 = vector.broadcast %eq3A_981 : i32 to vector<16xi32>
    %eq3A_983 = arith.cmpi eq, %iota3A, %eq3A_982 : vector<16xi32>
    %get3A_984 = arith.constant 51 : i32
    %get3A_985 = arith.index_cast %get3A_984 : i32 to index
    %get3A_986 = memref.load %arg15[%get3A_985] : memref<64xi32, #tpu.memory_space<smem>>
    %broadcast_in_dim3A_987 = vector.broadcast %get3A_986 : i32 to vector<16xi32>
    %select_n3A_988 = arith.select %eq3A_983, %broadcast_in_dim3A_987, %select_n3A_980 : vector<16xi1>, vector<16xi32>
    %eq3A_989 = arith.constant 4 : i32
    %eq3A_990 = vector.broadcast %eq3A_989 : i32 to vector<16xi32>
    %eq3A_991 = arith.cmpi eq, %iota3A, %eq3A_990 : vector<16xi32>
    %get3A_992 = arith.constant 52 : i32
    %get3A_993 = arith.index_cast %get3A_992 : i32 to index
    %get3A_994 = memref.load %arg15[%get3A_993] : memref<64xi32, #tpu.memory_space<smem>>
    %broadcast_in_dim3A_995 = vector.broadcast %get3A_994 : i32 to vector<16xi32>
    %select_n3A_996 = arith.select %eq3A_991, %broadcast_in_dim3A_995, %select_n3A_988 : vector<16xi1>, vector<16xi32>
    %eq3A_997 = arith.constant 5 : i32
    %eq3A_998 = vector.broadcast %eq3A_997 : i32 to vector<16xi32>
    %eq3A_999 = arith.cmpi eq, %iota3A, %eq3A_998 : vector<16xi32>
    %get3A_1000 = arith.constant 53 : i32
    %get3A_1001 = arith.index_cast %get3A_1000 : i32 to index
    %get3A_1002 = memref.load %arg15[%get3A_1001] : memref<64xi32, #tpu.memory_space<smem>>
    %broadcast_in_dim3A_1003 = vector.broadcast %get3A_1002 : i32 to vector<16xi32>
    %select_n3A_1004 = arith.select %eq3A_999, %broadcast_in_dim3A_1003, %select_n3A_996 : vector<16xi1>, vector<16xi32>
    %eq3A_1005 = arith.constant 6 : i32
    %eq3A_1006 = vector.broadcast %eq3A_1005 : i32 to vector<16xi32>
    %eq3A_1007 = arith.cmpi eq, %iota3A, %eq3A_1006 : vector<16xi32>
    %get3A_1008 = arith.constant 54 : i32
    %get3A_1009 = arith.index_cast %get3A_1008 : i32 to index
    %get3A_1010 = memref.load %arg15[%get3A_1009] : memref<64xi32, #tpu.memory_space<smem>>
    %broadcast_in_dim3A_1011 = vector.broadcast %get3A_1010 : i32 to vector<16xi32>
    %select_n3A_1012 = arith.select %eq3A_1007, %broadcast_in_dim3A_1011, %select_n3A_1004 : vector<16xi1>, vector<16xi32>
    %eq3A_1013 = arith.constant 7 : i32
    %eq3A_1014 = vector.broadcast %eq3A_1013 : i32 to vector<16xi32>
    %eq3A_1015 = arith.cmpi eq, %iota3A, %eq3A_1014 : vector<16xi32>
    %get3A_1016 = arith.constant 55 : i32
    %get3A_1017 = arith.index_cast %get3A_1016 : i32 to index
    %get3A_1018 = memref.load %arg15[%get3A_1017] : memref<64xi32, #tpu.memory_space<smem>>
    %broadcast_in_dim3A_1019 = vector.broadcast %get3A_1018 : i32 to vector<16xi32>
    %select_n3A_1020 = arith.select %eq3A_1015, %broadcast_in_dim3A_1019, %select_n3A_1012 : vector<16xi1>, vector<16xi32>
    %eq3A_1021 = arith.constant 8 : i32
    %eq3A_1022 = vector.broadcast %eq3A_1021 : i32 to vector<16xi32>
    %eq3A_1023 = arith.cmpi eq, %iota3A, %eq3A_1022 : vector<16xi32>
    %get3A_1024 = arith.constant 56 : i32
    %get3A_1025 = arith.index_cast %get3A_1024 : i32 to index
    %get3A_1026 = memref.load %arg15[%get3A_1025] : memref<64xi32, #tpu.memory_space<smem>>
    %broadcast_in_dim3A_1027 = vector.broadcast %get3A_1026 : i32 to vector<16xi32>
    %select_n3A_1028 = arith.select %eq3A_1023, %broadcast_in_dim3A_1027, %select_n3A_1020 : vector<16xi1>, vector<16xi32>
    %eq3A_1029 = arith.constant 9 : i32
    %eq3A_1030 = vector.broadcast %eq3A_1029 : i32 to vector<16xi32>
    %eq3A_1031 = arith.cmpi eq, %iota3A, %eq3A_1030 : vector<16xi32>
    %get3A_1032 = arith.constant 57 : i32
    %get3A_1033 = arith.index_cast %get3A_1032 : i32 to index
    %get3A_1034 = memref.load %arg15[%get3A_1033] : memref<64xi32, #tpu.memory_space<smem>>
    %broadcast_in_dim3A_1035 = vector.broadcast %get3A_1034 : i32 to vector<16xi32>
    %select_n3A_1036 = arith.select %eq3A_1031, %broadcast_in_dim3A_1035, %select_n3A_1028 : vector<16xi1>, vector<16xi32>
    %eq3A_1037 = arith.constant 10 : i32
    %eq3A_1038 = vector.broadcast %eq3A_1037 : i32 to vector<16xi32>
    %eq3A_1039 = arith.cmpi eq, %iota3A, %eq3A_1038 : vector<16xi32>
    %get3A_1040 = arith.constant 58 : i32
    %get3A_1041 = arith.index_cast %get3A_1040 : i32 to index
    %get3A_1042 = memref.load %arg15[%get3A_1041] : memref<64xi32, #tpu.memory_space<smem>>
    %broadcast_in_dim3A_1043 = vector.broadcast %get3A_1042 : i32 to vector<16xi32>
    %select_n3A_1044 = arith.select %eq3A_1039, %broadcast_in_dim3A_1043, %select_n3A_1036 : vector<16xi1>, vector<16xi32>
    %eq3A_1045 = arith.constant 11 : i32
    %eq3A_1046 = vector.broadcast %eq3A_1045 : i32 to vector<16xi32>
    %eq3A_1047 = arith.cmpi eq, %iota3A, %eq3A_1046 : vector<16xi32>
    %get3A_1048 = arith.constant 59 : i32
    %get3A_1049 = arith.index_cast %get3A_1048 : i32 to index
    %get3A_1050 = memref.load %arg15[%get3A_1049] : memref<64xi32, #tpu.memory_space<smem>>
    %broadcast_in_dim3A_1051 = vector.broadcast %get3A_1050 : i32 to vector<16xi32>
    %select_n3A_1052 = arith.select %eq3A_1047, %broadcast_in_dim3A_1051, %select_n3A_1044 : vector<16xi1>, vector<16xi32>
    %eq3A_1053 = arith.constant 12 : i32
    %eq3A_1054 = vector.broadcast %eq3A_1053 : i32 to vector<16xi32>
    %eq3A_1055 = arith.cmpi eq, %iota3A, %eq3A_1054 : vector<16xi32>
    %get3A_1056 = arith.constant 60 : i32
    %get3A_1057 = arith.index_cast %get3A_1056 : i32 to index
    %get3A_1058 = memref.load %arg15[%get3A_1057] : memref<64xi32, #tpu.memory_space<smem>>
    %broadcast_in_dim3A_1059 = vector.broadcast %get3A_1058 : i32 to vector<16xi32>
    %select_n3A_1060 = arith.select %eq3A_1055, %broadcast_in_dim3A_1059, %select_n3A_1052 : vector<16xi1>, vector<16xi32>
    %eq3A_1061 = arith.constant 13 : i32
    %eq3A_1062 = vector.broadcast %eq3A_1061 : i32 to vector<16xi32>
    %eq3A_1063 = arith.cmpi eq, %iota3A, %eq3A_1062 : vector<16xi32>
    %get3A_1064 = arith.constant 61 : i32
    %get3A_1065 = arith.index_cast %get3A_1064 : i32 to index
    %get3A_1066 = memref.load %arg15[%get3A_1065] : memref<64xi32, #tpu.memory_space<smem>>
    %broadcast_in_dim3A_1067 = vector.broadcast %get3A_1066 : i32 to vector<16xi32>
    %select_n3A_1068 = arith.select %eq3A_1063, %broadcast_in_dim3A_1067, %select_n3A_1060 : vector<16xi1>, vector<16xi32>
    %eq3A_1069 = arith.constant 14 : i32
    %eq3A_1070 = vector.broadcast %eq3A_1069 : i32 to vector<16xi32>
    %eq3A_1071 = arith.cmpi eq, %iota3A, %eq3A_1070 : vector<16xi32>
    %get3A_1072 = arith.constant 62 : i32
    %get3A_1073 = arith.index_cast %get3A_1072 : i32 to index
    %get3A_1074 = memref.load %arg15[%get3A_1073] : memref<64xi32, #tpu.memory_space<smem>>
    %broadcast_in_dim3A_1075 = vector.broadcast %get3A_1074 : i32 to vector<16xi32>
    %select_n3A_1076 = arith.select %eq3A_1071, %broadcast_in_dim3A_1075, %select_n3A_1068 : vector<16xi1>, vector<16xi32>
    %eq3A_1077 = arith.constant 15 : i32
    %eq3A_1078 = vector.broadcast %eq3A_1077 : i32 to vector<16xi32>
    %eq3A_1079 = arith.cmpi eq, %iota3A, %eq3A_1078 : vector<16xi32>
    %get3A_1080 = arith.constant 63 : i32
    %get3A_1081 = arith.index_cast %get3A_1080 : i32 to index
    %get3A_1082 = memref.load %arg15[%get3A_1081] : memref<64xi32, #tpu.memory_space<smem>>
    %broadcast_in_dim3A_1083 = vector.broadcast %get3A_1082 : i32 to vector<16xi32>
    %select_n3A_1084 = arith.select %eq3A_1079, %broadcast_in_dim3A_1083, %select_n3A_1076 : vector<16xi1>, vector<16xi32>
    %mul3A_1085 = arith.constant 10000 : i32
    %mul3A_1086 = arith.muli %add3A, %mul3A_1085 : i32
    %add3A_1087 = vector.broadcast %mul3A_1086 : i32 to vector<16xi32>
    %add3A_1088 = arith.addi %add3A_1087, %select_n3A_1084 : vector<16xi32>
    %swap3A_1089 = arith.constant 48 : index
    %swap3A_1090 = tpu.vector_load %arg13[%swap3A_1089] {strides = array<i32>} : memref<64xi32, #tpu.memory_space<vmem>>, vector<16xi32>,
    %swap3A_1091 = vector.shape_cast %swap3A_1090 : vector<16xi32> to vector<16xi32>
    %swap3A_1092 = vector.shape_cast %add3A_1088 : vector<16xi32> to vector<16xi32>
    tpu.vector_store %arg13[%swap3A_1089], %swap3A_1092 {strides = array<i32>} : memref<64xi32, #tpu.memory_space<vmem>>, vector<16xi32>,
    %dma_start3A_1093 = arith.constant 0 : i32
    %dma_start3A_1094 = arith.constant 0 : i32
    %dma_start3A_1095 = tpu.memref_slice %arg5[%dma_start3A_1093, %dma_start3A_1094] : memref<320000x128xf32, #tpu.memory_space<hbm>> -> memref<320000x128xf32, #tpu.memory_space<hbm>>
    tpu.enqueue_indirect_dma source(%dma_start3A_1095 : memref<320000x128xf32, #tpu.memory_space<hbm>>) target(%arg14 : memref<64x128xf32, #tpu.memory_space<vmem>>) offsets(%arg13 : memref<64xi32, #tpu.memory_space<vmem>>) semaphore(%arg17 : memref<!tpu.dma_semaphore, #tpu.memory_space<semaphore_mem>>)
    %dma_wait3A_1096 = arith.constant 0 : i32
    %dma_wait3A_1097 = arith.constant 0 : i32
    %dma_wait3A_1098 = tpu.memref_slice %arg5[%dma_wait3A_1096, %dma_wait3A_1097] : memref<320000x128xf32, #tpu.memory_space<hbm>> -> memref<320000x128xf32, #tpu.memory_space<hbm>>
    tpu.wait_indirect_dma semaphore(%arg17 : memref<!tpu.dma_semaphore, #tpu.memory_space<semaphore_mem>>) src(%dma_wait3A_1098 : memref<320000x128xf32, #tpu.memory_space<hbm>>) dst(%arg14 : memref<64x128xf32, #tpu.memory_space<vmem>>)
    "tpu.region"() ({
      %run_scoped3A = tpu.sem_alloc : memref<!tpu.dma_semaphore, #tpu.memory_space<semaphore_mem>>
      %dma_start3A_1099 = arith.constant 0 : i32
      %dma_start3A_1100 = arith.constant 0 : i32
      %dma_start3A_1101 = tpu.memref_slice %arg6[%add3A, %dma_start3A_1099, %dma_start3A_1100] : memref<32x64x128xf32, #tpu.memory_space<hbm>> -> memref<1x64x128xf32, #tpu.memory_space<hbm>>
      %dma_start3A_1102 = tpu.memref_squeeze %dma_start3A_1101 : memref<1x64x128xf32, #tpu.memory_space<hbm>> -> memref<64x128xf32, #tpu.memory_space<hbm>>
      %dma_start3A_1103 = arith.constant 0 : i32
      %dma_start3A_1104 = arith.constant 0 : i32
      %dma_start3A_1105 = tpu.memref_slice %arg6[%add3A, %dma_start3A_1103, %dma_start3A_1104] : memref<32x64x128xf32, #tpu.memory_space<hbm>> -> memref<1x64x128xf32, #tpu.memory_space<hbm>>
      %dma_start3A_1106 = tpu.memref_squeeze %dma_start3A_1105 : memref<1x64x128xf32, #tpu.memory_space<hbm>> -> memref<64x128xf32, #tpu.memory_space<hbm>>
      tpu.enqueue_dma source(%arg14 : memref<64x128xf32, #tpu.memory_space<vmem>>) target(%dma_start3A_1106 : memref<64x128xf32, #tpu.memory_space<hbm>>) target_semaphore(%run_scoped3A : memref<!tpu.dma_semaphore, #tpu.memory_space<semaphore_mem>>)
      %dma_wait3A_1107 = arith.constant 0 : i32
      %dma_wait3A_1108 = arith.constant 0 : i32
      %dma_wait3A_1109 = tpu.memref_slice %arg6[%add3A, %dma_wait3A_1107, %dma_wait3A_1108] : memref<32x64x128xf32, #tpu.memory_space<hbm>> -> memref<1x64x128xf32, #tpu.memory_space<hbm>>
      %dma_wait3A_1110 = tpu.memref_squeeze %dma_wait3A_1109 : memref<1x64x128xf32, #tpu.memory_space<hbm>> -> memref<64x128xf32, #tpu.memory_space<hbm>>
      %dma_wait3A_1111 = arith.constant 0 : i32
      %dma_wait3A_1112 = arith.constant 0 : i32
      %dma_wait3A_1113 = tpu.memref_slice %arg6[%add3A, %dma_wait3A_1111, %dma_wait3A_1112] : memref<32x64x128xf32, #tpu.memory_space<hbm>> -> memref<1x64x128xf32, #tpu.memory_space<hbm>>
      %dma_wait3A_1114 = tpu.memref_squeeze %dma_wait3A_1113 : memref<1x64x128xf32, #tpu.memory_space<hbm>> -> memref<64x128xf32, #tpu.memory_space<hbm>>
      tpu.wait_dma2 semaphore(%run_scoped3A : memref<!tpu.dma_semaphore, #tpu.memory_space<semaphore_mem>>) src(%arg14 : memref<64x128xf32, #tpu.memory_space<vmem>>) dst(%dma_wait3A_1114 : memref<64x128xf32, #tpu.memory_space<hbm>>)
      tpu.yield
    }) : () -> ()
    return
  }
}

#map = affine_map<(d0, d1) -> (0)>
#map1 = affine_map<(d0, d1) -> (0, 0)>
module attributes {stable_mosaic.version = 14 : i64} {
  func.func @keys_extract(%arg0: i32, %arg1: i32, %arg2: memref<40960000xf32, #tpu.memory_space<hbm>>, %arg3: memref<32x10240xi32, #tpu.memory_space<hbm>>, %arg4: memref<32x10240xf32, #tpu.memory_space<hbm>>, %arg5: memref<10240xi32, #tpu.memory_space<vmem>>, %arg6: memref<10240xf32, #tpu.memory_space<vmem>>, %arg7: memref<!tpu.dma_semaphore, #tpu.memory_space<semaphore_mem>>) attributes {dimension_semantics = [#tpu.dimension_semantics<core_parallel>, #tpu.dimension_semantics<subcore_parallel>], iteration_bounds = array<i64: 2, 16>, scalar_prefetch = 0 : i64, scratch_operands = 3 : i64, tpu.core_type = #tpu.core_type<sc_vector_subcore>, window_params = [{transform_indices = #map}, {transform_indices = #map1}, {transform_indices = #map1}]} {
    %mul3A = arith.constant 2 : i32
    %mul3A_0 = arith.muli %arg1, %mul3A : i32
    %add3A = arith.addi %mul3A_0, %arg0 : i32
    "tpu.region"() ({
      %run_scoped3A = tpu.sem_alloc : memref<!tpu.dma_semaphore, #tpu.memory_space<semaphore_mem>>
      %dma_start3A = arith.constant 0 : i32
      %dma_start3A_18 = tpu.memref_slice %arg3[%add3A, %dma_start3A] : memref<32x10240xi32, #tpu.memory_space<hbm>> -> memref<1x10240xi32, #tpu.memory_space<hbm>>
      %dma_start3A_19 = tpu.memref_squeeze %dma_start3A_18 : memref<1x10240xi32, #tpu.memory_space<hbm>> -> memref<10240xi32, #tpu.memory_space<hbm>>
      %dma_start3A_20 = arith.constant 0 : i32
      %dma_start3A_21 = tpu.memref_slice %arg3[%add3A, %dma_start3A_20] : memref<32x10240xi32, #tpu.memory_space<hbm>> -> memref<1x10240xi32, #tpu.memory_space<hbm>>
      %dma_start3A_22 = tpu.memref_squeeze %dma_start3A_21 : memref<1x10240xi32, #tpu.memory_space<hbm>> -> memref<10240xi32, #tpu.memory_space<hbm>>
      tpu.enqueue_dma source(%dma_start3A_22 : memref<10240xi32, #tpu.memory_space<hbm>>) target(%arg5 : memref<10240xi32, #tpu.memory_space<vmem>>) target_semaphore(%run_scoped3A : memref<!tpu.dma_semaphore, #tpu.memory_space<semaphore_mem>>)
      %dma_wait3A = arith.constant 0 : i32
      %dma_wait3A_23 = tpu.memref_slice %arg3[%add3A, %dma_wait3A] : memref<32x10240xi32, #tpu.memory_space<hbm>> -> memref<1x10240xi32, #tpu.memory_space<hbm>>
      %dma_wait3A_24 = tpu.memref_squeeze %dma_wait3A_23 : memref<1x10240xi32, #tpu.memory_space<hbm>> -> memref<10240xi32, #tpu.memory_space<hbm>>
      %dma_wait3A_25 = arith.constant 0 : i32
      %dma_wait3A_26 = tpu.memref_slice %arg3[%add3A, %dma_wait3A_25] : memref<32x10240xi32, #tpu.memory_space<hbm>> -> memref<1x10240xi32, #tpu.memory_space<hbm>>
      %dma_wait3A_27 = tpu.memref_squeeze %dma_wait3A_26 : memref<1x10240xi32, #tpu.memory_space<hbm>> -> memref<10240xi32, #tpu.memory_space<hbm>>
      tpu.wait_dma2 semaphore(%run_scoped3A : memref<!tpu.dma_semaphore, #tpu.memory_space<semaphore_mem>>) src(%dma_wait3A_27 : memref<10240xi32, #tpu.memory_space<hbm>>) dst(%arg5 : memref<10240xi32, #tpu.memory_space<vmem>>)
      tpu.yield
    }) : () -> ()
    %scan3A = arith.constant 0 : i32
    %scan3A_1 = arith.constant 0 : i32
    %scan3A_2 = arith.constant 80 : i32
    %scan3A_3 = arith.addi %scan3A_1, %scan3A_2 : i32
    %scan3A_4 = arith.constant 1 : i32
    scf.for %scan3A_18 = %scan3A_1 to %scan3A_3 step %scan3A_4  : i32 {
      %mul3A_19 = arith.constant 128 : i32
      %mul3A_20 = arith.muli %scan3A_18, %mul3A_19 : i32
      %dma_start3A = tpu.memref_slice %arg6[%mul3A_20] : memref<10240xf32, #tpu.memory_space<vmem>> -> memref<128xf32, #tpu.memory_space<vmem>>
      %dma_start3A_21 = tpu.memref_slice %arg5[%mul3A_20] : memref<10240xi32, #tpu.memory_space<vmem>> -> memref<128xi32, #tpu.memory_space<vmem>>
      %dma_start3A_22 = arith.constant 0 : i32
      %dma_start3A_23 = tpu.memref_slice %arg2[%dma_start3A_22] : memref<40960000xf32, #tpu.memory_space<hbm>> -> memref<40960000xf32, #tpu.memory_space<hbm>>
      tpu.enqueue_indirect_dma source(%dma_start3A_23 : memref<40960000xf32, #tpu.memory_space<hbm>>) target(%dma_start3A : memref<128xf32, #tpu.memory_space<vmem>>) offsets(%dma_start3A_21 : memref<128xi32, #tpu.memory_space<vmem>>) semaphore(%arg7 : memref<!tpu.dma_semaphore, #tpu.memory_space<semaphore_mem>>)
    }
    %scan3A_5 = arith.constant 80 : i32
    %scan3A_6 = arith.constant 0 : i32
    %scan3A_7 = arith.constant 0 : i32
    %scan3A_8 = arith.constant 80 : i32
    %scan3A_9 = arith.addi %scan3A_7, %scan3A_8 : i32
    %scan3A_10 = arith.constant 1 : i32
    scf.for %scan3A_18 = %scan3A_7 to %scan3A_9 step %scan3A_10  : i32 {
      %mul3A_19 = arith.constant 128 : i32
      %mul3A_20 = arith.muli %scan3A_18, %mul3A_19 : i32
      %dma_wait3A = tpu.memref_slice %arg6[%mul3A_20] : memref<10240xf32, #tpu.memory_space<vmem>> -> memref<128xf32, #tpu.memory_space<vmem>>
      %dma_wait3A_21 = tpu.memref_slice %arg5[%mul3A_20] : memref<10240xi32, #tpu.memory_space<vmem>> -> memref<128xi32, #tpu.memory_space<vmem>>
      %dma_wait3A_22 = arith.constant 0 : i32
      %dma_wait3A_23 = tpu.memref_slice %arg2[%dma_wait3A_22] : memref<40960000xf32, #tpu.memory_space<hbm>> -> memref<40960000xf32, #tpu.memory_space<hbm>>
      tpu.wait_indirect_dma semaphore(%arg7 : memref<!tpu.dma_semaphore, #tpu.memory_space<semaphore_mem>>) src(%dma_wait3A_23 : memref<40960000xf32, #tpu.memory_space<hbm>>) dst(%dma_wait3A : memref<128xf32, #tpu.memory_space<vmem>>)
    }
    %scan3A_11 = arith.constant 80 : i32
    %scan3A_12 = arith.constant 0 : i32
    %scan3A_13 = arith.constant 0 : i32
    %scan3A_14 = arith.constant 15 : i32
    %scan3A_15 = arith.addi %scan3A_13, %scan3A_14 : i32
    %scan3A_16 = arith.constant 1 : i32
    scf.for %scan3A_18 = %scan3A_13 to %scan3A_15 step %scan3A_16  : i32 {
      %broadcast_in_dim3A = arith.constant 0xFF800000 : f32
      %broadcast_in_dim3A_19 = vector.broadcast %broadcast_in_dim3A : f32 to vector<16xf32>
      %mul3A_20 = arith.constant 16 : i32
      %mul3A_21 = arith.muli %scan3A_18, %mul3A_20 : i32
      %add3A_22 = arith.constant 10000 : i32
      %add3A_23 = arith.addi %add3A_22, %mul3A_21 : i32
      %swap3A = arith.index_cast %add3A_23 : i32 to index
      %swap3A_24 = tpu.vector_load %arg6[%swap3A] {strides = array<i32>} : memref<10240xf32, #tpu.memory_space<vmem>>, vector<16xf32>,
      %swap3A_25 = vector.shape_cast %swap3A_24 : vector<16xf32> to vector<16xf32>
      %swap3A_26 = vector.shape_cast %broadcast_in_dim3A_19 : vector<16xf32> to vector<16xf32>
      tpu.vector_store %arg6[%swap3A], %swap3A_26 {strides = array<i32>} : memref<10240xf32, #tpu.memory_space<vmem>>, vector<16xf32>,
    }
    %scan3A_17 = arith.constant 15 : i32
    "tpu.region"() ({
      %run_scoped3A = tpu.sem_alloc : memref<!tpu.dma_semaphore, #tpu.memory_space<semaphore_mem>>
      %dma_start3A = arith.constant 0 : i32
      %dma_start3A_18 = tpu.memref_slice %arg4[%add3A, %dma_start3A] : memref<32x10240xf32, #tpu.memory_space<hbm>> -> memref<1x10240xf32, #tpu.memory_space<hbm>>
      %dma_start3A_19 = tpu.memref_squeeze %dma_start3A_18 : memref<1x10240xf32, #tpu.memory_space<hbm>> -> memref<10240xf32, #tpu.memory_space<hbm>>
      %dma_start3A_20 = arith.constant 0 : i32
      %dma_start3A_21 = tpu.memref_slice %arg4[%add3A, %dma_start3A_20] : memref<32x10240xf32, #tpu.memory_space<hbm>> -> memref<1x10240xf32, #tpu.memory_space<hbm>>
      %dma_start3A_22 = tpu.memref_squeeze %dma_start3A_21 : memref<1x10240xf32, #tpu.memory_space<hbm>> -> memref<10240xf32, #tpu.memory_space<hbm>>
      tpu.enqueue_dma source(%arg6 : memref<10240xf32, #tpu.memory_space<vmem>>) target(%dma_start3A_22 : memref<10240xf32, #tpu.memory_space<hbm>>) target_semaphore(%run_scoped3A : memref<!tpu.dma_semaphore, #tpu.memory_space<semaphore_mem>>)
      %dma_wait3A = arith.constant 0 : i32
      %dma_wait3A_23 = tpu.memref_slice %arg4[%add3A, %dma_wait3A] : memref<32x10240xf32, #tpu.memory_space<hbm>> -> memref<1x10240xf32, #tpu.memory_space<hbm>>
      %dma_wait3A_24 = tpu.memref_squeeze %dma_wait3A_23 : memref<1x10240xf32, #tpu.memory_space<hbm>> -> memref<10240xf32, #tpu.memory_space<hbm>>
      %dma_wait3A_25 = arith.constant 0 : i32
      %dma_wait3A_26 = tpu.memref_slice %arg4[%add3A, %dma_wait3A_25] : memref<32x10240xf32, #tpu.memory_space<hbm>> -> memref<1x10240xf32, #tpu.memory_space<hbm>>
      %dma_wait3A_27 = tpu.memref_squeeze %dma_wait3A_26 : memref<1x10240xf32, #tpu.memory_space<hbm>> -> memref<10240xf32, #tpu.memory_space<hbm>>
      tpu.wait_dma2 semaphore(%run_scoped3A : memref<!tpu.dma_semaphore, #tpu.memory_space<semaphore_mem>>) src(%arg6 : memref<10240xf32, #tpu.memory_space<vmem>>) dst(%dma_wait3A_27 : memref<10240xf32, #tpu.memory_space<hbm>>)
      tpu.yield
    }) : () -> ()
    return
  }
}

module attributes {stable_mosaic.version = 14 : i64} {
  func.func @_thresh_body(%arg0: memref<32x10240xf32, #tpu.memory_space<vmem>>, %arg1: memref<32x128xi32, #tpu.memory_space<vmem>>, %arg2: memref<32x10240xi32, #tpu.memory_space<vmem>>) attributes {dimension_semantics = [], scalar_prefetch = 0 : i64, scratch_operands = 0 : i64, tpu.core_type = #tpu.core_type<tc>} {
    %get3A = arith.constant 0 : index
    %get3A_0 = arith.constant 0 : index
    %get3A_1 = vector.load %arg0[%get3A, %get3A_0] : memref<32x10240xf32, #tpu.memory_space<vmem>>, vector<32x10240xf32>
    %bitcast_convert_type3A = tpu.bitcast %get3A_1 : vector<32x10240xf32> -> vector<32x10240xi32>
    %lt3A = arith.constant 0 : i32
    %lt3A_2 = vector.broadcast %lt3A : i32 to vector<32x10240xi32>
    %lt3A_3 = arith.cmpi slt, %bitcast_convert_type3A, %lt3A_2 : vector<32x10240xi32>
    %xor3A = arith.constant 2147483647 : i32
    %xor3A_4 = vector.broadcast %xor3A : i32 to vector<32x10240xi32>
    %xor3A_5 = arith.xori %bitcast_convert_type3A, %xor3A_4 : vector<32x10240xi32>
    %select_n3A = arith.select %lt3A_3, %xor3A_5, %bitcast_convert_type3A : vector<32x10240xi1>, vector<32x10240xi32>
    %broadcast_in_dim3A = arith.constant 0 : i32
    %broadcast_in_dim3A_6 = vector.broadcast %broadcast_in_dim3A : i32 to vector<32x1xi32>
    %scan3A = arith.constant 0 : i32
    %scan3A_7 = arith.constant 32 : i32
    %scan3A_8 = arith.addi %scan3A, %scan3A_7 : i32
    %scan3A_9 = arith.constant 1 : i32
    %scan3A_10 = scf.for %scan3A_93 = %scan3A to %scan3A_8 step %scan3A_9 iter_args(%scan3A_94 = %broadcast_in_dim3A_6) -> (vector<32x1xi32>)  : i32 {
      %sub3A_95 = arith.constant 31 : i32
      %sub3A_96 = arith.subi %sub3A_95, %scan3A_93 : i32
      %shift_left3A = arith.constant 1 : i32
      %shift_left3A_97 = arith.shli %shift_left3A, %sub3A_96 : i32
      %or3A = vector.broadcast %shift_left3A_97 : i32 to vector<32x1xi32>
      %or3A_98 = arith.ori %scan3A_94, %or3A : vector<32x1xi32>
      %xor3A_99 = arith.constant -2147483648 : i32
      %xor3A_100 = vector.broadcast %xor3A_99 : i32 to vector<32x1xi32>
      %xor3A_101 = arith.xori %or3A_98, %xor3A_100 : vector<32x1xi32>
      %ge3A_102 = vector.broadcast %xor3A_101 : vector<32x1xi32> to vector<32x10240xi32>
      %ge3A_103 = arith.cmpi sge, %select_n3A, %ge3A_102 : vector<32x10240xi32>
      %convert_element_type3A_104 = arith.extui %ge3A_103 : vector<32x10240xi1> to vector<32x10240xi32>
      %slice3A_105 = vector.extract_strided_slice %convert_element_type3A_104 {offsets = [0, 0], sizes = [32, 2560], strides = [1, 1]} : vector<32x10240xi32> to vector<32x2560xi32>
      %reduce_sum3A_106 = arith.constant dense<0> : vector<32xi32>
      %reduce_sum3A_107 = vector.multi_reduction <add>, %slice3A_105, %reduce_sum3A_106 [1] : vector<32x2560xi32> to vector<32xi32>
      %broadcast_in_dim3A_108 = vector.shape_cast %reduce_sum3A_107 : vector<32xi32> to vector<32x1xi32>
      %add3A_109 = arith.constant 0 : i32
      %add3A_110 = vector.broadcast %add3A_109 : i32 to vector<32x1xi32>
      %add3A_111 = arith.addi %add3A_110, %broadcast_in_dim3A_108 : vector<32x1xi32>
      %slice3A_112 = vector.extract_strided_slice %convert_element_type3A_104 {offsets = [0, 2560], sizes = [32, 2560], strides = [1, 1]} : vector<32x10240xi32> to vector<32x2560xi32>
      %reduce_sum3A_113 = arith.constant dense<0> : vector<32xi32>
      %reduce_sum3A_114 = vector.multi_reduction <add>, %slice3A_112, %reduce_sum3A_113 [1] : vector<32x2560xi32> to vector<32xi32>
      %broadcast_in_dim3A_115 = vector.shape_cast %reduce_sum3A_114 : vector<32xi32> to vector<32x1xi32>
      %add3A_116 = arith.addi %add3A_111, %broadcast_in_dim3A_115 : vector<32x1xi32>
      %slice3A_117 = vector.extract_strided_slice %convert_element_type3A_104 {offsets = [0, 5120], sizes = [32, 2560], strides = [1, 1]} : vector<32x10240xi32> to vector<32x2560xi32>
      %reduce_sum3A_118 = arith.constant dense<0> : vector<32xi32>
      %reduce_sum3A_119 = vector.multi_reduction <add>, %slice3A_117, %reduce_sum3A_118 [1] : vector<32x2560xi32> to vector<32xi32>
      %broadcast_in_dim3A_120 = vector.shape_cast %reduce_sum3A_119 : vector<32xi32> to vector<32x1xi32>
      %add3A_121 = arith.addi %add3A_116, %broadcast_in_dim3A_120 : vector<32x1xi32>
      %slice3A_122 = vector.extract_strided_slice %convert_element_type3A_104 {offsets = [0, 7680], sizes = [32, 2560], strides = [1, 1]} : vector<32x10240xi32> to vector<32x2560xi32>
      %reduce_sum3A_123 = arith.constant dense<0> : vector<32xi32>
      %reduce_sum3A_124 = vector.multi_reduction <add>, %slice3A_122, %reduce_sum3A_123 [1] : vector<32x2560xi32> to vector<32xi32>
      %broadcast_in_dim3A_125 = vector.shape_cast %reduce_sum3A_124 : vector<32xi32> to vector<32x1xi32>
      %add3A_126 = arith.addi %add3A_121, %broadcast_in_dim3A_125 : vector<32x1xi32>
      %ge3A_127 = arith.constant 64 : i32
      %ge3A_128 = vector.broadcast %ge3A_127 : i32 to vector<32x1xi32>
      %ge3A_129 = arith.cmpi sge, %add3A_126, %ge3A_128 : vector<32x1xi32>
      %select_n3A_130 = arith.select %ge3A_129, %or3A_98, %scan3A_94 : vector<32x1xi1>, vector<32x1xi32>
      scf.yield %select_n3A_130 : vector<32x1xi32>
    }
    %scan3A_11 = arith.constant 32 : i32
    %xor3A_12 = arith.constant -2147483648 : i32
    %xor3A_13 = vector.broadcast %xor3A_12 : i32 to vector<32x1xi32>
    %xor3A_14 = arith.xori %scan3A_10, %xor3A_13 : vector<32x1xi32>
    %gt3A = vector.broadcast %xor3A_14 : vector<32x1xi32> to vector<32x10240xi32>
    %gt3A_15 = arith.cmpi sgt, %select_n3A, %gt3A : vector<32x10240xi32>
    %eq3A = vector.broadcast %xor3A_14 : vector<32x1xi32> to vector<32x10240xi32>
    %eq3A_16 = arith.cmpi eq, %select_n3A, %eq3A : vector<32x10240xi32>
    %convert_element_type3A = arith.extui %gt3A_15 : vector<32x10240xi1> to vector<32x10240xi32>
    %reduce_sum3A = arith.constant dense<0> : vector<32xi32>
    %reduce_sum3A_17 = vector.multi_reduction <add>, %convert_element_type3A, %reduce_sum3A [1] : vector<32x10240xi32> to vector<32xi32>
    %broadcast_in_dim3A_18 = vector.shape_cast %reduce_sum3A_17 : vector<32xi32> to vector<32x1xi32>
    %iota3A = tpu.iota {dimensions = array<i32: 1>} : vector<32x128xi32>
    %eq3A_19 = arith.constant 0 : i32
    %eq3A_20 = vector.broadcast %eq3A_19 : i32 to vector<32x128xi32>
    %eq3A_21 = arith.cmpi eq, %iota3A, %eq3A_20 : vector<32x128xi32>
    %jit3A = arith.constant 0 : i32
    %broadcast_in_dim3A_22 = vector.shape_cast %xor3A_14 : vector<32x1xi32> to vector<32x1xi32>
    %broadcast_in_dim3A_23 = vector.broadcast %broadcast_in_dim3A_22 : vector<32x1xi32> to vector<32x128xi32>
    %broadcast_in_dim3A_24 = vector.broadcast %jit3A : i32 to vector<32x128xi32>
    %select_n3A_25 = arith.select %eq3A_21, %broadcast_in_dim3A_23, %broadcast_in_dim3A_24 : vector<32x128xi1>, vector<32x128xi32>
    %eq3A_26 = arith.constant 1 : i32
    %eq3A_27 = vector.broadcast %eq3A_26 : i32 to vector<32x128xi32>
    %eq3A_28 = arith.cmpi eq, %iota3A, %eq3A_27 : vector<32x128xi32>
    %sub3A = arith.constant 64 : i32
    %sub3A_29 = vector.broadcast %sub3A : i32 to vector<32x1xi32>
    %sub3A_30 = arith.subi %sub3A_29, %broadcast_in_dim3A_18 : vector<32x1xi32>
    %broadcast_in_dim3A_31 = vector.shape_cast %sub3A_30 : vector<32x1xi32> to vector<32x1xi32>
    %broadcast_in_dim3A_32 = vector.broadcast %broadcast_in_dim3A_31 : vector<32x1xi32> to vector<32x128xi32>
    %select_n3A_33 = arith.select %eq3A_28, %broadcast_in_dim3A_32, %select_n3A_25 : vector<32x128xi1>, vector<32x128xi32>
    %swap3A = arith.constant 0 : index
    %swap3A_34 = arith.constant 0 : index
    %swap3A_35 = vector.load %arg1[%swap3A, %swap3A_34] : memref<32x128xi32, #tpu.memory_space<vmem>>, vector<32x128xi32>
    tpu.vector_store %arg1[%swap3A, %swap3A_34], %select_n3A_33 {strides = array<i32>} : memref<32x128xi32, #tpu.memory_space<vmem>>, vector<32x128xi32>,
    %iota3A_36 = tpu.iota {dimensions = array<i32: 1>} : vector<32x10240xi32>
    %and3A = arith.constant 15 : i32
    %and3A_37 = vector.broadcast %and3A : i32 to vector<32x10240xi32>
    %and3A_38 = arith.andi %iota3A_36, %and3A_37 : vector<32x10240xi32>
    %jit3A_39 = arith.constant 65536 : i32
    %jit3A_40 = arith.constant 0 : i32
    %broadcast_in_dim3A_41 = vector.broadcast %jit3A_39 : i32 to vector<32x10240xi32>
    %broadcast_in_dim3A_42 = vector.broadcast %jit3A_40 : i32 to vector<32x10240xi32>
    %select_n3A_43 = arith.select %gt3A_15, %broadcast_in_dim3A_41, %broadcast_in_dim3A_42 : vector<32x10240xi1>, vector<32x10240xi32>
    %jit3A_44 = arith.constant 1 : i32
    %jit3A_45 = arith.constant 0 : i32
    %broadcast_in_dim3A_46 = vector.broadcast %jit3A_44 : i32 to vector<32x10240xi32>
    %broadcast_in_dim3A_47 = vector.broadcast %jit3A_45 : i32 to vector<32x10240xi32>
    %select_n3A_48 = arith.select %eq3A_16, %broadcast_in_dim3A_46, %broadcast_in_dim3A_47 : vector<32x10240xi1>, vector<32x10240xi32>
    %add3A = arith.addi %select_n3A_43, %select_n3A_48 : vector<32x10240xi32>
    %broadcast_in_dim3A_49 = arith.constant 0 : i32
    %broadcast_in_dim3A_50 = vector.broadcast %broadcast_in_dim3A_49 : i32 to vector<32x1xi32>
    %slice3A = vector.extract_strided_slice %add3A {offsets = [0, 0], sizes = [32, 10239], strides = [1, 1]} : vector<32x10240xi32> to vector<32x10239xi32>
    %concatenate3A = tpu.concatenate %broadcast_in_dim3A_50, %slice3A in 1 : vector<32x1xi32>, vector<32x10239xi32> -> vector<32x10240xi32>
    %ge3A = arith.constant 1 : i32
    %ge3A_51 = vector.broadcast %ge3A : i32 to vector<32x10240xi32>
    %ge3A_52 = arith.cmpi sge, %and3A_38, %ge3A_51 : vector<32x10240xi32>
    %jit3A_53 = arith.constant 0 : i32
    %broadcast_in_dim3A_54 = vector.broadcast %jit3A_53 : i32 to vector<32x10240xi32>
    %select_n3A_55 = arith.select %ge3A_52, %concatenate3A, %broadcast_in_dim3A_54 : vector<32x10240xi1>, vector<32x10240xi32>
    %add3A_56 = arith.addi %add3A, %select_n3A_55 : vector<32x10240xi32>
    %broadcast_in_dim3A_57 = arith.constant 0 : i32
    %broadcast_in_dim3A_58 = vector.broadcast %broadcast_in_dim3A_57 : i32 to vector<32x2xi32>
    %slice3A_59 = vector.extract_strided_slice %add3A_56 {offsets = [0, 0], sizes = [32, 10238], strides = [1, 1]} : vector<32x10240xi32> to vector<32x10238xi32>
    %concatenate3A_60 = tpu.concatenate %broadcast_in_dim3A_58, %slice3A_59 in 1 : vector<32x2xi32>, vector<32x10238xi32> -> vector<32x10240xi32>
    %ge3A_61 = arith.constant 2 : i32
    %ge3A_62 = vector.broadcast %ge3A_61 : i32 to vector<32x10240xi32>
    %ge3A_63 = arith.cmpi sge, %and3A_38, %ge3A_62 : vector<32x10240xi32>
    %jit3A_64 = arith.constant 0 : i32
    %broadcast_in_dim3A_65 = vector.broadcast %jit3A_64 : i32 to vector<32x10240xi32>
    %select_n3A_66 = arith.select %ge3A_63, %concatenate3A_60, %broadcast_in_dim3A_65 : vector<32x10240xi1>, vector<32x10240xi32>
    %add3A_67 = arith.addi %add3A_56, %select_n3A_66 : vector<32x10240xi32>
    %broadcast_in_dim3A_68 = arith.constant 0 : i32
    %broadcast_in_dim3A_69 = vector.broadcast %broadcast_in_dim3A_68 : i32 to vector<32x4xi32>
    %slice3A_70 = vector.extract_strided_slice %add3A_67 {offsets = [0, 0], sizes = [32, 10236], strides = [1, 1]} : vector<32x10240xi32> to vector<32x10236xi32>
    %concatenate3A_71 = tpu.concatenate %broadcast_in_dim3A_69, %slice3A_70 in 1 : vector<32x4xi32>, vector<32x10236xi32> -> vector<32x10240xi32>
    %ge3A_72 = arith.constant 4 : i32
    %ge3A_73 = vector.broadcast %ge3A_72 : i32 to vector<32x10240xi32>
    %ge3A_74 = arith.cmpi sge, %and3A_38, %ge3A_73 : vector<32x10240xi32>
    %jit3A_75 = arith.constant 0 : i32
    %broadcast_in_dim3A_76 = vector.broadcast %jit3A_75 : i32 to vector<32x10240xi32>
    %select_n3A_77 = arith.select %ge3A_74, %concatenate3A_71, %broadcast_in_dim3A_76 : vector<32x10240xi1>, vector<32x10240xi32>
    %add3A_78 = arith.addi %add3A_67, %select_n3A_77 : vector<32x10240xi32>
    %broadcast_in_dim3A_79 = arith.constant 0 : i32
    %broadcast_in_dim3A_80 = vector.broadcast %broadcast_in_dim3A_79 : i32 to vector<32x8xi32>
    %slice3A_81 = vector.extract_strided_slice %add3A_78 {offsets = [0, 0], sizes = [32, 10232], strides = [1, 1]} : vector<32x10240xi32> to vector<32x10232xi32>
    %concatenate3A_82 = tpu.concatenate %broadcast_in_dim3A_80, %slice3A_81 in 1 : vector<32x8xi32>, vector<32x10232xi32> -> vector<32x10240xi32>
    %ge3A_83 = arith.constant 8 : i32
    %ge3A_84 = vector.broadcast %ge3A_83 : i32 to vector<32x10240xi32>
    %ge3A_85 = arith.cmpi sge, %and3A_38, %ge3A_84 : vector<32x10240xi32>
    %jit3A_86 = arith.constant 0 : i32
    %broadcast_in_dim3A_87 = vector.broadcast %jit3A_86 : i32 to vector<32x10240xi32>
    %select_n3A_88 = arith.select %ge3A_85, %concatenate3A_82, %broadcast_in_dim3A_87 : vector<32x10240xi1>, vector<32x10240xi32>
    %add3A_89 = arith.addi %add3A_78, %select_n3A_88 : vector<32x10240xi32>
    %swap3A_90 = arith.constant 0 : index
    %swap3A_91 = arith.constant 0 : index
    %swap3A_92 = vector.load %arg2[%swap3A_90, %swap3A_91] : memref<32x10240xi32, #tpu.memory_space<vmem>>, vector<32x10240xi32>
    tpu.vector_store %arg2[%swap3A_90, %swap3A_91], %add3A_89 {strides = array<i32>} : memref<32x10240xi32, #tpu.memory_space<vmem>>, vector<32x10240xi32>,
    return
  }
}

</mosaic_0001>

<sc_bundles>
// kernel: kernel.5.cloned.1.call-start
scs
__scs_entry_jumppad:
0x0: {  	(pc) =	sbr.rel $0x88, $3  }
0x1: {  	(tag) =	ssettag $0x0;
	lr =	simm.s32 $0x1  }
0x2: {  	[smem:$0x3FA0] =	sst lr;
	_ =	strace $0xD0000000  }
0x3: {  	_ = 	snop  }
0x4: {  	_ = 	snop  }
0x5: {  	_ = 	snop  }
0x6: {  	_ = 	snop  }
0x7: {  	_ = 	snop  }
__scs_overlays_trampoline_lowered:
0x8: {  	[smem:$0x3FAF] =	sst s0  }
0x9: {  	[smem:$0x3FB0] =	sst s1  }
0xa: {  	[smem:$0x3FB1] =	sst s2  }
0xb: {  	[smem:$0x3FB2] =	sst s3  }
0xc: {  	[smem:$0x3FB3] =	sst s4  }
0xd: {  	[smem:$0x3FB4] =	sst s5  }
0xe: {  	[smem:$0x3FB5] =	sst s6  }
0xf: {  	[smem:$0x3FB6] =	sst s7  }
0x10: {  	[smem:$0x3FB7] =	sst s8  }
0x11: {  	[smem:$0x3FB8] =	sst s9;
	s0 =	simm.s32 @!p0 $0x0  }
0x12: {  	s1 =	sld [smem:$0x3F9E];
	s0 =	simm.s32 @p0 $0x1  }
0x13: {  	[smem:$0x3FB9] =	sst s0;
	s0 =	simm.s32 @!p1 $0x0  }
0x14: {  	s2 =	sld [smem:$0x3F9D];
	s0 =	simm.s32 @p1 $0x1  }
0x15: {  	[smem:$0x3FBA] =	sst s0;
	s0 =	simm.s32 @!p2 $0x0  }
0x16: {  	s3 =	sld [smem:$0x3FDB];
	s0 =	simm.s32 @p2 $0x1  }
0x17: {  	s4 =	simm.s32 $0x1BF5;
	[smem:$0x3FBC] =	sst s0  }
0x18: {  	s0 =	sld [smem:$0x3F9F];
	_ =	swait.ge [sflag:s4], $0x0  }
0x19: {  	s7 =	sld [smem:$0x3FA0]  }
0x1a: {  	s8 =	sadd.s32 $0xFFFFE003, lr  }
0x1b: {  	s9 =	sadd.s32 $0xFFFFFEF7, lr;
	s5 =	simm.s32 $0xFFFFFFFF;
	p2 =	slt.u32 s8, $0xFFFFF086  }
0x1c: {  	p1 =	slt.u32 s9, $0xF7A;
	s5 =	simm.s32 @!p2 $0x0  }
0x1d: {  	s5 =	simm.s32 @p1 $0x1;
	p0 =	seq.s32 s7, s2  }
0x1e: {  	s7 =	smul.u32 @!p0 $0xF7A, s2;
	p2 =	seq.s32 @!p0 s5, $0x0  }
0x1f: {  	s9 =	smul.u32 $0xF7A, s1;
	s8 =	simm.s32 @!p0 $0x1BF5;
	p2 =	por !p2, p0  }
0x20: {  	[sflag:s8] =	ssyncset.s32 @!p0 $0xFFFFF086;
	s6 =	sadd.s32 @!p0 s3, s7;
	s7 =	simm.s32 @!p0 $0x108  }
0x21: {  	s3 =	sadd.s32 s3, s9;
	s6 =	sadd.s32 @!p0 $0x88, s6;
	s7 =	simm.s32 @p2 $0x1082  }
0x22: {  	[simem:s7], [sflag:s8] =	dma.local @!p0 [hbm:s6], $0xF7A  }
0x23: {  	s9 =	sor.u32 $0xD0000000, s2;
	s6 =	simm.s32 $0x108;
	_ =	swait.ge @!p0 [sflag:s8], $0x0  }
0x24: {  	s3 =	sadd.s32 $0x88, s3;
	s6 =	simm.s32 @!p1 $0x1082;
	[sflag:s4] =	ssyncset.s32 $0xFFFFF086  }
0x25: {  	[simem:s6], [sflag:s4] =	dma.local [hbm:s3], $0xF7A  }
0x26: {  	[smem:$0x3FA0] =	sst s1;
	(tag) =	ssettag s2;
	_ =	strace s9  }
0x27: {  	s1 =	sld [smem:$0x3FB0]  }
0x28: {  	s2 =	sld [smem:$0x3FB1]  }
0x29: {  	s4 =	sld [smem:$0x3FB3]  }
0x2a: {  	p0 =	seq.s32 s5, $0x0;
	s5 =	sld [smem:$0x3FB4]  }
0x2b: {  	s6 =	sld [smem:$0x3FB5]  }
0x2c: {  	s7 =	sld [smem:$0x3FB6]  }
0x2d: {  	s3 =	simm.s32 $0x108;
	s8 =	sld [smem:$0x3FB7]  }
0x2e: {  	s3 =	simm.s32 @!p0 $0x1082;
	s9 =	sld [smem:$0x3FB8]  }
0x2f: {  	lr =	sadd.s32 s0, s3;
	s0 =	sld [smem:$0x3FAF]  }
0x30: {  	s3 =	sld [smem:$0x3FB2]  }
0x31: {  	[smem:$0x3FBB] =	sst s10  }
0x32: {  	s10 =	sld [smem:$0x3FB9];
	_ =	sdelay $0x3  }
0x33: {  	p0 =	seq.s32 s10, $0x1;
	s10 =	sld [smem:$0x3FBB];
	_ =	sdelay $0x3  }
0x34: {  	[smem:$0x3FBB] =	sst s10  }
0x35: {  	s10 =	sld [smem:$0x3FBA];
	_ =	sdelay $0x3  }
0x36: {  	p1 =	seq.s32 s10, $0x1;
	s10 =	sld [smem:$0x3FBB];
	_ =	sdelay $0x3  }
0x37: {  	[smem:$0x3FBB] =	sst s10  }
0x38: {  	s10 =	sld [smem:$0x3FBC]  }
0x39: {  	_ = 	snop;
	(pc) =	sbr.ind lr, $3  }
0x3a: {  	_ = 	snop  }
0x3b: {  	_ = 	snop  }
0x3c: {  	p2 =	seq.s32 s10, $0x1;
	s10 =	sld [smem:$0x3FBB]  }
0x3d: {  	_ =	shalt  }
0x3e: {  	_ =	shalt  }
0x3f: {  	_ =	shalt  }
0x40: {  	_ =	shalt  }
0x41: {  	_ =	shalt  }
0x42: {  	_ =	shalt  }
0x43: {  	_ =	shalt  }
0x44: {  	_ =	shalt  }
0x45: {  	_ =	shalt  }
0x46: {  	_ =	shalt  }
0x47: {  	_ =	shalt  }
0x48: {  	_ =	shalt  }
0x49: {  	_ =	shalt  }
0x4a: {  	_ =	shalt  }
0x4b: {  	_ =	shalt  }
0x4c: {  	_ =	shalt  }
0x4d: {  	_ =	shalt  }
0x4e: {  	_ =	shalt  }
0x4f: {  	_ =	shalt  }
0x50: {  	_ =	shalt  }
0x51: {  	_ =	shalt  }
0x52: {  	_ =	shalt  }
0x53: {  	_ =	shalt  }
0x54: {  	_ =	shalt  }
0x55: {  	_ =	shalt  }
0x56: {  	_ =	shalt  }
0x57: {  	_ =	shalt  }
0x58: {  	_ =	shalt  }
0x59: {  	_ =	shalt  }
0x5a: {  	_ =	shalt  }
0x5b: {  	_ =	shalt  }
0x5c: {  	_ =	shalt  }
0x5d: {  	_ =	shalt  }
0x5e: {  	_ =	shalt  }
0x5f: {  	_ =	shalt  }
0x60: {  	_ =	shalt  }
0x61: {  	_ =	shalt  }
0x62: {  	_ =	shalt  }
0x63: {  	_ =	shalt  }
0x64: {  	_ =	shalt  }
0x65: {  	_ =	shalt  }
0x66: {  	_ =	shalt  }
0x67: {  	_ =	shalt  }
0x68: {  	_ =	shalt  }
0x69: {  	_ =	shalt  }
0x6a: {  	_ =	shalt  }
0x6b: {  	_ =	shalt  }
0x6c: {  	_ =	shalt  }
0x6d: {  	_ =	shalt  }
0x6e: {  	_ =	shalt  }
0x6f: {  	_ =	shalt  }
0x70: {  	_ =	shalt  }
0x71: {  	_ =	shalt  }
0x72: {  	_ =	shalt  }
0x73: {  	_ =	shalt  }
0x74: {  	_ =	shalt  }
0x75: {  	_ =	shalt  }
0x76: {  	_ =	shalt  }
0x77: {  	_ =	shalt  }
0x78: {  	_ =	shalt  }
0x79: {  	_ =	shalt  }
0x7a: {  	_ =	shalt  }
0x7b: {  	_ =	shalt  }
0x7c: {  	_ =	shalt  }
0x7d: {  	_ =	shalt  }
0x7e: {  	_ =	shalt  }
0x7f: {  	_ =	shalt  }
0x80: {  	_ =	shalt  }
0x81: {  	_ =	shalt  }
0x82: {  	_ =	shalt  }
0x83: {  	_ =	shalt  }
0x84: {  	_ =	shalt  }
0x85: {  	_ =	shalt  }
0x86: {  	_ =	shalt  }
0x87: {  	_ =	shalt  }
.Lfunc_end0:
.L_simem_size_0:
called_computation_lowered:
.L_overlay_start_0:
0x88: {  	s2 =	sld [smem:$0x3FD9]  }
0x89: {  	s3 =	sld [smem:$0x3FFE];
	_ =	sdelay $0x1  }
0x8a: {  	s1 =	srdreg.scid  }
0x8b: {  	s0 =	sand.u32 $0x1, s1  }
0x8c: {  	s17 =	sshll.u32 s0, $0xA;
	s2 =	sadd.s32 s3, s2  }
0x8d: {  	s2 =	sadd.s32 s2, s17  }
0x8e: {  	[smem:$0x3FC7] =	sst s2  }
0x8f: {  	_ = 	snop  }
0x90: {  	s2 =	sld [smem:$0x3FC9];
	(tm) =	ssettm $0x1  }
0x91: {  	s18 =	sld [smem:$0x3FFB];
	_ =	sdelay $0x3  }
0x92: {  	_ =	strace s18  }
0x93: {  	s3 =	sld [smem:$0x3FFC];
	_ =	sdelay $0x3  }
0x94: {  	_ =	strace s3  }
0x95: {  	s3 =	sld [smem:$0x3FFD];
	_ =	sdelay $0x3  }
0x96: {  	_ =	strace s3  }
0x97: {  	_ =	strace $0x8FFFFFFF  }
0x98: {  	s19 =	sld [smem:$0x3FDB];
	_ =	sdelay $0x1  }
0x99: {  	s4 =	simm.s32 $_scs_section_size  }
0x9a: {  	s5 =	simm.s32 $_size__tile_overlayer_lowered;
	s6 =	simm.s32 $_tile_overlayer_lowered  }
0x9b: {  	s22 =	simm.s32 $0x1BFF;
	s21 =	sshll.u32 s6, $0x1;
	s3 =	sadd.s32 s4, s19  }
0x9c: {  	s7 =	simm.s32 $0x0;
	s20 =	sshll.u32 s5, $0x1;
	s5 =	sadd.s32 s21, s3  }
0x9d: {  	[timem:s7], [sflag:s22] =	dma.local [hbm:s5], s20  }
0x9e: {  	_ =	swait.ge [sflag:s22], s20  }
0x9f: {  	s4 =	ssub.s32 $0x0, s20;
	[sflag:s22] =	ssyncset.done $0x0  }
0xa0: {  	[sflag:s22] =	ssyncadd.s32 s4;
	_ =	sdelay $0x1  }
0xa1: {  	s23 =	simm.s32 $0x1B8B  }
0xa2: {  	_ =	swait.ge [sflag:s23], $0x1  }
0xa3: {  	[sflag:s23] =	ssyncset.done $0x0  }
0xa4: {  	s25 =	simm.s32 $0x1B8E;
	s24 =	sld [smem:$0x3FFE];
	[sflag:s23] =	ssyncadd.s32 $0xFFFFFFFF  }
0xa5: {  	s26 =	simm.s32 $execute0_lowered;
	[smem:$0x3FD2] =	sst s25  }
0xa6: {  	s5 =	sshll.u32 s26, $0x1;
	_ =	strace $0x80000046;
	[dreg:$0x1] =	wrdreg $0xFFFFFFFF  }
0xa7: {  	s28 =	simm.s32 $_size_execute0_lowered;
	s3 =	sadd.s32 s3, s5;
	[dreg:$0x0] =	wrdreg $0x0  }
0xa8: {  	s5 =	sshll.u32 s28, $0x1;
	[dreg:$0x2] =	wrdreg s3  }
0xa9: {  	[dreg:$0x3] =	wrdreg s5  }
0xaa: {  	[dreg:$0x4] =	wrdreg $0xC0  }
0xab: {  	_ =	task [dreg:s7], $0x5FFFF  }
0xac: {  	[dreg:$0x1] =	wrdreg $0xFFFFFFFF  }
0xad: {  	[dreg:$0x0] =	wrdreg $0x60  }
0xae: {  	[dreg:$0x2] =	wrdreg s2  }
0xaf: {  	[dreg:$0x3] =	wrdreg s24  }
0xb0: {  	[dreg:$0x4] =	wrdreg $0x9  }
0xb1: {  	_ =	task.clear_ibuf [dreg:s7], $0x5FFFF;
	_ =	strace $0x90000046  }
0xb2: {  	s29 =	simm.s32 $0x9;
	_ =	strace $0x80000048  }
0xb3: {  	_ =	swait.ge [sflag:s29], $0x1  }
0xb4: {  	[sflag:s29] =	ssyncadd.s32 $0xFFFFFFFF  }
0xb5: {  	_ =	strace $0x90000048  }
0xb6: {  	_ =	sfence  }
0xb7: {  	s30 =	sld [smem:$0x0];
	_ =	sdelay $0x2  }
0xb8: {  	s31 =	sshll.u32 s1, $0xD;
	s1 =	sshrl.u32 s1, $0x2  }
0xb9: {  	s3 =	sand.u32 $0x4000, s31;
	s1 =	sadd.s32 s1, s30  }
0xba: {  	s0 =	sor.u32 s3, s0;
	s1 =	sshll.u32 s1, $0x11  }
0xbb: {  	s0 =	sor.u32 s1, s0  }
0xbc: {  	s0 =	sadd.s32 $0x8F2B, s0  }
0xbd: {  	[sflag:s0] =	ssyncadd.remote.s32 $0x1  }
0xbe: {  	_ =	sfence.sel $0xFFFF  }
0xbf: {  	[dreg:$0x0] =	wrdreg $0xFFFFFFFF;
	(pc) =	sbr.abs _section_cstart, $3  }
0xc0: {  	[dreg:$0x1] =	wrdreg $0xFFFFFFFF  }
0xc1: {  	_ =	task.clear_ibuf [dreg:s7], $0x2FFFF;
	_ =	strace $0x9FFFFFFF  }
0xc2: {  	(tm) =	ssettm $0x7FFFFFFF  }
0xc3: {  	_ =	shalt  }
tec
execute0_lowered:
.L_overlay_start_1:
0x0: {  	(tag) =	ssettag $0x1  }
0x1: {  	s1 =	rddreg [dreg:$0x0]  }
0x2: {  	s4 =	rddreg [dreg:$0x1];
	s2 =	srdreg.scid  }
0x3: {  	s0 =	stileid.u32;
	s8 =	simm.s32 $0x400;
	s9 =	simm.s32 $0x2  }
0x4: {  	s5 =	sand.u32 $0x1, s2;
	s30 =	sshrl.u32 s0, $0x2;
	s3 =	sshll.u32 s0, $0x8  }
0x5: {  	s6 =	smul.u32 $0x14000, s30;
	s7 =	sshll.u32 s5, $0x7;
	s3 =	sand.u32 $0x300, s3  }
0x6: {  	s10 =	simm.s32 $0x1;
	s11 =	simm.s32 $0x2800;
	s7 =	sor.u32 s7, s3  }
0x7: {  	s12 =	simm.s32 $0x0;
	s2 =	rddreg [dreg:$0x2];
	s6 =	sor.u32 s6, s7  }
0x8: {  	s5 =	ssub.s32 $0x2, s5;
	s3 =	simm.s32 $0x0;
	s6 =	sshrl.u32 s6, $0x3  }
0x9: {  	s31 =	sshrl.u32 s5, $0x1;
	[smem:$0x7FF] =	sst s3;
	s6 =	sadd.s32 s6, s4  }
0xa: {  	s7 =	ssub.s32 s5, s31;
	_ =	strace $0x80000047;
	s4 =	sadd.s32 $0x1000, s6  }
0xb: {  	v0 =	vimm.f32 $-Inf;
	s5 =	sadd.s32 $0xB000, s6;
	s6 =	smax.u32 s7, $0x1;
	s7 =	simm.s32 $0x80  }
.LBB2_1:
0xc: {  	[tilespmem:s3], [sflag:$0x2] =	stream.strided.gather [hbm4b:s4+s7], $0x2800, s8, s7, $0x38;
	[tilespmem:$0x5000] =	vst v63  }
0xd: {  	_ =	swait.ge [sflag:s9], $0x2800  }
0xe: {  	[sflag:s9] =	ssyncset.done $0x0  }
0xf: {  	s13 =	simm.s32 $0x0;
	[sflag:s9] =	ssyncadd.s32 $0xFFFFD800  }
.LBB2_2:
0x10: {  	p0 =	sne.s32 s13, $0x9E00  }
.Ltmp0:
0x11: {  	_ = 	snop;
	(pc) =	sbr.rel @p0 .LBB2_2-.Ltmp0, $4  }
0x12: {  	_ = 	snop  }
0x13: {  	s14 =	sshra.s32 s13, $0x2  }
0x14: {  	s13 =	sadd.s32 $0x200, s13;
	s15 =	sadd.s32 $0x2800, s14  }
0x15: {  	[tilespmem:s15], [sflag:$0x1] =	stream.indirect.gather [hbm4b:s1+s7], $0x1, s14, s7, $0xb8;
	[tilespmem:$0x5000] =	vst v63  }
0x16: {  	_ =	swait.ge [sflag:s10], $0x80  }
0x17: {  	s13 =	simm.s32 $0x4F;
	[sflag:s10] =	ssyncset.done $0x0  }
.LBB2_4:
0x18: {  	p0 =	sne.s32 s13, $0x1;
	s13 =	sadd.s32 $0xFFFFFFFF, s13;
	[sflag:s10] =	ssyncadd.s32 $0xFFFFFF80  }
.Ltmp1:
0x19: {  	(pc) =	sbr.rel @p0 .LBB2_4-.Ltmp1, $3  }
0x1a: {  	_ =	sdelay $0x1  }
0x1b: {  	_ =	swait.ge [sflag:s10], $0x80  }
0x1c: {  	[sflag:s10] =	ssyncset.done $0x0  }
0x1d: {  	[sflag:s10] =	ssyncadd.s32 $0xFFFFFF80  }
0x1e: {  	[tilespmem:$0x4F10] =	vst v0  }
0x1f: {  	[tilespmem:$0x4F20] =	vst v0  }
0x20: {  	[tilespmem:$0x4F30] =	vst v0  }
0x21: {  	[tilespmem:$0x4F40] =	vst v0  }
0x22: {  	[tilespmem:$0x4F50] =	vst v0  }
0x23: {  	[tilespmem:$0x4F60] =	vst v0  }
0x24: {  	[tilespmem:$0x4F70] =	vst v0  }
0x25: {  	[tilespmem:$0x4F80] =	vst v0  }
0x26: {  	[tilespmem:$0x4F90] =	vst v0  }
0x27: {  	[tilespmem:$0x4FA0] =	vst v0  }
0x28: {  	[tilespmem:$0x4FB0] =	vst v0  }
0x29: {  	[tilespmem:$0x4FC0] =	vst v0  }
0x2a: {  	s12 =	sadd.s32 $0x1, s12;
	[tilespmem:$0x4FD0] =	vst v0  }
0x2b: {  	[tilespmem:$0x4FE0] =	vst v0;
	p0 =	sne.s32 s12, s6  }
.Ltmp2:
0x2c: {  	[tilespmem:$0x4FF0] =	vst v0;
	(pc) =	sbr.rel @p0 .LBB2_1-.Ltmp2, $4  }
0x2d: {  	[hbm4b:s5+s7] =	stream.strided.scatter [tilespmem:s11], [sflag:$0x2], $0x2800, s8, s7, $0x38;
	[tilespmem:$0x5000] =	vst v63  }
0x2e: {  	_ =	swait.ge [sflag:s9], $0x2800  }
0x2f: {  	[sflag:s9] =	ssyncset.done $0x0  }
0x30: {  	[sflag:s9] =	ssyncadd.s32 $0xFFFFD800  }
0x31: {  	_ =	sfence.sel $0x180000  }
0x32: {  	[bflag:$0x0] =	sbarrier.arrive $0xFFFF  }
0x33: {  	p0 =	sne.s32 s0, $0x0;
	_ =	strace $0x90000047  }
0x34: {  	s0 =	sadd.s32 @!p0 $0x100000, s2;
	[bflag:$0x2] =	sbarrier.arrive $0xFFFF  }
0x35: {  	[sflag:s0] =	ssyncadd.tile.s32 @!p0 $0x1;
	_ =	shalt  }
.Lfunc_end2:
_tile_overlayer_lowered:
.L_overlay_start_2:
0x36: {  	(tag) =	ssettag $0x2  }
0x37: {  	s0 =	rddreg [dreg:$0x0];
	s2 =	stileid.u32  }
0x38: {  	s1 =	rddreg [dreg:$0x1];
	p0 =	sne.s32 s2, $0x0  }
0x39: {  	s3 =	rddreg [dreg:$0x2];
	[bflag:$0x3] =	sbarrier.arrive $0xFFFF;
	s2 =	simm.s32 @!p0 $0x1C02  }
0x3a: {  	[timem:s3], [sflag:s2] =	dma.local @!p0 [hbm:s0], s1  }
0x3b: {  	s0 =	simm.s32 @!p0 $0x2  }
0x3c: {  	_ =	swait.ge @!p0 [sflag:s0], s1  }
0x3d: {  	s1 =	ssub.s32 @!p0 $0x0, s1;
	[sflag:s0] =	ssyncset.done @!p0 $0x0  }
0x3e: {  	[sflag:s0] =	ssyncadd.s32 @!p0 s1  }
0x3f: {  	[bflag:$0x3] =	sbarrier.arrive $0xFFFF  }
0x40: {  	_ =	shalt  }

// kernel: kernel.8.cloned.1.call-start
scs
__scs_entry_jumppad:
0x0: {  	(pc) =	sbr.rel $0x88, $3  }
0x1: {  	(tag) =	ssettag $0x0;
	lr =	simm.s32 $0x1  }
0x2: {  	[smem:$0x3FA0] =	sst lr;
	_ =	strace $0xD0000000  }
0x3: {  	_ = 	snop  }
0x4: {  	_ = 	snop  }
0x5: {  	_ = 	snop  }
0x6: {  	_ = 	snop  }
0x7: {  	_ = 	snop  }
__scs_overlays_trampoline_lowered:
0x8: {  	[smem:$0x3FAF] =	sst s0  }
0x9: {  	[smem:$0x3FB0] =	sst s1  }
0xa: {  	[smem:$0x3FB1] =	sst s2  }
0xb: {  	[smem:$0x3FB2] =	sst s3  }
0xc: {  	[smem:$0x3FB3] =	sst s4  }
0xd: {  	[smem:$0x3FB4] =	sst s5  }
0xe: {  	[smem:$0x3FB5] =	sst s6  }
0xf: {  	[smem:$0x3FB6] =	sst s7  }
0x10: {  	[smem:$0x3FB7] =	sst s8  }
0x11: {  	[smem:$0x3FB8] =	sst s9;
	s0 =	simm.s32 @!p0 $0x0  }
0x12: {  	s1 =	sld [smem:$0x3F9E];
	s0 =	simm.s32 @p0 $0x1  }
0x13: {  	[smem:$0x3FB9] =	sst s0;
	s0 =	simm.s32 @!p1 $0x0  }
0x14: {  	s2 =	sld [smem:$0x3F9D];
	s0 =	simm.s32 @p1 $0x1  }
0x15: {  	[smem:$0x3FBA] =	sst s0;
	s0 =	simm.s32 @!p2 $0x0  }
0x16: {  	s3 =	sld [smem:$0x3FDB];
	s0 =	simm.s32 @p2 $0x1  }
0x17: {  	s4 =	simm.s32 $0x1BF5;
	[smem:$0x3FBC] =	sst s0  }
0x18: {  	s0 =	sld [smem:$0x3F9F];
	_ =	swait.ge [sflag:s4], $0x0  }
0x19: {  	s7 =	sld [smem:$0x3FA0]  }
0x1a: {  	s8 =	sadd.s32 $0xFFFFE003, lr  }
0x1b: {  	s9 =	sadd.s32 $0xFFFFFEF7, lr;
	s5 =	simm.s32 $0xFFFFFFFF;
	p2 =	slt.u32 s8, $0xFFFFF086  }
0x1c: {  	p1 =	slt.u32 s9, $0xF7A;
	s5 =	simm.s32 @!p2 $0x0  }
0x1d: {  	s5 =	simm.s32 @p1 $0x1;
	p0 =	seq.s32 s7, s2  }
0x1e: {  	s7 =	smul.u32 @!p0 $0xF7A, s2;
	p2 =	seq.s32 @!p0 s5, $0x0  }
0x1f: {  	s9 =	smul.u32 $0xF7A, s1;
	s8 =	simm.s32 @!p0 $0x1BF5;
	p2 =	por !p2, p0  }
0x20: {  	[sflag:s8] =	ssyncset.s32 @!p0 $0xFFFFF086;
	s6 =	sadd.s32 @!p0 s3, s7;
	s7 =	simm.s32 @!p0 $0x108  }
0x21: {  	s3 =	sadd.s32 s3, s9;
	s6 =	sadd.s32 @!p0 $0x88, s6;
	s7 =	simm.s32 @p2 $0x1082  }
0x22: {  	[simem:s7], [sflag:s8] =	dma.local @!p0 [hbm:s6], $0xF7A  }
0x23: {  	s9 =	sor.u32 $0xD0000000, s2;
	s6 =	simm.s32 $0x108;
	_ =	swait.ge @!p0 [sflag:s8], $0x0  }
0x24: {  	s3 =	sadd.s32 $0x88, s3;
	s6 =	simm.s32 @!p1 $0x1082;
	[sflag:s4] =	ssyncset.s32 $0xFFFFF086  }
0x25: {  	[simem:s6], [sflag:s4] =	dma.local [hbm:s3], $0xF7A  }
0x26: {  	[smem:$0x3FA0] =	sst s1;
	(tag) =	ssettag s2;
	_ =	strace s9  }
0x27: {  	s1 =	sld [smem:$0x3FB0]  }
0x28: {  	s2 =	sld [smem:$0x3FB1]  }
0x29: {  	s4 =	sld [smem:$0x3FB3]  }
0x2a: {  	p0 =	seq.s32 s5, $0x0;
	s5 =	sld [smem:$0x3FB4]  }
0x2b: {  	s6 =	sld [smem:$0x3FB5]  }
0x2c: {  	s7 =	sld [smem:$0x3FB6]  }
0x2d: {  	s3 =	simm.s32 $0x108;
	s8 =	sld [smem:$0x3FB7]  }
0x2e: {  	s3 =	simm.s32 @!p0 $0x1082;
	s9 =	sld [smem:$0x3FB8]  }
0x2f: {  	lr =	sadd.s32 s0, s3;
	s0 =	sld [smem:$0x3FAF]  }
0x30: {  	s3 =	sld [smem:$0x3FB2]  }
0x31: {  	[smem:$0x3FBB] =	sst s10  }
0x32: {  	s10 =	sld [smem:$0x3FB9];
	_ =	sdelay $0x3  }
0x33: {  	p0 =	seq.s32 s10, $0x1;
	s10 =	sld [smem:$0x3FBB];
	_ =	sdelay $0x3  }
0x34: {  	[smem:$0x3FBB] =	sst s10  }
0x35: {  	s10 =	sld [smem:$0x3FBA];
	_ =	sdelay $0x3  }
0x36: {  	p1 =	seq.s32 s10, $0x1;
	s10 =	sld [smem:$0x3FBB];
	_ =	sdelay $0x3  }
0x37: {  	[smem:$0x3FBB] =	sst s10  }
0x38: {  	s10 =	sld [smem:$0x3FBC]  }
0x39: {  	_ = 	snop;
	(pc) =	sbr.ind lr, $3  }
0x3a: {  	_ = 	snop  }
0x3b: {  	_ = 	snop  }
0x3c: {  	p2 =	seq.s32 s10, $0x1;
	s10 =	sld [smem:$0x3FBB]  }
0x3d: {  	_ =	shalt  }
0x3e: {  	_ =	shalt  }
0x3f: {  	_ =	shalt  }
0x40: {  	_ =	shalt  }
0x41: {  	_ =	shalt  }
0x42: {  	_ =	shalt  }
0x43: {  	_ =	shalt  }
0x44: {  	_ =	shalt  }
0x45: {  	_ =	shalt  }
0x46: {  	_ =	shalt  }
0x47: {  	_ =	shalt  }
0x48: {  	_ =	shalt  }
0x49: {  	_ =	shalt  }
0x4a: {  	_ =	shalt  }
0x4b: {  	_ =	shalt  }
0x4c: {  	_ =	shalt  }
0x4d: {  	_ =	shalt  }
0x4e: {  	_ =	shalt  }
0x4f: {  	_ =	shalt  }
0x50: {  	_ =	shalt  }
0x51: {  	_ =	shalt  }
0x52: {  	_ =	shalt  }
0x53: {  	_ =	shalt  }
0x54: {  	_ =	shalt  }
0x55: {  	_ =	shalt  }
0x56: {  	_ =	shalt  }
0x57: {  	_ =	shalt  }
0x58: {  	_ =	shalt  }
0x59: {  	_ =	shalt  }
0x5a: {  	_ =	shalt  }
0x5b: {  	_ =	shalt  }
0x5c: {  	_ =	shalt  }
0x5d: {  	_ =	shalt  }
0x5e: {  	_ =	shalt  }
0x5f: {  	_ =	shalt  }
0x60: {  	_ =	shalt  }
0x61: {  	_ =	shalt  }
0x62: {  	_ =	shalt  }
0x63: {  	_ =	shalt  }
0x64: {  	_ =	shalt  }
0x65: {  	_ =	shalt  }
0x66: {  	_ =	shalt  }
0x67: {  	_ =	shalt  }
0x68: {  	_ =	shalt  }
0x69: {  	_ =	shalt  }
0x6a: {  	_ =	shalt  }
0x6b: {  	_ =	shalt  }
0x6c: {  	_ =	shalt  }
0x6d: {  	_ =	shalt  }
0x6e: {  	_ =	shalt  }
0x6f: {  	_ =	shalt  }
0x70: {  	_ =	shalt  }
0x71: {  	_ =	shalt  }
0x72: {  	_ =	shalt  }
0x73: {  	_ =	shalt  }
0x74: {  	_ =	shalt  }
0x75: {  	_ =	shalt  }
0x76: {  	_ =	shalt  }
0x77: {  	_ =	shalt  }
0x78: {  	_ =	shalt  }
0x79: {  	_ =	shalt  }
0x7a: {  	_ =	shalt  }
0x7b: {  	_ =	shalt  }
0x7c: {  	_ =	shalt  }
0x7d: {  	_ =	shalt  }
0x7e: {  	_ =	shalt  }
0x7f: {  	_ =	shalt  }
0x80: {  	_ =	shalt  }
0x81: {  	_ =	shalt  }
0x82: {  	_ =	shalt  }
0x83: {  	_ =	shalt  }
0x84: {  	_ =	shalt  }
0x85: {  	_ =	shalt  }
0x86: {  	_ =	shalt  }
0x87: {  	_ =	shalt  }
.Lfunc_end0:
.L_simem_size_0:
called_computation.1_lowered:
.L_overlay_start_0:
0x88: {  	s2 =	sld [smem:$0x3FD9]  }
0x89: {  	s3 =	sld [smem:$0x3FFE];
	_ =	sdelay $0x1  }
0x8a: {  	s1 =	srdreg.scid  }
0x8b: {  	s0 =	sand.u32 $0x1, s1  }
0x8c: {  	s17 =	sshll.u32 s0, $0xA;
	s2 =	sadd.s32 s3, s2  }
0x8d: {  	s2 =	sadd.s32 s2, s17  }
0x8e: {  	[smem:$0x3FC7] =	sst s2  }
0x8f: {  	_ = 	snop  }
0x90: {  	s2 =	sld [smem:$0x3FC9]  }
0x91: {  	s18 =	sld [smem:$0x3FD0];
	(tm) =	ssettm $0x1  }
0x92: {  	s4 =	sld [smem:$0x3FFB];
	_ =	sdelay $0x3  }
0x93: {  	_ =	strace s4  }
0x94: {  	s4 =	sld [smem:$0x3FFC];
	_ =	sdelay $0x3  }
0x95: {  	_ =	strace s4  }
0x96: {  	s4 =	sld [smem:$0x3FFD];
	_ =	sdelay $0x3  }
0x97: {  	_ =	strace s4  }
0x98: {  	_ =	strace $0x8FFFFFFF  }
0x99: {  	s19 =	sld [smem:$0x3FDB];
	_ =	sdelay $0x1  }
0x9a: {  	s5 =	simm.s32 $_scs_section_size  }
0x9b: {  	s6 =	simm.s32 $_size__tile_overlayer_lowered;
	s7 =	simm.s32 $_tile_overlayer_lowered  }
0x9c: {  	s22 =	simm.s32 $0x1BFF;
	s21 =	sshll.u32 s7, $0x1;
	s4 =	sadd.s32 s5, s19  }
0x9d: {  	s8 =	simm.s32 $0x0;
	s20 =	sshll.u32 s6, $0x1;
	s6 =	sadd.s32 s21, s4  }
0x9e: {  	[timem:s8], [sflag:s22] =	dma.local [hbm:s6], s20  }
0x9f: {  	_ =	swait.ge [sflag:s22], s20  }
0xa0: {  	s5 =	ssub.s32 $0x0, s20;
	[sflag:s22] =	ssyncset.done $0x0  }
0xa1: {  	[sflag:s22] =	ssyncadd.s32 s5;
	_ =	sdelay $0x1  }
0xa2: {  	s23 =	simm.s32 $0x1B8B  }
0xa3: {  	_ =	swait.ge [sflag:s23], $0x1  }
0xa4: {  	[sflag:s23] =	ssyncset.done $0x0  }
0xa5: {  	s25 =	simm.s32 $0x1B8E;
	s24 =	sld [smem:$0x3FFE];
	[sflag:s23] =	ssyncadd.s32 $0xFFFFFFFF  }
0xa6: {  	s26 =	simm.s32 $execute0_lowered;
	[smem:$0x3FD2] =	sst s25  }
0xa7: {  	s6 =	sshll.u32 s26, $0x1;
	_ =	strace $0x80000049;
	[dreg:$0x1] =	wrdreg $0xFFFFFFFF  }
0xa8: {  	s28 =	simm.s32 $_size_execute0_lowered;
	s4 =	sadd.s32 s4, s6;
	[dreg:$0x0] =	wrdreg $0x0  }
0xa9: {  	s6 =	sshll.u32 s28, $0x1;
	[dreg:$0x2] =	wrdreg s4  }
0xaa: {  	[dreg:$0x3] =	wrdreg s6  }
0xab: {  	[dreg:$0x4] =	wrdreg $0xC0  }
0xac: {  	_ =	task [dreg:s8], $0x5FFFF  }
0xad: {  	[dreg:$0x1] =	wrdreg $0xFFFFFFFF  }
0xae: {  	[dreg:$0x0] =	wrdreg $0x60  }
0xaf: {  	[dreg:$0x2] =	wrdreg s24  }
0xb0: {  	[dreg:$0x3] =	wrdreg s18  }
0xb1: {  	[dreg:$0x4] =	wrdreg s2  }
0xb2: {  	[dreg:$0x5] =	wrdreg $0x9  }
0xb3: {  	_ =	task.clear_ibuf [dreg:s8], $0x6FFFF;
	_ =	strace $0x90000049  }
0xb4: {  	s29 =	simm.s32 $0x9;
	_ =	strace $0x8000004B  }
0xb5: {  	_ =	swait.ge [sflag:s29], $0x1  }
0xb6: {  	[sflag:s29] =	ssyncadd.s32 $0xFFFFFFFF  }
0xb7: {  	_ =	strace $0x9000004B  }
0xb8: {  	_ =	sfence  }
0xb9: {  	s30 =	sld [smem:$0x0];
	_ =	sdelay $0x2  }
0xba: {  	s31 =	sshll.u32 s1, $0xD;
	s1 =	sshrl.u32 s1, $0x2  }
0xbb: {  	s3 =	sand.u32 $0x4000, s31;
	s1 =	sadd.s32 s1, s30  }
0xbc: {  	s0 =	sor.u32 s3, s0;
	s1 =	sshll.u32 s1, $0x11  }
0xbd: {  	s0 =	sor.u32 s1, s0  }
0xbe: {  	s0 =	sadd.s32 $0x8F2B, s0  }
0xbf: {  	[sflag:s0] =	ssyncadd.remote.s32 $0x1  }
0xc0: {  	_ =	sfence.sel $0xFFFF  }
0xc1: {  	[dreg:$0x0] =	wrdreg $0xFFFFFFFF;
	(pc) =	sbr.abs _section_cstart, $3  }
0xc2: {  	[dreg:$0x1] =	wrdreg $0xFFFFFFFF  }
0xc3: {  	_ =	task.clear_ibuf [dreg:s8], $0x2FFFF;
	_ =	strace $0x9FFFFFFF  }
0xc4: {  	(tm) =	ssettm $0x7FFFFFFF  }
0xc5: {  	_ =	shalt  }
tec
execute0_lowered:
.L_overlay_start_1:
0x0: {  	(tag) =	ssettag $0x1  }
0x1: {  	s0 =	srdreg.scid;
	s1 =	rddreg [dreg:$0x0]  }
0x2: {  	s4 =	stileid.u32;
	s3 =	rddreg [dreg:$0x1]  }
0x3: {  	s9 =	simm.s32 $0x0;
	s0 =	sand.u32 $0x1, s0;
	s2 =	sshll.u32 s4, $0x1  }
0x4: {  	s4 =	sshrl.u32 s4, $0x2;
	[smem:$0x7FF] =	sst s9;
	s2 =	sor.u32 s0, s2  }
0x5: {  	s6 =	smul.u32 $0x14000, s4;
	_ =	strace $0x8000004A;
	s5 =	sshll.u32 s2, $0x7  }
0x6: {  	s0 =	ssub.s32 $0x2, s0;
	s4 =	sshll.u32 s4, $0xA;
	s5 =	sand.u32 $0x380, s5  }
0x7: {  	s7 =	smul.u32 $0x2710, s2;
	s8 =	sshrl.u32 s0, $0x1;
	s6 =	sor.u32 s6, s5  }
0x8: {  	s2 =	sshll.u32 s2, $0xA;
	s0 =	ssub.s32 s0, s8;
	s6 =	sshrl.u32 s6, $0x3  }
0x9: {  	s29 =	sor.u32 s4, s5;
	s0 =	smax.u32 s0, $0x1;
	s6 =	sadd.s32 s6, s1  }
0xa: {  	[dreg:$0x8] =	wrdreg s0;
	s1 =	sadd.s32 s2, s1;
	s30 =	sadd.s32 $0xB000, s6  }
0xb: {  	v1 =	vimm.s32 $0x0;
	s2 =	sshrl.u32 s29, $0x3;
	s31 =	sadd.s32 $0x1000, s6;
	[dreg:$0x4] =	wrdreg s30  }
0xc: {  	vm7 =	vcmask $0x1F1C;
	vm8 =	vcmask $0x2320;
	vm9 =	vcmask $0x2724;
	s2 =	sadd.s32 s3, s2;
	[dreg:$0x5] =	wrdreg s31  }
0xd: {  	vm10 =	vcmask $0x2B28;
	vm11 =	vcmask $0x2F2C;
	vm12 =	vcmask $0x3330;
	s1 =	sadd.s32 $0x15000, s1;
	[dreg:$0x6] =	wrdreg s2  }
0xe: {  	vm13 =	vcmask $0x3734;
	vm14 =	vcmask $0x3B38;
	v0 =	vmov s7;
	s3 =	simm.s32 $0x1;
	[dreg:$0x7] =	wrdreg s1;
	s2 =	simm.s32 $0x0  }
.LBB2_1:
0xf: {  	[dreg:$0x9] =	wrdreg s2  }
0x10: {  	s0 =	rddreg [dreg:$0x4];
	s1 =	simm.s32 $0x80;
	s28 =	simm.s32 $0x400  }
0x11: {  	[tilespmem:s9], [sflag:$0x1] =	stream.strided.gather [hbm4b:s0+s1], $0x2800, s28, s1, $0x38;
	[tilespmem:$0x7400] =	vst v63  }
0x12: {  	s18 =	simm.s32 $0x2800;
	s29 =	rddreg [dreg:$0x5]  }
0x13: {  	[tilespmem:s18], [sflag:$0x1] =	stream.strided.gather [hbm4b:s29+s1], $0x2800, s28, s1, $0x38;
	[tilespmem:$0x7400] =	vst v63  }
0x14: {  	s30 =	rddreg [dreg:$0x6];
	s31 =	simm.s32 $0x5000  }
0x15: {  	[tilespmem:s31], [sflag:$0x1] =	stream.linear.gather [hbm4b:s30+s9], $0x80, $0x38;
	[tilespmem:$0x7400] =	vst v63  }
0x16: {  	_ =	swait.ge [sflag:s3], $0x2800  }
0x17: {  	[sflag:s3] =	ssyncset.done $0x0  }
0x18: {  	[sflag:s3] =	ssyncadd.s32 $0xFFFFD800  }
0x19: {  	_ =	swait.ge [sflag:s3], $0x2800  }
0x1a: {  	[sflag:s3] =	ssyncset.done $0x0  }
0x1b: {  	[sflag:s3] =	ssyncadd.s32 $0xFFFFD800  }
0x1c: {  	_ =	swait.ge [sflag:s3], $0x80  }
0x1d: {  	[sflag:s3] =	ssyncset.done $0x0  }
0x1e: {  	[sflag:s3] =	ssyncadd.s32 $0xFFFFFF80  }
0x1f: {  	v3 =	vld [tilespmem:$0x5000]  }
.Ltmp0:
0x20: {  	_ = 	snop;
	(pc) =	sbr.rel .LBB2_2-.Ltmp0, $3  }
0x21: {  	_ =	sdelay $0x1  }
0x22: {  	s19 =	simm.s32 $0xF;
	s20 =	simm.s32 $0x0;
	[smem:$0x80] =	sst s9  }
0x23: {  	s21 =	simm.s32 $0x0;
	s22 =	simm.s32 $0x0;
	[smem:$0x81] =	sst s9;
	v2 =	vbroadcast v3, $0x0;
	v4 =	vbroadcast v3, $0x1  }
.LBB2_4:
0x24: {  	s19 =	sadd.s32 $0x10, s19  }
0x25: {  	p0 =	sne.s32 s19, $0x280F  }
.Ltmp1:
0x26: {  	_ = 	snop;
	(pc) =	sbr.rel @!p0 .LBB2_5-.Ltmp1, $2  }
0x27: {  	_ =	sdelay $0x2  }
0x28: {  	s18 =	sadd.s32 $0x10, s18;
	s20 =	sadd.s32 $0x10, s20  }
.LBB2_2:
0x29: {  	v7 =	vld [tilespmem:s18+$0x0];
	_ =	sdelay $0x4  }
0x2a: {  	(v2sf) =	vpush v7, $0xF;
	_ =	sdelay $0xe  }
0x2b: {  	s0 =	spop (v2sf)  }
0x2c: {  	p0 =	slt.s32 s0, $0x1  }
.Ltmp2:
0x2d: {  	_ = 	snop;
	(pc) =	sbr.rel @p0 .LBB2_4-.Ltmp2, $1  }
0x2e: {  	_ =	sdelay $0x3  }
0x2f: {  	v5 =	vld [tilespmem:s20+$0x0];
	_ =	sdelay $0x1  }
0x30: {  	v6 =	vmov s21  }
0x31: {  	v8 =	vmov s22;
	v6 =	vadd.s32 $0xFFFFFFFF, v6  }
0x32: {  	v8 =	vadd.s32 $0xFFFFFFFF, v8;
	v9 =	vbroadcast v6, $0x0  }
0x33: {  	v6 =	vand.u32 $0xFFFF, v7;
	vm0 =	vlt.s32 v5, $0x0;
	v10 =	vxor.u32 $0x7FFFFFFF, v5  }
0x34: {  	v8 =	vbroadcast v8, $0x0;
	v9 =	vadd.s32 v6, v9;
	v5 =	vsel vm0, v10, v5  }
0x35: {  	v7 =	vshrl.u32 v7, $0x10;
	vm1 =	vlt.s32 v9, v4;
	vm0 =	veq.s32 v5, v2  }
0x36: {  	v8 =	vadd.s32 v7, v8;
	vm0 =	vmand vm0, vm1;
	vm1 =	vgt.s32 v5, v2  }
0x37: {  	v8 =	vnsel vm1, $0x90, v8;
	v9 =	vnsel vm0, $0x90, v9  }
0x38: {  	(v2sf) =	vpush v8, $0x0;
	v9 =	vadd.s32 $0x5280, v9  }
0x39: {  	(v2sf) =	vpush v9, $0x1  }
0x3a: {  	(v2sf) =	vpush v9, $0x0  }
0x3b: {  	(v2sf) =	vpush v8, $0x1;
	_ =	sdelay $0x2  }
0x3c: {  	(v2sf) =	vpush v8, $0x2  }
0x3d: {  	(v2sf) =	vpush v9, $0x3  }
0x3e: {  	(v2sf) =	vpush v9, $0x2  }
0x3f: {  	(v2sf) =	vpush v8, $0x3;
	_ =	sdelay $0x2  }
0x40: {  	(v2sf) =	vpush v8, $0x4  }
0x41: {  	(v2sf) =	vpush v9, $0x5  }
0x42: {  	v10 =	vbroadcast v5, $0x0;
	(v2sf) =	vpush v9, $0x4  }
0x43: {  	s0 =	sadd.s32 $0xFFFFFFF1, s19;
	s1 =	spop (v2sf);
	(v2sf) =	vpush v8, $0x5  }
0x44: {  	v11 =	vmov s0;
	[tilespmem:s1+$0x5080] =	vst v10;
	s5 =	spop (v2sf)  }
0x45: {  	v45 =	vbroadcast v5, $0x1;
	[tilespmem:s1+$0x5180] =	vst v11;
	s6 =	spop (v2sf)  }
0x46: {  	s7 =	sadd.s32 $0xFFFFFFF2, s19;
	(v2sf) =	vpush v8, $0x6;
	[tilespmem:s6+$0x0] =	vst v11;
	s2 =	spop (v2sf)  }
0x47: {  	v46 =	vmov s7;
	(v2sf) =	vpush v9, $0x7;
	[tilespmem:s2+$0x5080] =	vst v45  }
0x48: {  	v47 =	vbroadcast v5, $0x2;
	(v2sf) =	vpush v9, $0x6;
	[tilespmem:s2+$0x5180] =	vst v46  }
0x49: {  	s8 =	sadd.s32 $0xFFFFFFF3, s19;
	s9 =	spop (v2sf);
	(v2sf) =	vpush v8, $0x7;
	[tilespmem:s5+$0x0] =	vst v46  }
0x4a: {  	v48 =	vmov s8;
	s10 =	spop (v2sf);
	[tilespmem:s9+$0x5080] =	vst v47  }
0x4b: {  	v49 =	vbroadcast v5, $0x3;
	[tilespmem:s9+$0x5180] =	vst v48;
	s11 =	spop (v2sf)  }
0x4c: {  	s12 =	sadd.s32 $0xFFFFFFF4, s19;
	(v2sf) =	vpush v8, $0x8;
	[tilespmem:s11+$0x0] =	vst v48;
	s13 =	spop (v2sf)  }
0x4d: {  	v50 =	vmov s12;
	(v2sf) =	vpush v9, $0x9;
	[tilespmem:s13+$0x5080] =	vst v49  }
0x4e: {  	v51 =	vbroadcast v5, $0x4;
	(v2sf) =	vpush v9, $0x8;
	[tilespmem:s13+$0x5180] =	vst v50  }
0x4f: {  	s14 =	sadd.s32 $0xFFFFFFF5, s19;
	s15 =	spop (v2sf);
	(v2sf) =	vpush v8, $0x9;
	[tilespmem:s10+$0x0] =	vst v50  }
0x50: {  	v52 =	vmov s14;
	s16 =	spop (v2sf);
	[tilespmem:s15+$0x5080] =	vst v51  }
0x51: {  	v53 =	vbroadcast v5, $0x5;
	[tilespmem:s15+$0x5180] =	vst v52;
	s17 =	spop (v2sf)  }
0x52: {  	s23 =	sadd.s32 $0xFFFFFFF6, s19;
	[tilespmem:s17+$0x0] =	vst v52;
	s24 =	spop (v2sf);
	(v2sf) =	vpush v8, $0xA  }
0x53: {  	v54 =	vmov s23;
	[tilespmem:s24+$0x5080] =	vst v53;
	(v2sf) =	vpush v9, $0xB  }
0x54: {  	v55 =	vbroadcast v5, $0x6;
	[tilespmem:s24+$0x5180] =	vst v54;
	(v2sf) =	vpush v9, $0xA  }
0x55: {  	s25 =	sadd.s32 $0xFFFFFFF7, s19;
	s26 =	spop (v2sf);
	[tilespmem:s16+$0x0] =	vst v54;
	(v2sf) =	vpush v8, $0xB  }
0x56: {  	v56 =	vmov s25;
	s28 =	spop (v2sf);
	[tilespmem:s26+$0x5080] =	vst v55  }
0x57: {  	v57 =	vbroadcast v5, $0x7;
	[tilespmem:s26+$0x5180] =	vst v56;
	s29 =	spop (v2sf)  }
0x58: {  	s30 =	sadd.s32 $0xFFFFFFF8, s19;
	[tilespmem:s29+$0x0] =	vst v56;
	s31 =	spop (v2sf);
	(v2sf) =	vpush v8, $0xC  }
0x59: {  	v58 =	vmov s30;
	[tilespmem:s31+$0x5080] =	vst v57;
	(v2sf) =	vpush v9, $0xD  }
0x5a: {  	v59 =	vbroadcast v5, $0x8;
	[tilespmem:s31+$0x5180] =	vst v58;
	(v2sf) =	vpush v9, $0xC  }
0x5b: {  	s1 =	sadd.s32 $0xFFFFFFF9, s19;
	s2 =	spop (v2sf);
	[tilespmem:s28+$0x0] =	vst v58;
	(v2sf) =	vpush v8, $0xD  }
0x5c: {  	v60 =	vmov s1;
	s3 =	spop (v2sf);
	[tilespmem:s2+$0x5080] =	vst v59  }
0x5d: {  	v61 =	vbroadcast v5, $0x9;
	[tilespmem:s2+$0x5180] =	vst v60;
	s4 =	spop (v2sf);
	(v2sf) =	vpush v8, $0xE  }
0x5e: {  	s5 =	sadd.s32 $0xFFFFFFFA, s19;
	[tilespmem:s4+$0x0] =	vst v60;
	s6 =	spop (v2sf);
	(v2sf) =	vpush v9, $0xF  }
0x5f: {  	v62 =	vmov s5;
	[tilespmem:s6+$0x5080] =	vst v61;
	(v2sf) =	vpush v9, $0xE  }
0x60: {  	v63 =	vbroadcast v5, $0xA;
	[tilespmem:s6+$0x5180] =	vst v62;
	(v2sf) =	vpush v8, $0xF  }
0x61: {  	s7 =	sadd.s32 $0xFFFFFFFB, s19;
	[tilespmem:s3+$0x0] =	vst v62;
	s8 =	spop (v2sf);
	(v2sf) =	vpush v7, $0xF  }
0x62: {  	v7 =	vmov s7;
	[tilespmem:s8+$0x5080] =	vst v63;
	s9 =	spop (v2sf);
	(v2sf) =	vpush v6, $0xF  }
0x63: {  	[tilespmem:s8+$0x5180] =	vst v7;
	v6 =	vbroadcast v5, $0xB;
	s10 =	spop (v2sf)  }
0x64: {  	s12 =	sadd.s32 $0xFFFFFFFC, s19;
	s11 =	spop (v2sf);
	[tilespmem:s10+$0x0] =	vst v7  }
0x65: {  	v7 =	vmov s12;
	[tilespmem:s11+$0x5080] =	vst v6  }
0x66: {  	[tilespmem:s11+$0x5180] =	vst v7;
	v6 =	vbroadcast v5, $0xC  }
0x67: {  	s14 =	sadd.s32 $0xFFFFFFFD, s19;
	s13 =	spop (v2sf);
	[tilespmem:s9+$0x0] =	vst v7  }
0x68: {  	s15 =	spop (v2sf);
	v7 =	vmov s14;
	[tilespmem:s13+$0x5080] =	vst v6  }
0x69: {  	s16 =	spop (v2sf);
	[tilespmem:s13+$0x5180] =	vst v7;
	v6 =	vbroadcast v5, $0xD  }
0x6a: {  	s23 =	sadd.s32 $0xFFFFFFFE, s19;
	s17 =	spop (v2sf);
	[tilespmem:s16+$0x0] =	vst v7  }
0x6b: {  	v7 =	vmov s23;
	[tilespmem:s17+$0x5080] =	vst v6  }
0x6c: {  	s24 =	spop (v2sf);
	[tilespmem:s17+$0x5180] =	vst v7;
	v6 =	vbroadcast v5, $0xE  }
0x6d: {  	s26 =	sadd.s32 $0xFFFFFFFF, s19;
	s25 =	spop (v2sf);
	[tilespmem:s15+$0x0] =	vst v7  }
0x6e: {  	v7 =	vmov s26;
	s28 =	spop (v2sf);
	[tilespmem:s24+$0x5080] =	vst v6  }
.Ltmp3:
0x6f: {  	v5 =	vbroadcast v5, $0xF;
	[tilespmem:s24+$0x5180] =	vst v7;
	s29 =	spop (v2sf);
	(pc) =	sbr.rel .LBB2_4-.Ltmp3, $4  }
0x70: {  	[tilespmem:s28+$0x0] =	vst v7;
	s30 =	spop (v2sf)  }
0x71: {  	v6 =	vmov s19;
	[tilespmem:s29+$0x5080] =	vst v5;
	s22 =	sadd.s32 s30, s22;
	s31 =	spop (v2sf)  }
0x72: {  	[tilespmem:s29+$0x5180] =	vst v6;
	[smem:$0x80] =	sst s22;
	s21 =	sadd.s32 s31, s21  }
0x73: {  	[tilespmem:s25+$0x0] =	vst v6;
	[smem:$0x81] =	sst s21  }
.LBB2_5:
0x74: {  	(v2sf) =	vpush v3, $0x1;
	_ =	sdelay $0xe  }
0x75: {  	s0 =	spop (v2sf)  }
0x76: {  	s1 =	ssub.s32 $0x50C0, s0  }
0x77: {  	[tilespmem:s1+$0x0] =	vst v2  }
0x78: {  	v3 =	vld [tilespmem:$0x5280];
	_ =	sdelay $0x3  }
0x79: {  	s24 =	ssub.s32 $0x51C0, s0  }
0x7a: {  	s25 =	ssub.s32 $0x50D0, s0;
	[tilespmem:s24+$0x0] =	vst v3  }
0x7b: {  	[tilespmem:s25+$0x0] =	vst v2  }
0x7c: {  	v3 =	vld [tilespmem:$0x5290];
	_ =	sdelay $0x3  }
0x7d: {  	s26 =	ssub.s32 $0x51D0, s0  }
0x7e: {  	s28 =	ssub.s32 $0x50E0, s0;
	[tilespmem:s26+$0x0] =	vst v3  }
0x7f: {  	[tilespmem:s28+$0x0] =	vst v2  }
0x80: {  	v3 =	vld [tilespmem:$0x52A0];
	_ =	sdelay $0x3  }
0x81: {  	s29 =	ssub.s32 $0x51E0, s0  }
0x82: {  	s30 =	ssub.s32 $0x50F0, s0;
	[tilespmem:s29+$0x0] =	vst v3  }
0x83: {  	[tilespmem:s30+$0x0] =	vst v2  }
0x84: {  	v2 =	vld [tilespmem:$0x52B0];
	_ =	sdelay $0x3  }
0x85: {  	s0 =	ssub.s32 $0x51F0, s0  }
0x86: {  	[tilespmem:s0+$0x0] =	vst v2  }
0x87: {  	v16 =	vld [tilespmem:$0x5080]  }
0x88: {  	v14 =	vld [tilespmem:$0x5090]  }
0x89: {  	v9 =	vld [tilespmem:$0x50A0]  }
0x8a: {  	v4 =	vld [tilespmem:$0x50B0]  }
0x8b: {  	v13 =	vld [tilespmem:$0x5180]  }
0x8c: {  	s31 =	simm.s32 $0x0;
	v2 =	vld [tilespmem:$0x51B0]  }
0x8d: {  	v12 =	vld.msk [tilespmem:s31+$0x5080 ss:$0x0], $0xffff  }
0x8e: {  	v6 =	vld.msk [tilespmem:s31+$0x5180 ss:$0x0], $0xffff  }
0x8f: {  	v10 =	vld [tilespmem:$0x5190]  }
0x90: {  	v17 =	vimm.s32 $0x0;
	v5 =	vld [tilespmem:$0x51A0]  }
0x91: {  	v15 =	vimm.s32 $0x0;
	v11 =	vimm.s32 $0x0;
	v3 =	vimm.s32 $0x0  }
0x92: {  	vm0 =	veq.s32 v12, v16;
	vm15 =	veq.s32 v12, v14;
	vm2 =	veq.s32 v12, v9  }
0x93: {  	vm1 =	vlt.s32 v6, v13;
	vm3 =	veq.s32 v12, v4;
	vm4 =	vlt.s32 v6, v2  }
0x94: {  	vm5 =	vlt.s32 v6, v10;
	vm6 =	vgt.s32 v12, v4;
	vm3 =	vmand vm3, vm4  }
0x95: {  	s1 =	simm.s32 $0x1;
	vm1 =	vmand vm0, vm1;
	vm4 =	vlt.s32 v6, v5;
	vm3 =	vmor vm6, vm3  }
0x96: {  	s0 =	simm.s32 $0x8;
	vm0 =	vmand vm15, vm5;
	v6 =	vld.msk [tilespmem:s1+$0x5080 ss:$0x0], $0xffff;
	vm15 =	vmand vm2, vm4;
	v7 =	vsel vm3, $0x1, v1  }
.LBB2_6:
0x97: {  	p0 =	sne.s32 s0, $0xFC;
	v8 =	vld.msk [tilespmem:s1+$0x5180 ss:$0x0], $0xffff;
	vm2 =	vgt.s32 v12, v16;
	vm3 =	vgt.s32 v12, v14;
	v3 =	vadd.s32 v7, v3  }
0x98: {  	vm1 =	vmor vm2, vm1;
	vm0 =	vmor vm3, vm0;
	vm2 =	vgt.s32 v12, v9  }
0x99: {  	v7 =	vsel vm1, $0x1, v1;
	v12 =	vsel vm0, $0x1, v1;
	vm0 =	vmor vm2, vm15  }
0x9a: {  	v17 =	vadd.s32 v7, v17;
	v15 =	vadd.s32 v12, v15;
	v7 =	vsel vm0, $0x1, v1  }
0x9b: {  	v11 =	vadd.s32 v7, v11  }
.Ltmp4:
0x9c: {  	vm0 =	veq.s32 v6, v16;
	vm2 =	veq.s32 v6, v14;
	vm3 =	veq.s32 v6, v9;
	v12 =	vmovc v6;
	(pc) =	sbr.rel @p0 .LBB2_6-.Ltmp4, $4  }
0x9d: {  	vm1 =	vlt.s32 v8, v13;
	vm5 =	vlt.s32 v8, v2;
	vm4 =	veq.s32 v12, v4  }
0x9e: {  	vm6 =	vlt.s32 v8, v10;
	vm15 =	vgt.s32 v12, v4;
	vm4 =	vmand vm4, vm5  }
0x9f: {  	s1 =	sshra.s32 s0, $0x2;
	vm1 =	vmand vm0, vm1;
	vm5 =	vlt.s32 v8, v5;
	vm4 =	vmor vm15, vm4  }
0xa0: {  	s0 =	sadd.s32 $0x4, s0;
	vm0 =	vmand vm2, vm6;
	vm15 =	vmand vm3, vm5;
	v6 =	vld.msk [tilespmem:s1+$0x5080 ss:$0x0], $0xffff;
	v7 =	vsel vm4, $0x1, v1  }
0xa1: {  	v8 =	vld.msk [tilespmem:s1+$0x5180 ss:$0x0], $0xffff;
	_ =	sdelay $0x4  }
0xa2: {  	vm2 =	vgt.s32 v12, v16;
	vm3 =	veq.s32 v6, v16;
	vm4 =	vlt.s32 v8, v13  }
0xa3: {  	vm1 =	vmor vm2, vm1;
	vm2 =	vmand vm3, vm4;
	vm3 =	vgt.s32 v6, v16  }
0xa4: {  	v53 =	vsel vm1, $0x1, v1;
	vm1 =	vmor vm3, vm2  }
0xa5: {  	v16 =	vadd.s32 v53, v17;
	v54 =	vsel vm1, $0x1, v1  }
0xa6: {  	(v2sf) =	vpush v13, $0x0;
	v16 =	vadd.s32 v54, v16  }
0xa7: {  	(v2sf) =	vpush v16, $0x0  }
0xa8: {  	(v2sf) =	vpush v13, $0x1  }
0xa9: {  	(v2sf) =	vpush v16, $0x1  }
0xaa: {  	(v2sf) =	vpush v13, $0x2  }
0xab: {  	(v2sf) =	vpush v16, $0x2  }
0xac: {  	(v2sf) =	vpush v13, $0x3  }
0xad: {  	(v2sf) =	vpush v16, $0x3  }
0xae: {  	(v2sf) =	vpush v13, $0x4  }
0xaf: {  	(v2sf) =	vpush v16, $0x4  }
0xb0: {  	(v2sf) =	vpush v13, $0x5  }
0xb1: {  	(v2sf) =	vpush v16, $0x5  }
0xb2: {  	(v2sf) =	vpush v13, $0x6  }
0xb3: {  	(v2sf) =	vpush v16, $0x6  }
0xb4: {  	(v2sf) =	vpush v13, $0x7  }
0xb5: {  	s0 =	spop (v2sf);
	(v2sf) =	vpush v16, $0x7  }
0xb6: {  	s2 =	spop (v2sf);
	(v2sf) =	vpush v13, $0x8  }
0xb7: {  	s1 =	spop (v2sf);
	(v2sf) =	vpush v16, $0x8  }
0xb8: {  	s4 =	spop (v2sf);
	(v2sf) =	vpush v13, $0x9  }
0xb9: {  	s3 =	spop (v2sf);
	(v2sf) =	vpush v16, $0x9  }
0xba: {  	s6 =	spop (v2sf);
	(v2sf) =	vpush v13, $0xA  }
0xbb: {  	s5 =	spop (v2sf);
	(v2sf) =	vpush v16, $0xA  }
0xbc: {  	s8 =	spop (v2sf);
	(v2sf) =	vpush v13, $0xB  }
0xbd: {  	s7 =	spop (v2sf)  }
0xbe: {  	(v2sf) =	vpush v16, $0xB;
	s10 =	spop (v2sf)  }
0xbf: {  	s9 =	spop (v2sf)  }
0xc0: {  	s11 =	spop (v2sf)  }
0xc1: {  	[smem:s2] =	sst s0;
	(v2sf) =	vpush v13, $0xC;
	s12 =	spop (v2sf)  }
0xc2: {  	[smem:s4] =	sst s1;
	s13 =	spop (v2sf)  }
0xc3: {  	[smem:s6] =	sst s3;
	(v2sf) =	vpush v16, $0xC;
	s14 =	spop (v2sf)  }
0xc4: {  	[smem:s8] =	sst s5;
	s15 =	spop (v2sf)  }
0xc5: {  	[smem:s10] =	sst s7;
	s16 =	spop (v2sf)  }
0xc6: {  	(v2sf) =	vpush v13, $0xD;
	[smem:s11] =	sst s9;
	s18 =	spop (v2sf)  }
0xc7: {  	[smem:s13] =	sst s12;
	s17 =	spop (v2sf)  }
0xc8: {  	(v2sf) =	vpush v16, $0xD;
	[smem:s15] =	sst s14;
	s21 =	spop (v2sf)  }
0xc9: {  	[smem:s18] =	sst s16;
	s19 =	spop (v2sf)  }
0xca: {  	[smem:s21] =	sst s17;
	s20 =	spop (v2sf)  }
0xcb: {  	(v2sf) =	vpush v13, $0xE;
	[dreg:$0x10] =	wrdreg s20;
	s24 =	spop (v2sf)  }
0xcc: {  	[dreg:$0xc] =	wrdreg s24  }
0xcd: {  	(v2sf) =	vpush v16, $0xE;
	s25 =	spop (v2sf);
	s9 =	rddreg [dreg:$0x10]  }
0xce: {  	[dreg:$0x16] =	wrdreg s25  }
0xcf: {  	vm2 =	vlt.s32 v8, v10;
	vm1 =	vgt.s32 v12, v14;
	[smem:s9] =	sst s19  }
0xd0: {  	vm0 =	vmor vm1, vm0;
	vm1 =	veq.s32 v6, v14;
	(v2sf) =	vpush v13, $0xF;
	s26 =	spop (v2sf);
	s10 =	rddreg [dreg:$0xc]  }
0xd1: {  	vm1 =	vmand vm1, vm2;
	vm2 =	vgt.s32 v6, v14;
	[dreg:$0x11] =	wrdreg s26  }
0xd2: {  	v55 =	vsel vm0, $0x1, v1;
	vm0 =	vmor vm2, vm1;
	(v2sf) =	vpush v16, $0xF;
	s28 =	spop (v2sf);
	s11 =	rddreg [dreg:$0x16]  }
0xd3: {  	v56 =	vadd.s32 v55, v15;
	v57 =	vsel vm0, $0x1, v1;
	[dreg:$0x1b] =	wrdreg s28  }
0xd4: {  	v13 =	vadd.s32 v57, v56;
	(v2sf) =	vpush v10, $0x0;
	[smem:s11] =	sst s10  }
0xd5: {  	(v2sf) =	vpush v13, $0x0;
	s29 =	spop (v2sf);
	s12 =	rddreg [dreg:$0x11]  }
0xd6: {  	(v2sf) =	vpush v10, $0x1;
	[dreg:$0x12] =	wrdreg s29  }
0xd7: {  	s30 =	spop (v2sf);
	s13 =	rddreg [dreg:$0x1b]  }
0xd8: {  	(v2sf) =	vpush v13, $0x1;
	[dreg:$0x1c] =	wrdreg s30  }
0xd9: {  	(v2sf) =	vpush v10, $0x2;
	[smem:s13] =	sst s12  }
0xda: {  	s31 =	spop (v2sf);
	s14 =	rddreg [dreg:$0x12]  }
0xdb: {  	(v2sf) =	vpush v13, $0x2;
	[dreg:$0xd] =	wrdreg s31  }
0xdc: {  	(v2sf) =	vpush v10, $0x3;
	s22 =	spop (v2sf);
	s15 =	rddreg [dreg:$0x1c]  }
0xdd: {  	[dreg:$0x17] =	wrdreg s22  }
0xde: {  	(v2sf) =	vpush v13, $0x3;
	[smem:s15] =	sst s14  }
0xdf: {  	(v2sf) =	vpush v10, $0x4;
	s23 =	spop (v2sf);
	s16 =	rddreg [dreg:$0xd]  }
0xe0: {  	[dreg:$0xe] =	wrdreg s23  }
0xe1: {  	(v2sf) =	vpush v13, $0x4;
	s24 =	spop (v2sf);
	s17 =	rddreg [dreg:$0x17]  }
0xe2: {  	[dreg:$0x18] =	wrdreg s24  }
0xe3: {  	(v2sf) =	vpush v10, $0x5;
	s25 =	spop (v2sf);
	[smem:s17] =	sst s16  }
0xe4: {  	[dreg:$0xa] =	wrdreg s25;
	s26 =	spop (v2sf)  }
0xe5: {  	(v2sf) =	vpush v13, $0x5;
	[dreg:$0x13] =	wrdreg s26;
	s28 =	spop (v2sf)  }
0xe6: {  	(v2sf) =	vpush v10, $0x6;
	[dreg:$0xb] =	wrdreg s28  }
0xe7: {  	(v2sf) =	vpush v13, $0x6;
	s29 =	spop (v2sf);
	s3 =	rddreg [dreg:$0x13]  }
0xe8: {  	(v2sf) =	vpush v10, $0x7;
	[dreg:$0x14] =	wrdreg s29;
	s30 =	spop (v2sf)  }
0xe9: {  	(v2sf) =	vpush v13, $0x7;
	[dreg:$0xf] =	wrdreg s30  }
0xea: {  	(v2sf) =	vpush v10, $0x8;
	s31 =	spop (v2sf);
	s5 =	rddreg [dreg:$0x14]  }
0xeb: {  	(v2sf) =	vpush v13, $0x8;
	[dreg:$0x19] =	wrdreg s31;
	s22 =	spop (v2sf)  }
0xec: {  	(v2sf) =	vpush v10, $0x9;
	[dreg:$0x15] =	wrdreg s22  }
0xed: {  	(v2sf) =	vpush v13, $0x9;
	s23 =	spop (v2sf);
	s7 =	rddreg [dreg:$0x19]  }
0xee: {  	(v2sf) =	vpush v10, $0xA;
	[dreg:$0x1d] =	wrdreg s23;
	s24 =	spop (v2sf)  }
0xef: {  	(v2sf) =	vpush v13, $0xA;
	[dreg:$0x1a] =	wrdreg s24  }
0xf0: {  	s25 =	spop (v2sf);
	s9 =	rddreg [dreg:$0x1d]  }
0xf1: {  	(v2sf) =	vpush v10, $0xB;
	[dreg:$0x1f] =	wrdreg s25  }
0xf2: {  	(v2sf) =	vpush v13, $0xB;
	s26 =	spop (v2sf);
	s10 =	rddreg [dreg:$0x1a]  }
0xf3: {  	(v2sf) =	vpush v10, $0xC;
	[dreg:$0x1e] =	wrdreg s26  }
0xf4: {  	(v2sf) =	vpush v13, $0xC;
	s28 =	spop (v2sf);
	s11 =	rddreg [dreg:$0x1f]  }
0xf5: {  	(v2sf) =	vpush v10, $0xD;
	[smem:$0x7DE] =	sst s28;
	s29 =	spop (v2sf)  }
0xf6: {  	(v2sf) =	vpush v13, $0xD;
	[smem:$0x7DF] =	sst s29;
	s30 =	spop (v2sf)  }
0xf7: {  	vm1 =	veq.s32 v6, v9;
	vm2 =	vlt.s32 v8, v5;
	(v2sf) =	vpush v10, $0xE;
	[smem:$0x7E0] =	sst s30;
	s31 =	spop (v2sf)  }
0xf8: {  	vm0 =	vgt.s32 v12, v9;
	vm1 =	vmand vm1, vm2;
	(v2sf) =	vpush v13, $0xE;
	[smem:$0x7E1] =	sst s31;
	s22 =	spop (v2sf)  }
0xf9: {  	vm2 =	vgt.s32 v6, v9;
	vm0 =	vmor vm0, vm15;
	(v2sf) =	vpush v10, $0xF;
	[smem:$0x7E2] =	sst s22;
	s23 =	spop (v2sf)  }
0xfa: {  	v58 =	vsel vm0, $0x1, v1;
	vm0 =	vmor vm2, vm1;
	(v2sf) =	vpush v13, $0xF;
	[smem:$0x7E3] =	sst s23;
	s24 =	spop (v2sf)  }
0xfb: {  	v9 =	vadd.s32 v58, v11;
	v59 =	vsel vm0, $0x1, v1;
	(v2sf) =	vpush v5, $0x0;
	[smem:$0x7E4] =	sst s24;
	s25 =	spop (v2sf)  }
0xfc: {  	v9 =	vadd.s32 v59, v9;
	[smem:$0x7E5] =	sst s25;
	s26 =	spop (v2sf)  }
0xfd: {  	(v2sf) =	vpush v9, $0x0;
	[smem:$0x7E6] =	sst s26;
	s28 =	spop (v2sf)  }
0xfe: {  	[smem:$0x7E7] =	sst s28;
	s29 =	spop (v2sf)  }
0xff: {  	[smem:$0x7E8] =	sst s29  }
0x100: {  	s30 =	spop (v2sf);
	s1 =	sld [smem:$0x7E7]  }
0x101: {  	[smem:$0x7E9] =	sst s30;
	s31 =	spop (v2sf)  }
0x102: {  	(v2sf) =	vpush v5, $0x1;
	[smem:$0x7EA] =	sst s31;
	s22 =	spop (v2sf)  }
0x103: {  	[smem:$0x7EB] =	sst s22;
	s23 =	spop (v2sf)  }
0x104: {  	[smem:$0x7EC] =	sst s23;
	s24 =	spop (v2sf)  }
0x105: {  	[smem:$0x7ED] =	sst s24;
	s25 =	spop (v2sf)  }
0x106: {  	[smem:$0x7EE] =	sst s25;
	s26 =	spop (v2sf)  }
0x107: {  	(v2sf) =	vpush v9, $0x1;
	[smem:$0x7EF] =	sst s26;
	s28 =	spop (v2sf)  }
0x108: {  	[smem:$0x7F0] =	sst s28;
	s29 =	spop (v2sf)  }
0x109: {  	[smem:$0x7F1] =	sst s29;
	s31 =	spop (v2sf)  }
0x10a: {  	s29 =	rddreg [dreg:$0xe];
	s30 =	spop (v2sf)  }
0x10b: {  	[smem:$0x7F2] =	sst s30  }
0x10c: {  	(v2sf) =	vpush v5, $0x2;
	s2 =	spop (v2sf);
	s30 =	rddreg [dreg:$0x18]  }
0x10d: {  	[smem:$0x7F3] =	sst s2  }
0x10e: {  	[smem:s30] =	sst s29  }
0x10f: {  	s2 =	rddreg [dreg:$0xa]  }
0x110: {  	s29 =	rddreg [dreg:$0x1e]  }
0x111: {  	s4 =	spop (v2sf);
	s30 =	sld [smem:$0x7DE]  }
0x112: {  	[smem:$0x7F4] =	sst s4  }
0x113: {  	[smem:s3] =	sst s2  }
0x114: {  	s4 =	rddreg [dreg:$0xb]  }
0x115: {  	s2 =	sld [smem:$0x7DF]  }
0x116: {  	s6 =	spop (v2sf);
	s3 =	sld [smem:$0x7E0]  }
0x117: {  	[smem:$0x7F5] =	sst s6  }
0x118: {  	[smem:s5] =	sst s4  }
0x119: {  	s6 =	rddreg [dreg:$0xf]  }
0x11a: {  	s4 =	sld [smem:$0x7E1]  }
0x11b: {  	s8 =	spop (v2sf);
	s5 =	sld [smem:$0x7E2]  }
0x11c: {  	(v2sf) =	vpush v9, $0x2;
	[smem:$0x7F6] =	sst s8  }
0x11d: {  	(v2sf) =	vpush v5, $0x3;
	[smem:s7] =	sst s6  }
0x11e: {  	(v2sf) =	vpush v9, $0x3;
	s8 =	rddreg [dreg:$0x15]  }
0x11f: {  	(v2sf) =	vpush v5, $0x4;
	s6 =	sld [smem:$0x7E3]  }
0x120: {  	(v2sf) =	vpush v9, $0x4;
	s7 =	sld [smem:$0x7E4]  }
0x121: {  	(v2sf) =	vpush v5, $0x5;
	[smem:s9] =	sst s8  }
0x122: {  	(v2sf) =	vpush v9, $0x5;
	[smem:s11] =	sst s10  }
0x123: {  	(v2sf) =	vpush v5, $0x6;
	[smem:s30] =	sst s29  }
0x124: {  	(v2sf) =	vpush v9, $0x6;
	s29 =	sld [smem:$0x7E5]  }
0x125: {  	(v2sf) =	vpush v5, $0x7;
	s30 =	sld [smem:$0x7E6]  }
0x126: {  	(v2sf) =	vpush v9, $0x7;
	[smem:s3] =	sst s2  }
0x127: {  	(v2sf) =	vpush v5, $0x8;
	s2 =	sld [smem:$0x7E8]  }
0x128: {  	(v2sf) =	vpush v9, $0x8;
	s3 =	sld [smem:$0x7E9]  }
0x129: {  	(v2sf) =	vpush v5, $0x9;
	[smem:s5] =	sst s4  }
0x12a: {  	(v2sf) =	vpush v9, $0x9;
	s5 =	sld [smem:$0x7EA]  }
0x12b: {  	(v2sf) =	vpush v5, $0xA;
	s26 =	spop (v2sf);
	[smem:s7] =	sst s6  }
0x12c: {  	(v2sf) =	vpush v9, $0xA;
	s28 =	spop (v2sf);
	[smem:s30] =	sst s29  }
0x12d: {  	(v2sf) =	vpush v5, $0xB;
	s24 =	spop (v2sf);
	s29 =	sld [smem:$0x7EB]  }
0x12e: {  	(v2sf) =	vpush v9, $0xB;
	s25 =	spop (v2sf);
	s30 =	sld [smem:$0x7EC]  }
0x12f: {  	(v2sf) =	vpush v5, $0xC;
	s22 =	spop (v2sf);
	[smem:s2] =	sst s1  }
0x130: {  	(v2sf) =	vpush v9, $0xC;
	s23 =	spop (v2sf);
	s1 =	sld [smem:$0x7ED]  }
0x131: {  	(v2sf) =	vpush v5, $0xD;
	s20 =	spop (v2sf);
	[smem:s5] =	sst s3  }
0x132: {  	(v2sf) =	vpush v9, $0xD;
	s21 =	spop (v2sf);
	s3 =	sld [smem:$0x7EE]  }
0x133: {  	vm1 =	vlt.s32 v8, v2;
	vm0 =	veq.s32 v6, v4;
	(v2sf) =	vpush v5, $0xE;
	s19 =	spop (v2sf);
	[smem:s30] =	sst s29  }
0x134: {  	vm0 =	vmand vm0, vm1;
	vm1 =	vgt.s32 v6, v4;
	(v2sf) =	vpush v9, $0xE;
	s18 =	spop (v2sf);
	s29 =	sld [smem:$0x7EF]  }
0x135: {  	vm0 =	vmor vm1, vm0;
	(v2sf) =	vpush v5, $0xF;
	s17 =	spop (v2sf);
	s30 =	sld [smem:$0x7F0]  }
0x136: {  	v3 =	vadd.s32 v7, v3;
	v60 =	vsel vm0, $0x1, v1;
	(v2sf) =	vpush v9, $0xF;
	s16 =	spop (v2sf)  }
0x137: {  	v3 =	vadd.s32 v60, v3;
	(v2sf) =	vpush v2, $0x0;
	s14 =	spop (v2sf);
	[smem:s3] =	sst s1  }
0x138: {  	(v2sf) =	vpush v3, $0x0;
	s15 =	spop (v2sf);
	[smem:s30] =	sst s29  }
0x139: {  	s29 =	sld [smem:$0x7F1];
	(v2sf) =	vpush v2, $0x1;
	s12 =	spop (v2sf)  }
0x13a: {  	(v2sf) =	vpush v3, $0x1;
	s13 =	spop (v2sf)  }
0x13b: {  	s30 =	sld [smem:$0x7F2];
	(v2sf) =	vpush v2, $0x2;
	s10 =	spop (v2sf)  }
0x13c: {  	[smem:s31] =	sst s29;
	(v2sf) =	vpush v3, $0x2;
	s11 =	spop (v2sf)  }
0x13d: {  	s29 =	sld [smem:$0x7F3];
	(v2sf) =	vpush v2, $0x3;
	s8 =	spop (v2sf)  }
0x13e: {  	(v2sf) =	vpush v3, $0x3;
	s9 =	spop (v2sf)  }
0x13f: {  	(v2sf) =	vpush v2, $0x4;
	s6 =	spop (v2sf)  }
0x140: {  	[smem:s29] =	sst s30;
	(v2sf) =	vpush v3, $0x4;
	s7 =	spop (v2sf)  }
0x141: {  	s29 =	sld [smem:$0x7F4];
	(v2sf) =	vpush v2, $0x5;
	s4 =	spop (v2sf)  }
0x142: {  	s30 =	sld [smem:$0x7F5];
	(v2sf) =	vpush v3, $0x5;
	s5 =	spop (v2sf)  }
0x143: {  	(v2sf) =	vpush v2, $0x6;
	s2 =	spop (v2sf)  }
0x144: {  	(v2sf) =	vpush v3, $0x6;
	s3 =	spop (v2sf)  }
0x145: {  	[smem:s30] =	sst s29;
	(v2sf) =	vpush v2, $0x7;
	s0 =	spop (v2sf)  }
0x146: {  	s30 =	sld [smem:$0x7F6];
	(v2sf) =	vpush v3, $0x7;
	s1 =	spop (v2sf)  }
0x147: {  	(v2sf) =	vpush v2, $0x8;
	s31 =	spop (v2sf)  }
0x148: {  	(v2sf) =	vpush v3, $0x8;
	s29 =	spop (v2sf)  }
0x149: {  	[smem:s26] =	sst s30;
	(v2sf) =	vpush v2, $0x9;
	s26 =	spop (v2sf)  }
0x14a: {  	[smem:s24] =	sst s28;
	(v2sf) =	vpush v3, $0x9;
	s24 =	spop (v2sf)  }
0x14b: {  	[smem:s22] =	sst s25;
	(v2sf) =	vpush v2, $0xA;
	s22 =	spop (v2sf)  }
0x14c: {  	[smem:s20] =	sst s23;
	(v2sf) =	vpush v3, $0xA;
	s20 =	spop (v2sf)  }
0x14d: {  	[smem:s19] =	sst s21;
	s19 =	spop (v2sf);
	(v2sf) =	vpush v2, $0xB  }
0x14e: {  	[smem:s17] =	sst s18;
	s17 =	spop (v2sf);
	(v2sf) =	vpush v3, $0xB  }
0x14f: {  	[smem:s14] =	sst s16;
	s21 =	spop (v2sf);
	(v2sf) =	vpush v2, $0xC  }
0x150: {  	[smem:s12] =	sst s15;
	s23 =	spop (v2sf);
	(v2sf) =	vpush v3, $0xC  }
0x151: {  	[smem:s10] =	sst s13;
	s25 =	spop (v2sf);
	(v2sf) =	vpush v2, $0xD  }
0x152: {  	[smem:s8] =	sst s11;
	s28 =	spop (v2sf);
	(v2sf) =	vpush v3, $0xD  }
0x153: {  	[smem:s6] =	sst s9;
	s30 =	spop (v2sf);
	(v2sf) =	vpush v2, $0xE  }
0x154: {  	[smem:s4] =	sst s7;
	s7 =	spop (v2sf);
	(v2sf) =	vpush v3, $0xE  }
0x155: {  	[smem:s2] =	sst s5;
	s9 =	spop (v2sf);
	(v2sf) =	vpush v2, $0xF  }
0x156: {  	[smem:s0] =	sst s3;
	s11 =	spop (v2sf);
	(v2sf) =	vpush v3, $0xF  }
0x157: {  	[smem:s31] =	sst s1;
	s13 =	spop (v2sf)  }
0x158: {  	[smem:s26] =	sst s29;
	s15 =	spop (v2sf)  }
0x159: {  	[smem:s22] =	sst s24;
	s16 =	spop (v2sf)  }
0x15a: {  	[smem:s19] =	sst s20;
	s18 =	spop (v2sf)  }
0x15b: {  	[smem:s21] =	sst s17;
	s20 =	spop (v2sf)  }
0x15c: {  	[smem:s25] =	sst s23;
	s21 =	spop (v2sf)  }
0x15d: {  	[smem:s30] =	sst s28;
	s22 =	spop (v2sf)  }
0x15e: {  	[smem:s9] =	sst s7;
	s23 =	spop (v2sf)  }
0x15f: {  	[smem:s13] =	sst s11;
	s24 =	spop (v2sf)  }
0x160: {  	[smem:s16] =	sst s15;
	s25 =	spop (v2sf)  }
0x161: {  	[smem:s20] =	sst s18;
	s26 =	spop (v2sf)  }
0x162: {  	[smem:s22] =	sst s21;
	s28 =	spop (v2sf)  }
0x163: {  	[smem:s24] =	sst s23;
	s29 =	spop (v2sf)  }
0x164: {  	[smem:s26] =	sst s25;
	s30 =	spop (v2sf)  }
0x165: {  	[smem:s29] =	sst s28;
	s31 =	spop (v2sf)  }
0x166: {  	[smem:s31] =	sst s30  }
0x167: {  	s7 =	sld [smem:$0x0]  }
0x168: {  	s9 =	sld [smem:$0x1]  }
0x169: {  	s10 =	sld [smem:$0x2]  }
0x16a: {  	s12 =	sld [smem:$0x3]  }
0x16b: {  	s13 =	sld [smem:$0x4]  }
0x16c: {  	s14 =	sld [smem:$0x5]  }
0x16d: {  	s15 =	sld [smem:$0x6]  }
0x16e: {  	s16 =	sld [smem:$0x7]  }
0x16f: {  	s17 =	sld [smem:$0x8]  }
0x170: {  	s18 =	sld [smem:$0x9]  }
0x171: {  	s19 =	sld [smem:$0xA]  }
0x172: {  	s20 =	sld [smem:$0xB]  }
0x173: {  	s21 =	sld [smem:$0xC]  }
0x174: {  	s22 =	sld [smem:$0xD]  }
0x175: {  	s23 =	sld [smem:$0xE]  }
0x176: {  	s24 =	sld [smem:$0xF]  }
0x177: {  	s25 =	sld [smem:$0x10]  }
0x178: {  	s26 =	sld [smem:$0x11]  }
0x179: {  	s28 =	sld [smem:$0x12]  }
0x17a: {  	s29 =	sld [smem:$0x13]  }
0x17b: {  	s30 =	sld [smem:$0x14]  }
0x17c: {  	s31 =	sld [smem:$0x15]  }
0x17d: {  	s11 =	sld [smem:$0x16]  }
0x17e: {  	s8 =	sld [smem:$0x17]  }
0x17f: {  	s0 =	sld [smem:$0x18]  }
0x180: {  	s1 =	sld [smem:$0x19]  }
0x181: {  	s2 =	sld [smem:$0x1A]  }
0x182: {  	s3 =	sld [smem:$0x1B]  }
0x183: {  	s4 =	sld [smem:$0x1C]  }
0x184: {  	s5 =	sld [smem:$0x1D]  }
0x185: {  	s6 =	sld [smem:$0x1E]  }
0x186: {  	[smem:$0x7F7] =	sst s0  }
0x187: {  	[smem:$0x7F8] =	sst s1  }
0x188: {  	[smem:$0x7F9] =	sst s2  }
0x189: {  	[smem:$0x7FA] =	sst s3  }
0x18a: {  	[smem:$0x7FB] =	sst s4  }
0x18b: {  	[smem:$0x7FC] =	sst s5  }
0x18c: {  	[smem:$0x7FD] =	sst s6  }
0x18d: {  	s0 =	sld [smem:$0x1F]  }
0x18e: {  	s1 =	sld [smem:$0x20]  }
0x18f: {  	s2 =	sld [smem:$0x21]  }
0x190: {  	s3 =	sld [smem:$0x22]  }
0x191: {  	v2 =	vmov s24;
	s24 =	sld [smem:$0x23]  }
0x192: {  	s4 =	sld [smem:$0x24]  }
0x193: {  	s5 =	sld [smem:$0x25]  }
0x194: {  	vm0 =	vcmask $0x300;
	s6 =	sld [smem:$0x26]  }
0x195: {  	vm1 =	vcmask $0x704;
	v2 =	vsel vm0, s7, v2;
	s7 =	sld [smem:$0x27]  }
0x196: {  	vm2 =	vcmask $0xB08;
	v2 =	vsel vm1, s9, v2;
	s9 =	sld [smem:$0x2D]  }
0x197: {  	vm3 =	vcmask $0xF0C;
	v2 =	vsel vm2, s10, v2;
	s10 =	sld [smem:$0x2C]  }
0x198: {  	v3 =	vmov s0;
	v2 =	vsel vm3, s12, v2;
	s12 =	sld [smem:$0x2B]  }
0x199: {  	vm4 =	vcmask $0x1310;
	v3 =	vsel vm0, s25, v3;
	s25 =	sld [smem:$0x32]  }
0x19a: {  	v2 =	vsel vm4, s13, v2;
	s13 =	sld [smem:$0x28]  }
0x19b: {  	vm5 =	vcmask $0x1714;
	v3 =	vsel vm1, s26, v3;
	s26 =	sld [smem:$0x33]  }
0x19c: {  	vm6 =	vcmask $0x1B18;
	v2 =	vsel vm5, s14, v2;
	s14 =	sld [smem:$0x29]  }
0x19d: {  	v3 =	vsel vm2, s28, v3;
	s28 =	sld [smem:$0x34];
	v2 =	vsel vm6, s15, v2  }
0x19e: {  	s15 =	sld [smem:$0x2A];
	v2 =	vsel vm7, s16, v2  }
0x19f: {  	v3 =	vsel vm3, s29, v3;
	s29 =	sld [smem:$0x35];
	v2 =	vsel vm8, s17, v2  }
0x1a0: {  	s16 =	sld [smem:$0x2E];
	v2 =	vsel vm9, s18, v2  }
0x1a1: {  	v3 =	vsel vm4, s30, v3;
	s30 =	sld [smem:$0x36];
	v2 =	vsel vm10, s19, v2  }
0x1a2: {  	v2 =	vsel vm11, s20, v2;
	s20 =	sld [smem:$0x2F]  }
0x1a3: {  	v3 =	vsel vm5, s31, v3;
	s31 =	sld [smem:$0x37]  }
0x1a4: {  	s17 =	sld [smem:$0x3C]  }
0x1a5: {  	v2 =	vsel vm12, s21, v2;
	s21 =	sld [smem:$0x3F];
	v61 =	vmov s20  }
0x1a6: {  	v2 =	vsel vm13, s22, v2;
	s22 =	sld [smem:$0x30];
	v4 =	vsel vm0, s1, v61  }
0x1a7: {  	v2 =	vsel vm14, s23, v2;
	s23 =	sld [smem:$0x31];
	v4 =	vsel vm1, s2, v4  }
0x1a8: {  	v3 =	vsel vm6, s11, v3;
	s11 =	sld [smem:$0x7F9];
	v62 =	vmov s21;
	v4 =	vsel vm2, s3, v4  }
0x1a9: {  	s18 =	sld [smem:$0x7FB];
	v5 =	vsel vm0, s22, v62;
	v4 =	vsel vm3, s24, v4  }
0x1aa: {  	v3 =	vsel vm7, s8, v3;
	s8 =	sld [smem:$0x3A];
	v5 =	vsel vm1, s23, v5;
	v4 =	vsel vm4, s4, v4  }
0x1ab: {  	v5 =	vsel vm2, s25, v5;
	s4 =	sld [smem:$0x7F7];
	v4 =	vsel vm5, s5, v4  }
0x1ac: {  	v5 =	vsel vm3, s26, v5;
	s5 =	sld [smem:$0x38];
	v4 =	vsel vm6, s6, v4  }
0x1ad: {  	v5 =	vsel vm4, s28, v5;
	v4 =	vsel vm7, s7, v4;
	s7 =	sld [smem:$0x7F8]  }
0x1ae: {  	v5 =	vsel vm5, s29, v5;
	s6 =	sld [smem:$0x39];
	v4 =	vsel vm8, s13, v4  }
0x1af: {  	v3 =	vsel vm8, s4, v3;
	v5 =	vsel vm6, s30, v5;
	v4 =	vsel vm9, s14, v4;
	s14 =	sld [smem:$0x7FA]  }
0x1b0: {  	s20 =	sld [smem:$0x7FC];
	v5 =	vsel vm7, s31, v5;
	v3 =	vsel vm9, s7, v3  }
0x1b1: {  	v2 =	vadd.s32 v0, v2;
	s13 =	sld [smem:$0x3B];
	v5 =	vsel vm8, s5, v5;
	v3 =	vsel vm10, s11, v3  }
0x1b2: {  	s22 =	sld [smem:$0x7FD];
	v4 =	vsel vm10, s15, v4;
	v5 =	vsel vm9, s6, v5;
	v3 =	vsel vm11, s14, v3  }
0x1b3: {  	s19 =	sld [smem:$0x3D];
	v4 =	vsel vm11, s12, v4;
	v5 =	vsel vm10, s8, v5;
	v3 =	vsel vm12, s18, v3  }
0x1b4: {  	s21 =	sld [smem:$0x3E];
	v4 =	vsel vm12, s10, v4;
	v5 =	vsel vm11, s13, v5;
	v3 =	vsel vm13, s20, v3  }
0x1b5: {  	v4 =	vsel vm13, s9, v4;
	v5 =	vsel vm12, s17, v5;
	v3 =	vsel vm14, s22, v3  }
0x1b6: {  	[tilespmem:$0x5380] =	vst v2;
	v63 =	vsel vm13, s19, v5;
	v2 =	vadd.s32 v0, v3;
	v3 =	vsel vm14, s16, v4  }
0x1b7: {  	[tilespmem:$0x5390] =	vst v2;
	v2 =	vadd.s32 v0, v3;
	v3 =	vsel vm14, s21, v63  }
0x1b8: {  	s23 =	rddreg [dreg:$0x2];
	s3 =	simm.s32 $0x1;
	[tilespmem:$0x53A0] =	vst v2;
	v2 =	vadd.s32 v0, v3  }
0x1b9: {  	s24 =	simm.s32 $0x40;
	s25 =	simm.s32 $0x5380;
	s26 =	simm.s32 $0x5400;
	[tilespmem:$0x53B0] =	vst v2  }
0x1ba: {  	[tilespmem:s26], [sflag:$0x1] =	stream.indirect.gather [hbm4b:s23+s24], $0x80, s25, s24, $0xb8;
	[tilespmem:$0x7400] =	vst v63  }
0x1bb: {  	_ =	swait.ge [sflag:s3], $0x2000  }
0x1bc: {  	s29 =	simm.s32 $0x2;
	[sflag:s3] =	ssyncset.done $0x0  }
0x1bd: {  	s9 =	simm.s32 $0x0;
	s28 =	rddreg [dreg:$0x7];
	[sflag:s3] =	ssyncadd.s32 $0xFFFFE000  }
0x1be: {  	[hbm4b:s28+s9] =	stream.linear.scatter [tilespmem:s26], [sflag:$0x2], $0x2000, $0x38;
	[tilespmem:$0x7400] =	vst v63  }
0x1bf: {  	_ =	swait.ge [sflag:s29], $0x2000  }
0x1c0: {  	s30 =	rddreg [dreg:$0x9]  }
0x1c1: {  	s31 =	rddreg [dreg:$0x8];
	s2 =	sadd.s32 $0x1, s30  }
0x1c2: {  	p0 =	sne.s32 s2, s31  }
.Ltmp5:
0x1c3: {  	_ = 	snop;
	(pc) =	sbr.rel @p0 .LBB2_1-.Ltmp5, $3  }
0x1c4: {  	_ =	sdelay $0x1  }
0x1c5: {  	[sflag:s29] =	ssyncset.done $0x0  }
0x1c6: {  	[sflag:s29] =	ssyncadd.s32 $0xFFFFE000  }
0x1c7: {  	_ =	sfence.sel $0x180000  }
0x1c8: {  	[bflag:$0x0] =	sbarrier.arrive $0xFFFF  }
0x1c9: {  	_ =	strace $0x9000004A  }
0x1ca: {  	s0 =	stileid.u32;
	[bflag:$0x2] =	sbarrier.arrive $0xFFFF  }
0x1cb: {  	p0 =	sne.s32 s0, $0x0;
	s0 =	rddreg [dreg:$0x3]  }
0x1cc: {  	s0 =	sadd.s32 @!p0 $0x100000, s0  }
0x1cd: {  	[sflag:s0] =	ssyncadd.tile.s32 @!p0 $0x1;
	_ =	shalt  }
.Lfunc_end2:
_tile_overlayer_lowered:
.L_overlay_start_2:
0x1ce: {  	(tag) =	ssettag $0x2  }
0x1cf: {  	s0 =	rddreg [dreg:$0x0];
	s2 =	stileid.u32  }
0x1d0: {  	s1 =	rddreg [dreg:$0x1];
	p0 =	sne.s32 s2, $0x0  }
0x1d1: {  	s3 =	rddreg [dreg:$0x2];
	[bflag:$0x3] =	sbarrier.arrive $0xFFFF;
	s2 =	simm.s32 @!p0 $0x1C02  }
0x1d2: {  	[timem:s3], [sflag:s2] =	dma.local @!p0 [hbm:s0], s1  }
0x1d3: {  	s0 =	simm.s32 @!p0 $0x2  }
0x1d4: {  	_ =	swait.ge @!p0 [sflag:s0], s1  }
0x1d5: {  	s1 =	ssub.s32 @!p0 $0x0, s1;
	[sflag:s0] =	ssyncset.done @!p0 $0x0  }
0x1d6: {  	[sflag:s0] =	ssyncadd.s32 @!p0 s1  }
0x1d7: {  	[bflag:$0x3] =	sbarrier.arrive $0xFFFF  }
0x1d8: {  	_ =	shalt  }

</sc_bundles>
